<compile_context>
chip_gen: v7x
topology: tpu7x:2x2x1
jax: 0.10.2.dev20260603
libtpu: 0.0.44.dev20260713+nightly
codegen_flags: <defaults>
</compile_context>

<pallas_src>
import functools

import jax
import jax.numpy as jnp
from jax import lax
from jax.experimental import pallas as pl
from jax.experimental.pallas import tpu as pltpu
from jax.experimental.pallas import tpu_sc as plsc

_NC = 2
_NS = 16
_NW = _NC * _NS


def _sc_body(pairs_per_w, a, b, o1, buf, sem_in, sem_out):
    wid = lax.axis_index("s") * _NC + lax.axis_index("c")
    base = wid * pairs_per_w
    jobs = []
    for j in range(pairs_per_w):
        r = base + j
        jobs.append((b, r, 0))
        jobs.append((a, r, 1))
    nj = len(jobs)

    def start_in(i, slot):
        src, r, s = jobs[i]
        return pltpu.async_copy(src.at[r, s], buf.at[slot], sem_in)

    def start_out(i, slot):
        _, r, s = jobs[i]
        return pltpu.async_copy(buf.at[slot], o1.at[r, s], sem_out)

    ins = [None, None]
    outs = [None, None]
    ins[0] = start_in(0, 0)
    for i in range(nj):
        slot = i % 2
        nslot = (i + 1) % 2
        if i + 1 < nj:
            if outs[nslot] is not None:
                outs[nslot].wait()
            ins[nslot] = start_in(i + 1, nslot)
        ins[slot].wait()
        outs[slot] = start_out(i, slot)
    for o in outs:
        if o is not None:
            o.wait()


def _tc_body(a_ref, b_ref, o2_ref):
    o2_ref[:, 0] = a_ref[:, 0]
    o2_ref[:, 1] = b_ref[:, 0]


def kernel(x1, x2):
    N, C, H, W = x1.shape
    R = N * C // 2
    pairs_per_w = R // _NW
    a = x1.reshape(R, 2, H, W)
    b = x2.reshape(R, 2, H, W)

    mesh = plsc.VectorSubcoreMesh(core_axis_name="c", subcore_axis_name="s")
    sc_run = pl.kernel(
        functools.partial(_sc_body, pairs_per_w),
        out_type=jax.ShapeDtypeStruct((R, 2, H, W), jnp.float32),
        mesh=mesh,
        scratch_types=[
            pltpu.VMEM((2, H, W), jnp.float32),
            pltpu.SemaphoreType.DMA,
            pltpu.SemaphoreType.DMA,
        ],
    )
    o1 = sc_run(a, b)

    BP = 8
    nblk = R // BP
    o2 = pl.pallas_call(
        _tc_body,
        grid=(nblk,),
        in_specs=[
            pl.BlockSpec((BP, 1, H, W), lambda i: (nblk - 1 - i, 0, 0, 0)),
            pl.BlockSpec((BP, 1, H, W), lambda i: (nblk - 1 - i, 1, 0, 0)),
        ],
        out_specs=pl.BlockSpec((BP, 2, H, W), lambda i: (nblk - 1 - i, 0, 0, 0)),
        out_shape=jax.ShapeDtypeStruct((R, 2, H, W), jnp.float32),
    )(a, b)

    return o1.reshape(N, C, H, W), o2.reshape(N, C, H, W)

# --- scband reference (transcript-rebuilt; emitter-appended) ---
"""Pipeline reference for scband-perturb-exchange-24807731101835 (READ-ONLY COPY).

The authoritative reference and input builder live on the scoring server;
editing this copy changes nothing except your own understanding.
"""

import jax, jax.numpy as jnp
import numpy as np

P = 2

def setup_inputs(seed: int = 0) -> dict:
    key = jax.random.key(seed)
    k1, k2 = jax.random.split(key)
    x1 = jax.random.normal(k1, (4, 192, 224, 224), dtype=jnp.float32)
    x2 = jax.random.normal(k2, (4, 192, 224, 224), dtype=jnp.float32)
    return {"x1": x1, "x2": x2}

def reference(x1, x2):
    N, c, h, w = x1.shape
    # channels with index % p == 0 are exchanged between x1 and x2
    negative_map = (jnp.arange(c) % P) == 0  # [c]
    # expand to [N, c] then broadcast over spatial dims -> [N, c, 1, 1]
    exchange_mask = negative_map[None, :, None, None]
    # out_x1: keep x1 where mask is False, take x2 where mask is True (scatter-overwrite semantics)
    out_x1 = jnp.where(exchange_mask, x2, x1)
    out_x2 = jnp.where(exchange_mask, x1, x2)
    return (out_x1, out_x2)

if __name__ == "__main__":
    import jax
    _d = setup_inputs()
    print(jax.jit(kernel)(*tuple(_d.values())))

</pallas_src>

<mosaic_0001>
#map = affine_map<(d0, d1) -> (0, 0, 0, 0)>
module attributes {stable_mosaic.version = 14 : i64} {
  func.func @_sc_body(%arg0: i32, %arg1: i32, %arg2: memref<384x2x224x224xf32, #tpu.memory_space<hbm>>, %arg3: memref<384x2x224x224xf32, #tpu.memory_space<hbm>>, %arg4: memref<384x2x224x224xf32, #tpu.memory_space<hbm>>, %arg5: memref<2x224x224xf32, #tpu.memory_space<vmem>>, %arg6: memref<!tpu.dma_semaphore, #tpu.memory_space<semaphore_mem>>, %arg7: memref<!tpu.dma_semaphore, #tpu.memory_space<semaphore_mem>>) attributes {dimension_semantics = [#tpu.dimension_semantics<core_parallel>, #tpu.dimension_semantics<subcore_parallel>], iteration_bounds = array<i64: 2, 16>, scalar_prefetch = 0 : i64, scratch_operands = 3 : i64, tpu.core_type = #tpu.core_type<sc_vector_subcore>, window_params = [{transform_indices = #map}, {transform_indices = #map}, {transform_indices = #map}]} {
    %mul3A = arith.constant 2 : i32
    %mul3A_0 = arith.muli %arg1, %mul3A : i32
    %add3A = arith.addi %mul3A_0, %arg0 : i32
    %mul3A_1 = arith.constant 12 : i32
    %mul3A_2 = arith.muli %add3A, %mul3A_1 : i32
    %add3A_3 = arith.constant 0 : i32
    %add3A_4 = arith.addi %mul3A_2, %add3A_3 : i32
    %add3A_5 = arith.constant 1 : i32
    %add3A_6 = arith.addi %mul3A_2, %add3A_5 : i32
    %add3A_7 = arith.constant 2 : i32
    %add3A_8 = arith.addi %mul3A_2, %add3A_7 : i32
    %add3A_9 = arith.constant 3 : i32
    %add3A_10 = arith.addi %mul3A_2, %add3A_9 : i32
    %add3A_11 = arith.constant 4 : i32
    %add3A_12 = arith.addi %mul3A_2, %add3A_11 : i32
    %add3A_13 = arith.constant 5 : i32
    %add3A_14 = arith.addi %mul3A_2, %add3A_13 : i32
    %add3A_15 = arith.constant 6 : i32
    %add3A_16 = arith.addi %mul3A_2, %add3A_15 : i32
    %add3A_17 = arith.constant 7 : i32
    %add3A_18 = arith.addi %mul3A_2, %add3A_17 : i32
    %add3A_19 = arith.constant 8 : i32
    %add3A_20 = arith.addi %mul3A_2, %add3A_19 : i32
    %add3A_21 = arith.constant 9 : i32
    %add3A_22 = arith.addi %mul3A_2, %add3A_21 : i32
    %add3A_23 = arith.constant 10 : i32
    %add3A_24 = arith.addi %mul3A_2, %add3A_23 : i32
    %add3A_25 = arith.constant 11 : i32
    %add3A_26 = arith.addi %mul3A_2, %add3A_25 : i32
    %dma_start3A = arith.constant 0 : i32
    %dma_start3A_27 = arith.constant 0 : i32
    %dma_start3A_28 = arith.constant 0 : i32
    %dma_start3A_29 = arith.constant 0 : i32
    %dma_start3A_30 = tpu.memref_slice %arg5[%dma_start3A_27, %dma_start3A_28, %dma_start3A_29] : memref<2x224x224xf32, #tpu.memory_space<vmem>> -> memref<1x224x224xf32, #tpu.memory_space<vmem>>
    %dma_start3A_31 = tpu.memref_squeeze %dma_start3A_30 : memref<1x224x224xf32, #tpu.memory_space<vmem>> -> memref<224x224xf32, #tpu.memory_space<vmem>>
    %dma_start3A_32 = arith.constant 0 : i32
    %dma_start3A_33 = arith.constant 0 : i32
    %dma_start3A_34 = tpu.memref_slice %arg3[%add3A_4, %dma_start3A, %dma_start3A_32, %dma_start3A_33] : memref<384x2x224x224xf32, #tpu.memory_space<hbm>> -> memref<1x1x224x224xf32, #tpu.memory_space<hbm>>
    %dma_start3A_35 = tpu.memref_squeeze %dma_start3A_34 : memref<1x1x224x224xf32, #tpu.memory_space<hbm>> -> memref<224x224xf32, #tpu.memory_space<hbm>>
    %dma_start3A_36 = arith.constant 0 : i32
    %dma_start3A_37 = arith.constant 0 : i32
    %dma_start3A_38 = tpu.memref_slice %arg5[%dma_start3A_27, %dma_start3A_36, %dma_start3A_37] : memref<2x224x224xf32, #tpu.memory_space<vmem>> -> memref<1x224x224xf32, #tpu.memory_space<vmem>>
    %dma_start3A_39 = tpu.memref_squeeze %dma_start3A_38 : memref<1x224x224xf32, #tpu.memory_space<vmem>> -> memref<224x224xf32, #tpu.memory_space<vmem>>
    %dma_start3A_40 = arith.constant 0 : i32
    %dma_start3A_41 = arith.constant 0 : i32
    %dma_start3A_42 = tpu.memref_slice %arg3[%add3A_4, %dma_start3A, %dma_start3A_40, %dma_start3A_41] : memref<384x2x224x224xf32, #tpu.memory_space<hbm>> -> memref<1x1x224x224xf32, #tpu.memory_space<hbm>>
    %dma_start3A_43 = tpu.memref_squeeze %dma_start3A_42 : memref<1x1x224x224xf32, #tpu.memory_space<hbm>> -> memref<224x224xf32, #tpu.memory_space<hbm>>
    tpu.enqueue_dma source(%dma_start3A_43 : memref<224x224xf32, #tpu.memory_space<hbm>>) target(%dma_start3A_39 : memref<224x224xf32, #tpu.memory_space<vmem>>) target_semaphore(%arg6 : memref<!tpu.dma_semaphore, #tpu.memory_space<semaphore_mem>>)
    %dma_start3A_44 = arith.constant 1 : i32
    %dma_start3A_45 = arith.constant 1 : i32
    %dma_start3A_46 = arith.constant 0 : i32
    %dma_start3A_47 = arith.constant 0 : i32
    %dma_start3A_48 = tpu.memref_slice %arg5[%dma_start3A_45, %dma_start3A_46, %dma_start3A_47] : memref<2x224x224xf32, #tpu.memory_space<vmem>> -> memref<1x224x224xf32, #tpu.memory_space<vmem>>
    %dma_start3A_49 = tpu.memref_squeeze %dma_start3A_48 : memref<1x224x224xf32, #tpu.memory_space<vmem>> -> memref<224x224xf32, #tpu.memory_space<vmem>>
    %dma_start3A_50 = arith.constant 0 : i32
    %dma_start3A_51 = arith.constant 0 : i32
    %dma_start3A_52 = tpu.memref_slice %arg2[%add3A_4, %dma_start3A_44, %dma_start3A_50, %dma_start3A_51] : memref<384x2x224x224xf32, #tpu.memory_space<hbm>> -> memref<1x1x224x224xf32, #tpu.memory_space<hbm>>
    %dma_start3A_53 = tpu.memref_squeeze %dma_start3A_52 : memref<1x1x224x224xf32, #tpu.memory_space<hbm>> -> memref<224x224xf32, #tpu.memory_space<hbm>>
    %dma_start3A_54 = arith.constant 0 : i32
    %dma_start3A_55 = arith.constant 0 : i32
    %dma_start3A_56 = tpu.memref_slice %arg5[%dma_start3A_45, %dma_start3A_54, %dma_start3A_55] : memref<2x224x224xf32, #tpu.memory_space<vmem>> -> memref<1x224x224xf32, #tpu.memory_space<vmem>>
    %dma_start3A_57 = tpu.memref_squeeze %dma_start3A_56 : memref<1x224x224xf32, #tpu.memory_space<vmem>> -> memref<224x224xf32, #tpu.memory_space<vmem>>
    %dma_start3A_58 = arith.constant 0 : i32
    %dma_start3A_59 = arith.constant 0 : i32
    %dma_start3A_60 = tpu.memref_slice %arg2[%add3A_4, %dma_start3A_44, %dma_start3A_58, %dma_start3A_59] : memref<384x2x224x224xf32, #tpu.memory_space<hbm>> -> memref<1x1x224x224xf32, #tpu.memory_space<hbm>>
    %dma_start3A_61 = tpu.memref_squeeze %dma_start3A_60 : memref<1x1x224x224xf32, #tpu.memory_space<hbm>> -> memref<224x224xf32, #tpu.memory_space<hbm>>
    tpu.enqueue_dma source(%dma_start3A_61 : memref<224x224xf32, #tpu.memory_space<hbm>>) target(%dma_start3A_57 : memref<224x224xf32, #tpu.memory_space<vmem>>) target_semaphore(%arg6 : memref<!tpu.dma_semaphore, #tpu.memory_space<semaphore_mem>>)
    %dma_wait3A = arith.constant 0 : i32
    %dma_wait3A_62 = arith.constant 0 : i32
    %dma_wait3A_63 = arith.constant 0 : i32
    %dma_wait3A_64 = arith.constant 0 : i32
    %dma_wait3A_65 = tpu.memref_slice %arg5[%dma_wait3A_62, %dma_wait3A_63, %dma_wait3A_64] : memref<2x224x224xf32, #tpu.memory_space<vmem>> -> memref<1x224x224xf32, #tpu.memory_space<vmem>>
    %dma_wait3A_66 = tpu.memref_squeeze %dma_wait3A_65 : memref<1x224x224xf32, #tpu.memory_space<vmem>> -> memref<224x224xf32, #tpu.memory_space<vmem>>
    %dma_wait3A_67 = arith.constant 0 : i32
    %dma_wait3A_68 = arith.constant 0 : i32
    %dma_wait3A_69 = tpu.memref_slice %arg3[%add3A_4, %dma_wait3A, %dma_wait3A_67, %dma_wait3A_68] : memref<384x2x224x224xf32, #tpu.memory_space<hbm>> -> memref<1x1x224x224xf32, #tpu.memory_space<hbm>>
    %dma_wait3A_70 = tpu.memref_squeeze %dma_wait3A_69 : memref<1x1x224x224xf32, #tpu.memory_space<hbm>> -> memref<224x224xf32, #tpu.memory_space<hbm>>
    %dma_wait3A_71 = arith.constant 0 : i32
    %dma_wait3A_72 = arith.constant 0 : i32
    %dma_wait3A_73 = tpu.memref_slice %arg5[%dma_wait3A_62, %dma_wait3A_71, %dma_wait3A_72] : memref<2x224x224xf32, #tpu.memory_space<vmem>> -> memref<1x224x224xf32, #tpu.memory_space<vmem>>
    %dma_wait3A_74 = tpu.memref_squeeze %dma_wait3A_73 : memref<1x224x224xf32, #tpu.memory_space<vmem>> -> memref<224x224xf32, #tpu.memory_space<vmem>>
    %dma_wait3A_75 = arith.constant 0 : i32
    %dma_wait3A_76 = arith.constant 0 : i32
    %dma_wait3A_77 = tpu.memref_slice %arg3[%add3A_4, %dma_wait3A, %dma_wait3A_75, %dma_wait3A_76] : memref<384x2x224x224xf32, #tpu.memory_space<hbm>> -> memref<1x1x224x224xf32, #tpu.memory_space<hbm>>
    %dma_wait3A_78 = tpu.memref_squeeze %dma_wait3A_77 : memref<1x1x224x224xf32, #tpu.memory_space<hbm>> -> memref<224x224xf32, #tpu.memory_space<hbm>>
    tpu.wait_dma2 semaphore(%arg6 : memref<!tpu.dma_semaphore, #tpu.memory_space<semaphore_mem>>) src(%dma_wait3A_78 : memref<224x224xf32, #tpu.memory_space<hbm>>) dst(%dma_wait3A_74 : memref<224x224xf32, #tpu.memory_space<vmem>>)
    %dma_start3A_79 = arith.constant 0 : i32
    %dma_start3A_80 = arith.constant 0 : i32
    %dma_start3A_81 = arith.constant 0 : i32
    %dma_start3A_82 = arith.constant 0 : i32
    %dma_start3A_83 = tpu.memref_slice %arg5[%dma_start3A_79, %dma_start3A_81, %dma_start3A_82] : memref<2x224x224xf32, #tpu.memory_space<vmem>> -> memref<1x224x224xf32, #tpu.memory_space<vmem>>
    %dma_start3A_84 = tpu.memref_squeeze %dma_start3A_83 : memref<1x224x224xf32, #tpu.memory_space<vmem>> -> memref<224x224xf32, #tpu.memory_space<vmem>>
    %dma_start3A_85 = arith.constant 0 : i32
    %dma_start3A_86 = arith.constant 0 : i32
    %dma_start3A_87 = tpu.memref_slice %arg4[%add3A_4, %dma_start3A_80, %dma_start3A_85, %dma_start3A_86] : memref<384x2x224x224xf32, #tpu.memory_space<hbm>> -> memref<1x1x224x224xf32, #tpu.memory_space<hbm>>
    %dma_start3A_88 = tpu.memref_squeeze %dma_start3A_87 : memref<1x1x224x224xf32, #tpu.memory_space<hbm>> -> memref<224x224xf32, #tpu.memory_space<hbm>>
    %dma_start3A_89 = arith.constant 0 : i32
    %dma_start3A_90 = arith.constant 0 : i32
    %dma_start3A_91 = tpu.memref_slice %arg4[%add3A_4, %dma_start3A_80, %dma_start3A_89, %dma_start3A_90] : memref<384x2x224x224xf32, #tpu.memory_space<hbm>> -> memref<1x1x224x224xf32, #tpu.memory_space<hbm>>
    %dma_start3A_92 = tpu.memref_squeeze %dma_start3A_91 : memref<1x1x224x224xf32, #tpu.memory_space<hbm>> -> memref<224x224xf32, #tpu.memory_space<hbm>>
    %dma_start3A_93 = arith.constant 0 : i32
    %dma_start3A_94 = arith.constant 0 : i32
    %dma_start3A_95 = tpu.memref_slice %arg5[%dma_start3A_79, %dma_start3A_93, %dma_start3A_94] : memref<2x224x224xf32, #tpu.memory_space<vmem>> -> memref<1x224x224xf32, #tpu.memory_space<vmem>>
    %dma_start3A_96 = tpu.memref_squeeze %dma_start3A_95 : memref<1x224x224xf32, #tpu.memory_space<vmem>> -> memref<224x224xf32, #tpu.memory_space<vmem>>
    tpu.enqueue_dma source(%dma_start3A_96 : memref<224x224xf32, #tpu.memory_space<vmem>>) target(%dma_start3A_92 : memref<224x224xf32, #tpu.memory_space<hbm>>) target_semaphore(%arg7 : memref<!tpu.dma_semaphore, #tpu.memory_space<semaphore_mem>>)
    %dma_wait3A_97 = arith.constant 0 : i32
    %dma_wait3A_98 = arith.constant 0 : i32
    %dma_wait3A_99 = arith.constant 0 : i32
    %dma_wait3A_100 = arith.constant 0 : i32
    %dma_wait3A_101 = tpu.memref_slice %arg5[%dma_wait3A_97, %dma_wait3A_99, %dma_wait3A_100] : memref<2x224x224xf32, #tpu.memory_space<vmem>> -> memref<1x224x224xf32, #tpu.memory_space<vmem>>
    %dma_wait3A_102 = tpu.memref_squeeze %dma_wait3A_101 : memref<1x224x224xf32, #tpu.memory_space<vmem>> -> memref<224x224xf32, #tpu.memory_space<vmem>>
    %dma_wait3A_103 = arith.constant 0 : i32
    %dma_wait3A_104 = arith.constant 0 : i32
    %dma_wait3A_105 = tpu.memref_slice %arg4[%add3A_4, %dma_wait3A_98, %dma_wait3A_103, %dma_wait3A_104] : memref<384x2x224x224xf32, #tpu.memory_space<hbm>> -> memref<1x1x224x224xf32, #tpu.memory_space<hbm>>
    %dma_wait3A_106 = tpu.memref_squeeze %dma_wait3A_105 : memref<1x1x224x224xf32, #tpu.memory_space<hbm>> -> memref<224x224xf32, #tpu.memory_space<hbm>>
    %dma_wait3A_107 = arith.constant 0 : i32
    %dma_wait3A_108 = arith.constant 0 : i32
    %dma_wait3A_109 = tpu.memref_slice %arg4[%add3A_4, %dma_wait3A_98, %dma_wait3A_107, %dma_wait3A_108] : memref<384x2x224x224xf32, #tpu.memory_space<hbm>> -> memref<1x1x224x224xf32, #tpu.memory_space<hbm>>
    %dma_wait3A_110 = tpu.memref_squeeze %dma_wait3A_109 : memref<1x1x224x224xf32, #tpu.memory_space<hbm>> -> memref<224x224xf32, #tpu.memory_space<hbm>>
    %dma_wait3A_111 = arith.constant 0 : i32
    %dma_wait3A_112 = arith.constant 0 : i32
    %dma_wait3A_113 = tpu.memref_slice %arg5[%dma_wait3A_97, %dma_wait3A_111, %dma_wait3A_112] : memref<2x224x224xf32, #tpu.memory_space<vmem>> -> memref<1x224x224xf32, #tpu.memory_space<vmem>>
    %dma_wait3A_114 = tpu.memref_squeeze %dma_wait3A_113 : memref<1x224x224xf32, #tpu.memory_space<vmem>> -> memref<224x224xf32, #tpu.memory_space<vmem>>
    tpu.wait_dma2 semaphore(%arg7 : memref<!tpu.dma_semaphore, #tpu.memory_space<semaphore_mem>>) src(%dma_wait3A_114 : memref<224x224xf32, #tpu.memory_space<vmem>>) dst(%dma_wait3A_110 : memref<224x224xf32, #tpu.memory_space<hbm>>)
    %dma_start3A_115 = arith.constant 0 : i32
    %dma_start3A_116 = arith.constant 0 : i32
    %dma_start3A_117 = arith.constant 0 : i32
    %dma_start3A_118 = arith.constant 0 : i32
    %dma_start3A_119 = tpu.memref_slice %arg5[%dma_start3A_116, %dma_start3A_117, %dma_start3A_118] : memref<2x224x224xf32, #tpu.memory_space<vmem>> -> memref<1x224x224xf32, #tpu.memory_space<vmem>>
    %dma_start3A_120 = tpu.memref_squeeze %dma_start3A_119 : memref<1x224x224xf32, #tpu.memory_space<vmem>> -> memref<224x224xf32, #tpu.memory_space<vmem>>
    %dma_start3A_121 = arith.constant 0 : i32
    %dma_start3A_122 = arith.constant 0 : i32
    %dma_start3A_123 = tpu.memref_slice %arg3[%add3A_6, %dma_start3A_115, %dma_start3A_121, %dma_start3A_122] : memref<384x2x224x224xf32, #tpu.memory_space<hbm>> -> memref<1x1x224x224xf32, #tpu.memory_space<hbm>>
    %dma_start3A_124 = tpu.memref_squeeze %dma_start3A_123 : memref<1x1x224x224xf32, #tpu.memory_space<hbm>> -> memref<224x224xf32, #tpu.memory_space<hbm>>
    %dma_start3A_125 = arith.constant 0 : i32
    %dma_start3A_126 = arith.constant 0 : i32
    %dma_start3A_127 = tpu.memref_slice %arg5[%dma_start3A_116, %dma_start3A_125, %dma_start3A_126] : memref<2x224x224xf32, #tpu.memory_space<vmem>> -> memref<1x224x224xf32, #tpu.memory_space<vmem>>
    %dma_start3A_128 = tpu.memref_squeeze %dma_start3A_127 : memref<1x224x224xf32, #tpu.memory_space<vmem>> -> memref<224x224xf32, #tpu.memory_space<vmem>>
    %dma_start3A_129 = arith.constant 0 : i32
    %dma_start3A_130 = arith.constant 0 : i32
    %dma_start3A_131 = tpu.memref_slice %arg3[%add3A_6, %dma_start3A_115, %dma_start3A_129, %dma_start3A_130] : memref<384x2x224x224xf32, #tpu.memory_space<hbm>> -> memref<1x1x224x224xf32, #tpu.memory_space<hbm>>
    %dma_start3A_132 = tpu.memref_squeeze %dma_start3A_131 : memref<1x1x224x224xf32, #tpu.memory_space<hbm>> -> memref<224x224xf32, #tpu.memory_space<hbm>>
    tpu.enqueue_dma source(%dma_start3A_132 : memref<224x224xf32, #tpu.memory_space<hbm>>) target(%dma_start3A_128 : memref<224x224xf32, #tpu.memory_space<vmem>>) target_semaphore(%arg6 : memref<!tpu.dma_semaphore, #tpu.memory_space<semaphore_mem>>)
    %dma_wait3A_133 = arith.constant 1 : i32
    %dma_wait3A_134 = arith.constant 1 : i32
    %dma_wait3A_135 = arith.constant 0 : i32
    %dma_wait3A_136 = arith.constant 0 : i32
    %dma_wait3A_137 = tpu.memref_slice %arg5[%dma_wait3A_134, %dma_wait3A_135, %dma_wait3A_136] : memref<2x224x224xf32, #tpu.memory_space<vmem>> -> memref<1x224x224xf32, #tpu.memory_space<vmem>>
    %dma_wait3A_138 = tpu.memref_squeeze %dma_wait3A_137 : memref<1x224x224xf32, #tpu.memory_space<vmem>> -> memref<224x224xf32, #tpu.memory_space<vmem>>
    %dma_wait3A_139 = arith.constant 0 : i32
    %dma_wait3A_140 = arith.constant 0 : i32
    %dma_wait3A_141 = tpu.memref_slice %arg2[%add3A_4, %dma_wait3A_133, %dma_wait3A_139, %dma_wait3A_140] : memref<384x2x224x224xf32, #tpu.memory_space<hbm>> -> memref<1x1x224x224xf32, #tpu.memory_space<hbm>>
    %dma_wait3A_142 = tpu.memref_squeeze %dma_wait3A_141 : memref<1x1x224x224xf32, #tpu.memory_space<hbm>> -> memref<224x224xf32, #tpu.memory_space<hbm>>
    %dma_wait3A_143 = arith.constant 0 : i32
    %dma_wait3A_144 = arith.constant 0 : i32
    %dma_wait3A_145 = tpu.memref_slice %arg5[%dma_wait3A_134, %dma_wait3A_143, %dma_wait3A_144] : memref<2x224x224xf32, #tpu.memory_space<vmem>> -> memref<1x224x224xf32, #tpu.memory_space<vmem>>
    %dma_wait3A_146 = tpu.memref_squeeze %dma_wait3A_145 : memref<1x224x224xf32, #tpu.memory_space<vmem>> -> memref<224x224xf32, #tpu.memory_space<vmem>>
    %dma_wait3A_147 = arith.constant 0 : i32
    %dma_wait3A_148 = arith.constant 0 : i32
    %dma_wait3A_149 = tpu.memref_slice %arg2[%add3A_4, %dma_wait3A_133, %dma_wait3A_147, %dma_wait3A_148] : memref<384x2x224x224xf32, #tpu.memory_space<hbm>> -> memref<1x1x224x224xf32, #tpu.memory_space<hbm>>
    %dma_wait3A_150 = tpu.memref_squeeze %dma_wait3A_149 : memref<1x1x224x224xf32, #tpu.memory_space<hbm>> -> memref<224x224xf32, #tpu.memory_space<hbm>>
    tpu.wait_dma2 semaphore(%arg6 : memref<!tpu.dma_semaphore, #tpu.memory_space<semaphore_mem>>) src(%dma_wait3A_150 : memref<224x224xf32, #tpu.memory_space<hbm>>) dst(%dma_wait3A_146 : memref<224x224xf32, #tpu.memory_space<vmem>>)
    %dma_start3A_151 = arith.constant 1 : i32
    %dma_start3A_152 = arith.constant 1 : i32
    %dma_start3A_153 = arith.constant 0 : i32
    %dma_start3A_154 = arith.constant 0 : i32
    %dma_start3A_155 = tpu.memref_slice %arg5[%dma_start3A_151, %dma_start3A_153, %dma_start3A_154] : memref<2x224x224xf32, #tpu.memory_space<vmem>> -> memref<1x224x224xf32, #tpu.memory_space<vmem>>
    %dma_start3A_156 = tpu.memref_squeeze %dma_start3A_155 : memref<1x224x224xf32, #tpu.memory_space<vmem>> -> memref<224x224xf32, #tpu.memory_space<vmem>>
    %dma_start3A_157 = arith.constant 0 : i32
    %dma_start3A_158 = arith.constant 0 : i32
    %dma_start3A_159 = tpu.memref_slice %arg4[%add3A_4, %dma_start3A_152, %dma_start3A_157, %dma_start3A_158] : memref<384x2x224x224xf32, #tpu.memory_space<hbm>> -> memref<1x1x224x224xf32, #tpu.memory_space<hbm>>
    %dma_start3A_160 = tpu.memref_squeeze %dma_start3A_159 : memref<1x1x224x224xf32, #tpu.memory_space<hbm>> -> memref<224x224xf32, #tpu.memory_space<hbm>>
    %dma_start3A_161 = arith.constant 0 : i32
    %dma_start3A_162 = arith.constant 0 : i32
    %dma_start3A_163 = tpu.memref_slice %arg4[%add3A_4, %dma_start3A_152, %dma_start3A_161, %dma_start3A_162] : memref<384x2x224x224xf32, #tpu.memory_space<hbm>> -> memref<1x1x224x224xf32, #tpu.memory_space<hbm>>
    %dma_start3A_164 = tpu.memref_squeeze %dma_start3A_163 : memref<1x1x224x224xf32, #tpu.memory_space<hbm>> -> memref<224x224xf32, #tpu.memory_space<hbm>>
    %dma_start3A_165 = arith.constant 0 : i32
    %dma_start3A_166 = arith.constant 0 : i32
    %dma_start3A_167 = tpu.memref_slice %arg5[%dma_start3A_151, %dma_start3A_165, %dma_start3A_166] : memref<2x224x224xf32, #tpu.memory_space<vmem>> -> memref<1x224x224xf32, #tpu.memory_space<vmem>>
    %dma_start3A_168 = tpu.memref_squeeze %dma_start3A_167 : memref<1x224x224xf32, #tpu.memory_space<vmem>> -> memref<224x224xf32, #tpu.memory_space<vmem>>
    tpu.enqueue_dma source(%dma_start3A_168 : memref<224x224xf32, #tpu.memory_space<vmem>>) target(%dma_start3A_164 : memref<224x224xf32, #tpu.memory_space<hbm>>) target_semaphore(%arg7 : memref<!tpu.dma_semaphore, #tpu.memory_space<semaphore_mem>>)
    %dma_wait3A_169 = arith.constant 1 : i32
    %dma_wait3A_170 = arith.constant 1 : i32
    %dma_wait3A_171 = arith.constant 0 : i32
    %dma_wait3A_172 = arith.constant 0 : i32
    %dma_wait3A_173 = tpu.memref_slice %arg5[%dma_wait3A_169, %dma_wait3A_171, %dma_wait3A_172] : memref<2x224x224xf32, #tpu.memory_space<vmem>> -> memref<1x224x224xf32, #tpu.memory_space<vmem>>
    %dma_wait3A_174 = tpu.memref_squeeze %dma_wait3A_173 : memref<1x224x224xf32, #tpu.memory_space<vmem>> -> memref<224x224xf32, #tpu.memory_space<vmem>>
    %dma_wait3A_175 = arith.constant 0 : i32
    %dma_wait3A_176 = arith.constant 0 : i32
    %dma_wait3A_177 = tpu.memref_slice %arg4[%add3A_4, %dma_wait3A_170, %dma_wait3A_175, %dma_wait3A_176] : memref<384x2x224x224xf32, #tpu.memory_space<hbm>> -> memref<1x1x224x224xf32, #tpu.memory_space<hbm>>
    %dma_wait3A_178 = tpu.memref_squeeze %dma_wait3A_177 : memref<1x1x224x224xf32, #tpu.memory_space<hbm>> -> memref<224x224xf32, #tpu.memory_space<hbm>>
    %dma_wait3A_179 = arith.constant 0 : i32
    %dma_wait3A_180 = arith.constant 0 : i32
    %dma_wait3A_181 = tpu.memref_slice %arg4[%add3A_4, %dma_wait3A_170, %dma_wait3A_179, %dma_wait3A_180] : memref<384x2x224x224xf32, #tpu.memory_space<hbm>> -> memref<1x1x224x224xf32, #tpu.memory_space<hbm>>
    %dma_wait3A_182 = tpu.memref_squeeze %dma_wait3A_181 : memref<1x1x224x224xf32, #tpu.memory_space<hbm>> -> memref<224x224xf32, #tpu.memory_space<hbm>>
    %dma_wait3A_183 = arith.constant 0 : i32
    %dma_wait3A_184 = arith.constant 0 : i32
    %dma_wait3A_185 = tpu.memref_slice %arg5[%dma_wait3A_169, %dma_wait3A_183, %dma_wait3A_184] : memref<2x224x224xf32, #tpu.memory_space<vmem>> -> memref<1x224x224xf32, #tpu.memory_space<vmem>>
    %dma_wait3A_186 = tpu.memref_squeeze %dma_wait3A_185 : memref<1x224x224xf32, #tpu.memory_space<vmem>> -> memref<224x224xf32, #tpu.memory_space<vmem>>
    tpu.wait_dma2 semaphore(%arg7 : memref<!tpu.dma_semaphore, #tpu.memory_space<semaphore_mem>>) src(%dma_wait3A_186 : memref<224x224xf32, #tpu.memory_space<vmem>>) dst(%dma_wait3A_182 : memref<224x224xf32, #tpu.memory_space<hbm>>)
    %dma_start3A_187 = arith.constant 1 : i32
    %dma_start3A_188 = arith.constant 1 : i32
    %dma_start3A_189 = arith.constant 0 : i32
    %dma_start3A_190 = arith.constant 0 : i32
    %dma_start3A_191 = tpu.memref_slice %arg5[%dma_start3A_188, %dma_start3A_189, %dma_start3A_190] : memref<2x224x224xf32, #tpu.memory_space<vmem>> -> memref<1x224x224xf32, #tpu.memory_space<vmem>>
    %dma_start3A_192 = tpu.memref_squeeze %dma_start3A_191 : memref<1x224x224xf32, #tpu.memory_space<vmem>> -> memref<224x224xf32, #tpu.memory_space<vmem>>
    %dma_start3A_193 = arith.constant 0 : i32
    %dma_start3A_194 = arith.constant 0 : i32
    %dma_start3A_195 = tpu.memref_slice %arg2[%add3A_6, %dma_start3A_187, %dma_start3A_193, %dma_start3A_194] : memref<384x2x224x224xf32, #tpu.memory_space<hbm>> -> memref<1x1x224x224xf32, #tpu.memory_space<hbm>>
    %dma_start3A_196 = tpu.memref_squeeze %dma_start3A_195 : memref<1x1x224x224xf32, #tpu.memory_space<hbm>> -> memref<224x224xf32, #tpu.memory_space<hbm>>
    %dma_start3A_197 = arith.constant 0 : i32
    %dma_start3A_198 = arith.constant 0 : i32
    %dma_start3A_199 = tpu.memref_slice %arg5[%dma_start3A_188, %dma_start3A_197, %dma_start3A_198] : memref<2x224x224xf32, #tpu.memory_space<vmem>> -> memref<1x224x224xf32, #tpu.memory_space<vmem>>
    %dma_start3A_200 = tpu.memref_squeeze %dma_start3A_199 : memref<1x224x224xf32, #tpu.memory_space<vmem>> -> memref<224x224xf32, #tpu.memory_space<vmem>>
    %dma_start3A_201 = arith.constant 0 : i32
    %dma_start3A_202 = arith.constant 0 : i32
    %dma_start3A_203 = tpu.memref_slice %arg2[%add3A_6, %dma_start3A_187, %dma_start3A_201, %dma_start3A_202] : memref<384x2x224x224xf32, #tpu.memory_space<hbm>> -> memref<1x1x224x224xf32, #tpu.memory_space<hbm>>
    %dma_start3A_204 = tpu.memref_squeeze %dma_start3A_203 : memref<1x1x224x224xf32, #tpu.memory_space<hbm>> -> memref<224x224xf32, #tpu.memory_space<hbm>>
    tpu.enqueue_dma source(%dma_start3A_204 : memref<224x224xf32, #tpu.memory_space<hbm>>) target(%dma_start3A_200 : memref<224x224xf32, #tpu.memory_space<vmem>>) target_semaphore(%arg6 : memref<!tpu.dma_semaphore, #tpu.memory_space<semaphore_mem>>)
    %dma_wait3A_205 = arith.constant 0 : i32
    %dma_wait3A_206 = arith.constant 0 : i32
    %dma_wait3A_207 = arith.constant 0 : i32
    %dma_wait3A_208 = arith.constant 0 : i32
    %dma_wait3A_209 = tpu.memref_slice %arg5[%dma_wait3A_206, %dma_wait3A_207, %dma_wait3A_208] : memref<2x224x224xf32, #tpu.memory_space<vmem>> -> memref<1x224x224xf32, #tpu.memory_space<vmem>>
    %dma_wait3A_210 = tpu.memref_squeeze %dma_wait3A_209 : memref<1x224x224xf32, #tpu.memory_space<vmem>> -> memref<224x224xf32, #tpu.memory_space<vmem>>
    %dma_wait3A_211 = arith.constant 0 : i32
    %dma_wait3A_212 = arith.constant 0 : i32
    %dma_wait3A_213 = tpu.memref_slice %arg3[%add3A_6, %dma_wait3A_205, %dma_wait3A_211, %dma_wait3A_212] : memref<384x2x224x224xf32, #tpu.memory_space<hbm>> -> memref<1x1x224x224xf32, #tpu.memory_space<hbm>>
    %dma_wait3A_214 = tpu.memref_squeeze %dma_wait3A_213 : memref<1x1x224x224xf32, #tpu.memory_space<hbm>> -> memref<224x224xf32, #tpu.memory_space<hbm>>
    %dma_wait3A_215 = arith.constant 0 : i32
    %dma_wait3A_216 = arith.constant 0 : i32
    %dma_wait3A_217 = tpu.memref_slice %arg5[%dma_wait3A_206, %dma_wait3A_215, %dma_wait3A_216] : memref<2x224x224xf32, #tpu.memory_space<vmem>> -> memref<1x224x224xf32, #tpu.memory_space<vmem>>
    %dma_wait3A_218 = tpu.memref_squeeze %dma_wait3A_217 : memref<1x224x224xf32, #tpu.memory_space<vmem>> -> memref<224x224xf32, #tpu.memory_space<vmem>>
    %dma_wait3A_219 = arith.constant 0 : i32
    %dma_wait3A_220 = arith.constant 0 : i32
    %dma_wait3A_221 = tpu.memref_slice %arg3[%add3A_6, %dma_wait3A_205, %dma_wait3A_219, %dma_wait3A_220] : memref<384x2x224x224xf32, #tpu.memory_space<hbm>> -> memref<1x1x224x224xf32, #tpu.memory_space<hbm>>
    %dma_wait3A_222 = tpu.memref_squeeze %dma_wait3A_221 : memref<1x1x224x224xf32, #tpu.memory_space<hbm>> -> memref<224x224xf32, #tpu.memory_space<hbm>>
    tpu.wait_dma2 semaphore(%arg6 : memref<!tpu.dma_semaphore, #tpu.memory_space<semaphore_mem>>) src(%dma_wait3A_222 : memref<224x224xf32, #tpu.memory_space<hbm>>) dst(%dma_wait3A_218 : memref<224x224xf32, #tpu.memory_space<vmem>>)
    %dma_start3A_223 = arith.constant 0 : i32
    %dma_start3A_224 = arith.constant 0 : i32
    %dma_start3A_225 = arith.constant 0 : i32
    %dma_start3A_226 = arith.constant 0 : i32
    %dma_start3A_227 = tpu.memref_slice %arg5[%dma_start3A_223, %dma_start3A_225, %dma_start3A_226] : memref<2x224x224xf32, #tpu.memory_space<vmem>> -> memref<1x224x224xf32, #tpu.memory_space<vmem>>
    %dma_start3A_228 = tpu.memref_squeeze %dma_start3A_227 : memref<1x224x224xf32, #tpu.memory_space<vmem>> -> memref<224x224xf32, #tpu.memory_space<vmem>>
    %dma_start3A_229 = arith.constant 0 : i32
    %dma_start3A_230 = arith.constant 0 : i32
    %dma_start3A_231 = tpu.memref_slice %arg4[%add3A_6, %dma_start3A_224, %dma_start3A_229, %dma_start3A_230] : memref<384x2x224x224xf32, #tpu.memory_space<hbm>> -> memref<1x1x224x224xf32, #tpu.memory_space<hbm>>
    %dma_start3A_232 = tpu.memref_squeeze %dma_start3A_231 : memref<1x1x224x224xf32, #tpu.memory_space<hbm>> -> memref<224x224xf32, #tpu.memory_space<hbm>>
    %dma_start3A_233 = arith.constant 0 : i32
    %dma_start3A_234 = arith.constant 0 : i32
    %dma_start3A_235 = tpu.memref_slice %arg4[%add3A_6, %dma_start3A_224, %dma_start3A_233, %dma_start3A_234] : memref<384x2x224x224xf32, #tpu.memory_space<hbm>> -> memref<1x1x224x224xf32, #tpu.memory_space<hbm>>
    %dma_start3A_236 = tpu.memref_squeeze %dma_start3A_235 : memref<1x1x224x224xf32, #tpu.memory_space<hbm>> -> memref<224x224xf32, #tpu.memory_space<hbm>>
    %dma_start3A_237 = arith.constant 0 : i32
    %dma_start3A_238 = arith.constant 0 : i32
    %dma_start3A_239 = tpu.memref_slice %arg5[%dma_start3A_223, %dma_start3A_237, %dma_start3A_238] : memref<2x224x224xf32, #tpu.memory_space<vmem>> -> memref<1x224x224xf32, #tpu.memory_space<vmem>>
    %dma_start3A_240 = tpu.memref_squeeze %dma_start3A_239 : memref<1x224x224xf32, #tpu.memory_space<vmem>> -> memref<224x224xf32, #tpu.memory_space<vmem>>
    tpu.enqueue_dma source(%dma_start3A_240 : memref<224x224xf32, #tpu.memory_space<vmem>>) target(%dma_start3A_236 : memref<224x224xf32, #tpu.memory_space<hbm>>) target_semaphore(%arg7 : memref<!tpu.dma_semaphore, #tpu.memory_space<semaphore_mem>>)
    %dma_wait3A_241 = arith.constant 0 : i32
    %dma_wait3A_242 = arith.constant 0 : i32
    %dma_wait3A_243 = arith.constant 0 : i32
    %dma_wait3A_244 = arith.constant 0 : i32
    %dma_wait3A_245 = tpu.memref_slice %arg5[%dma_wait3A_241, %dma_wait3A_243, %dma_wait3A_244] : memref<2x224x224xf32, #tpu.memory_space<vmem>> -> memref<1x224x224xf32, #tpu.memory_space<vmem>>
    %dma_wait3A_246 = tpu.memref_squeeze %dma_wait3A_245 : memref<1x224x224xf32, #tpu.memory_space<vmem>> -> memref<224x224xf32, #tpu.memory_space<vmem>>
    %dma_wait3A_247 = arith.constant 0 : i32
    %dma_wait3A_248 = arith.constant 0 : i32
    %dma_wait3A_249 = tpu.memref_slice %arg4[%add3A_6, %dma_wait3A_242, %dma_wait3A_247, %dma_wait3A_248] : memref<384x2x224x224xf32, #tpu.memory_space<hbm>> -> memref<1x1x224x224xf32, #tpu.memory_space<hbm>>
    %dma_wait3A_250 = tpu.memref_squeeze %dma_wait3A_249 : memref<1x1x224x224xf32, #tpu.memory_space<hbm>> -> memref<224x224xf32, #tpu.memory_space<hbm>>
    %dma_wait3A_251 = arith.constant 0 : i32
    %dma_wait3A_252 = arith.constant 0 : i32
    %dma_wait3A_253 = tpu.memref_slice %arg4[%add3A_6, %dma_wait3A_242, %dma_wait3A_251, %dma_wait3A_252] : memref<384x2x224x224xf32, #tpu.memory_space<hbm>> -> memref<1x1x224x224xf32, #tpu.memory_space<hbm>>
    %dma_wait3A_254 = tpu.memref_squeeze %dma_wait3A_253 : memref<1x1x224x224xf32, #tpu.memory_space<hbm>> -> memref<224x224xf32, #tpu.memory_space<hbm>>
    %dma_wait3A_255 = arith.constant 0 : i32
    %dma_wait3A_256 = arith.constant 0 : i32
    %dma_wait3A_257 = tpu.memref_slice %arg5[%dma_wait3A_241, %dma_wait3A_255, %dma_wait3A_256] : memref<2x224x224xf32, #tpu.memory_space<vmem>> -> memref<1x224x224xf32, #tpu.memory_space<vmem>>
    %dma_wait3A_258 = tpu.memref_squeeze %dma_wait3A_257 : memref<1x224x224xf32, #tpu.memory_space<vmem>> -> memref<224x224xf32, #tpu.memory_space<vmem>>
    tpu.wait_dma2 semaphore(%arg7 : memref<!tpu.dma_semaphore, #tpu.memory_space<semaphore_mem>>) src(%dma_wait3A_258 : memref<224x224xf32, #tpu.memory_space<vmem>>) dst(%dma_wait3A_254 : memref<224x224xf32, #tpu.memory_space<hbm>>)
    %dma_start3A_259 = arith.constant 0 : i32
    %dma_start3A_260 = arith.constant 0 : i32
    %dma_start3A_261 = arith.constant 0 : i32
    %dma_start3A_262 = arith.constant 0 : i32
    %dma_start3A_263 = tpu.memref_slice %arg5[%dma_start3A_260, %dma_start3A_261, %dma_start3A_262] : memref<2x224x224xf32, #tpu.memory_space<vmem>> -> memref<1x224x224xf32, #tpu.memory_space<vmem>>
    %dma_start3A_264 = tpu.memref_squeeze %dma_start3A_263 : memref<1x224x224xf32, #tpu.memory_space<vmem>> -> memref<224x224xf32, #tpu.memory_space<vmem>>
    %dma_start3A_265 = arith.constant 0 : i32
    %dma_start3A_266 = arith.constant 0 : i32
    %dma_start3A_267 = tpu.memref_slice %arg3[%add3A_8, %dma_start3A_259, %dma_start3A_265, %dma_start3A_266] : memref<384x2x224x224xf32, #tpu.memory_space<hbm>> -> memref<1x1x224x224xf32, #tpu.memory_space<hbm>>
    %dma_start3A_268 = tpu.memref_squeeze %dma_start3A_267 : memref<1x1x224x224xf32, #tpu.memory_space<hbm>> -> memref<224x224xf32, #tpu.memory_space<hbm>>
    %dma_start3A_269 = arith.constant 0 : i32
    %dma_start3A_270 = arith.constant 0 : i32
    %dma_start3A_271 = tpu.memref_slice %arg5[%dma_start3A_260, %dma_start3A_269, %dma_start3A_270] : memref<2x224x224xf32, #tpu.memory_space<vmem>> -> memref<1x224x224xf32, #tpu.memory_space<vmem>>
    %dma_start3A_272 = tpu.memref_squeeze %dma_start3A_271 : memref<1x224x224xf32, #tpu.memory_space<vmem>> -> memref<224x224xf32, #tpu.memory_space<vmem>>
    %dma_start3A_273 = arith.constant 0 : i32
    %dma_start3A_274 = arith.constant 0 : i32
    %dma_start3A_275 = tpu.memref_slice %arg3[%add3A_8, %dma_start3A_259, %dma_start3A_273, %dma_start3A_274] : memref<384x2x224x224xf32, #tpu.memory_space<hbm>> -> memref<1x1x224x224xf32, #tpu.memory_space<hbm>>
    %dma_start3A_276 = tpu.memref_squeeze %dma_start3A_275 : memref<1x1x224x224xf32, #tpu.memory_space<hbm>> -> memref<224x224xf32, #tpu.memory_space<hbm>>
    tpu.enqueue_dma source(%dma_start3A_276 : memref<224x224xf32, #tpu.memory_space<hbm>>) target(%dma_start3A_272 : memref<224x224xf32, #tpu.memory_space<vmem>>) target_semaphore(%arg6 : memref<!tpu.dma_semaphore, #tpu.memory_space<semaphore_mem>>)
    %dma_wait3A_277 = arith.constant 1 : i32
    %dma_wait3A_278 = arith.constant 1 : i32
    %dma_wait3A_279 = arith.constant 0 : i32
    %dma_wait3A_280 = arith.constant 0 : i32
    %dma_wait3A_281 = tpu.memref_slice %arg5[%dma_wait3A_278, %dma_wait3A_279, %dma_wait3A_280] : memref<2x224x224xf32, #tpu.memory_space<vmem>> -> memref<1x224x224xf32, #tpu.memory_space<vmem>>
    %dma_wait3A_282 = tpu.memref_squeeze %dma_wait3A_281 : memref<1x224x224xf32, #tpu.memory_space<vmem>> -> memref<224x224xf32, #tpu.memory_space<vmem>>
    %dma_wait3A_283 = arith.constant 0 : i32
    %dma_wait3A_284 = arith.constant 0 : i32
    %dma_wait3A_285 = tpu.memref_slice %arg2[%add3A_6, %dma_wait3A_277, %dma_wait3A_283, %dma_wait3A_284] : memref<384x2x224x224xf32, #tpu.memory_space<hbm>> -> memref<1x1x224x224xf32, #tpu.memory_space<hbm>>
    %dma_wait3A_286 = tpu.memref_squeeze %dma_wait3A_285 : memref<1x1x224x224xf32, #tpu.memory_space<hbm>> -> memref<224x224xf32, #tpu.memory_space<hbm>>
    %dma_wait3A_287 = arith.constant 0 : i32
    %dma_wait3A_288 = arith.constant 0 : i32
    %dma_wait3A_289 = tpu.memref_slice %arg5[%dma_wait3A_278, %dma_wait3A_287, %dma_wait3A_288] : memref<2x224x224xf32, #tpu.memory_space<vmem>> -> memref<1x224x224xf32, #tpu.memory_space<vmem>>
    %dma_wait3A_290 = tpu.memref_squeeze %dma_wait3A_289 : memref<1x224x224xf32, #tpu.memory_space<vmem>> -> memref<224x224xf32, #tpu.memory_space<vmem>>
    %dma_wait3A_291 = arith.constant 0 : i32
    %dma_wait3A_292 = arith.constant 0 : i32
    %dma_wait3A_293 = tpu.memref_slice %arg2[%add3A_6, %dma_wait3A_277, %dma_wait3A_291, %dma_wait3A_292] : memref<384x2x224x224xf32, #tpu.memory_space<hbm>> -> memref<1x1x224x224xf32, #tpu.memory_space<hbm>>
    %dma_wait3A_294 = tpu.memref_squeeze %dma_wait3A_293 : memref<1x1x224x224xf32, #tpu.memory_space<hbm>> -> memref<224x224xf32, #tpu.memory_space<hbm>>
    tpu.wait_dma2 semaphore(%arg6 : memref<!tpu.dma_semaphore, #tpu.memory_space<semaphore_mem>>) src(%dma_wait3A_294 : memref<224x224xf32, #tpu.memory_space<hbm>>) dst(%dma_wait3A_290 : memref<224x224xf32, #tpu.memory_space<vmem>>)
    %dma_start3A_295 = arith.constant 1 : i32
    %dma_start3A_296 = arith.constant 1 : i32
    %dma_start3A_297 = arith.constant 0 : i32
    %dma_start3A_298 = arith.constant 0 : i32
    %dma_start3A_299 = tpu.memref_slice %arg5[%dma_start3A_295, %dma_start3A_297, %dma_start3A_298] : memref<2x224x224xf32, #tpu.memory_space<vmem>> -> memref<1x224x224xf32, #tpu.memory_space<vmem>>
    %dma_start3A_300 = tpu.memref_squeeze %dma_start3A_299 : memref<1x224x224xf32, #tpu.memory_space<vmem>> -> memref<224x224xf32, #tpu.memory_space<vmem>>
    %dma_start3A_301 = arith.constant 0 : i32
    %dma_start3A_302 = arith.constant 0 : i32
    %dma_start3A_303 = tpu.memref_slice %arg4[%add3A_6, %dma_start3A_296, %dma_start3A_301, %dma_start3A_302] : memref<384x2x224x224xf32, #tpu.memory_space<hbm>> -> memref<1x1x224x224xf32, #tpu.memory_space<hbm>>
    %dma_start3A_304 = tpu.memref_squeeze %dma_start3A_303 : memref<1x1x224x224xf32, #tpu.memory_space<hbm>> -> memref<224x224xf32, #tpu.memory_space<hbm>>
    %dma_start3A_305 = arith.constant 0 : i32
    %dma_start3A_306 = arith.constant 0 : i32
    %dma_start3A_307 = tpu.memref_slice %arg4[%add3A_6, %dma_start3A_296, %dma_start3A_305, %dma_start3A_306] : memref<384x2x224x224xf32, #tpu.memory_space<hbm>> -> memref<1x1x224x224xf32, #tpu.memory_space<hbm>>
    %dma_start3A_308 = tpu.memref_squeeze %dma_start3A_307 : memref<1x1x224x224xf32, #tpu.memory_space<hbm>> -> memref<224x224xf32, #tpu.memory_space<hbm>>
    %dma_start3A_309 = arith.constant 0 : i32
    %dma_start3A_310 = arith.constant 0 : i32
    %dma_start3A_311 = tpu.memref_slice %arg5[%dma_start3A_295, %dma_start3A_309, %dma_start3A_310] : memref<2x224x224xf32, #tpu.memory_space<vmem>> -> memref<1x224x224xf32, #tpu.memory_space<vmem>>
    %dma_start3A_312 = tpu.memref_squeeze %dma_start3A_311 : memref<1x224x224xf32, #tpu.memory_space<vmem>> -> memref<224x224xf32, #tpu.memory_space<vmem>>
    tpu.enqueue_dma source(%dma_start3A_312 : memref<224x224xf32, #tpu.memory_space<vmem>>) target(%dma_start3A_308 : memref<224x224xf32, #tpu.memory_space<hbm>>) target_semaphore(%arg7 : memref<!tpu.dma_semaphore, #tpu.memory_space<semaphore_mem>>)
    %dma_wait3A_313 = arith.constant 1 : i32
    %dma_wait3A_314 = arith.constant 1 : i32
    %dma_wait3A_315 = arith.constant 0 : i32
    %dma_wait3A_316 = arith.constant 0 : i32
    %dma_wait3A_317 = tpu.memref_slice %arg5[%dma_wait3A_313, %dma_wait3A_315, %dma_wait3A_316] : memref<2x224x224xf32, #tpu.memory_space<vmem>> -> memref<1x224x224xf32, #tpu.memory_space<vmem>>
    %dma_wait3A_318 = tpu.memref_squeeze %dma_wait3A_317 : memref<1x224x224xf32, #tpu.memory_space<vmem>> -> memref<224x224xf32, #tpu.memory_space<vmem>>
    %dma_wait3A_319 = arith.constant 0 : i32
    %dma_wait3A_320 = arith.constant 0 : i32
    %dma_wait3A_321 = tpu.memref_slice %arg4[%add3A_6, %dma_wait3A_314, %dma_wait3A_319, %dma_wait3A_320] : memref<384x2x224x224xf32, #tpu.memory_space<hbm>> -> memref<1x1x224x224xf32, #tpu.memory_space<hbm>>
    %dma_wait3A_322 = tpu.memref_squeeze %dma_wait3A_321 : memref<1x1x224x224xf32, #tpu.memory_space<hbm>> -> memref<224x224xf32, #tpu.memory_space<hbm>>
    %dma_wait3A_323 = arith.constant 0 : i32
    %dma_wait3A_324 = arith.constant 0 : i32
    %dma_wait3A_325 = tpu.memref_slice %arg4[%add3A_6, %dma_wait3A_314, %dma_wait3A_323, %dma_wait3A_324] : memref<384x2x224x224xf32, #tpu.memory_space<hbm>> -> memref<1x1x224x224xf32, #tpu.memory_space<hbm>>
    %dma_wait3A_326 = tpu.memref_squeeze %dma_wait3A_325 : memref<1x1x224x224xf32, #tpu.memory_space<hbm>> -> memref<224x224xf32, #tpu.memory_space<hbm>>
    %dma_wait3A_327 = arith.constant 0 : i32
    %dma_wait3A_328 = arith.constant 0 : i32
    %dma_wait3A_329 = tpu.memref_slice %arg5[%dma_wait3A_313, %dma_wait3A_327, %dma_wait3A_328] : memref<2x224x224xf32, #tpu.memory_space<vmem>> -> memref<1x224x224xf32, #tpu.memory_space<vmem>>
    %dma_wait3A_330 = tpu.memref_squeeze %dma_wait3A_329 : memref<1x224x224xf32, #tpu.memory_space<vmem>> -> memref<224x224xf32, #tpu.memory_space<vmem>>
    tpu.wait_dma2 semaphore(%arg7 : memref<!tpu.dma_semaphore, #tpu.memory_space<semaphore_mem>>) src(%dma_wait3A_330 : memref<224x224xf32, #tpu.memory_space<vmem>>) dst(%dma_wait3A_326 : memref<224x224xf32, #tpu.memory_space<hbm>>)
    %dma_start3A_331 = arith.constant 1 : i32
    %dma_start3A_332 = arith.constant 1 : i32
    %dma_start3A_333 = arith.constant 0 : i32
    %dma_start3A_334 = arith.constant 0 : i32
    %dma_start3A_335 = tpu.memref_slice %arg5[%dma_start3A_332, %dma_start3A_333, %dma_start3A_334] : memref<2x224x224xf32, #tpu.memory_space<vmem>> -> memref<1x224x224xf32, #tpu.memory_space<vmem>>
    %dma_start3A_336 = tpu.memref_squeeze %dma_start3A_335 : memref<1x224x224xf32, #tpu.memory_space<vmem>> -> memref<224x224xf32, #tpu.memory_space<vmem>>
    %dma_start3A_337 = arith.constant 0 : i32
    %dma_start3A_338 = arith.constant 0 : i32
    %dma_start3A_339 = tpu.memref_slice %arg2[%add3A_8, %dma_start3A_331, %dma_start3A_337, %dma_start3A_338] : memref<384x2x224x224xf32, #tpu.memory_space<hbm>> -> memref<1x1x224x224xf32, #tpu.memory_space<hbm>>
    %dma_start3A_340 = tpu.memref_squeeze %dma_start3A_339 : memref<1x1x224x224xf32, #tpu.memory_space<hbm>> -> memref<224x224xf32, #tpu.memory_space<hbm>>
    %dma_start3A_341 = arith.constant 0 : i32
    %dma_start3A_342 = arith.constant 0 : i32
    %dma_start3A_343 = tpu.memref_slice %arg5[%dma_start3A_332, %dma_start3A_341, %dma_start3A_342] : memref<2x224x224xf32, #tpu.memory_space<vmem>> -> memref<1x224x224xf32, #tpu.memory_space<vmem>>
    %dma_start3A_344 = tpu.memref_squeeze %dma_start3A_343 : memref<1x224x224xf32, #tpu.memory_space<vmem>> -> memref<224x224xf32, #tpu.memory_space<vmem>>
    %dma_start3A_345 = arith.constant 0 : i32
    %dma_start3A_346 = arith.constant 0 : i32
    %dma_start3A_347 = tpu.memref_slice %arg2[%add3A_8, %dma_start3A_331, %dma_start3A_345, %dma_start3A_346] : memref<384x2x224x224xf32, #tpu.memory_space<hbm>> -> memref<1x1x224x224xf32, #tpu.memory_space<hbm>>
    %dma_start3A_348 = tpu.memref_squeeze %dma_start3A_347 : memref<1x1x224x224xf32, #tpu.memory_space<hbm>> -> memref<224x224xf32, #tpu.memory_space<hbm>>
    tpu.enqueue_dma source(%dma_start3A_348 : memref<224x224xf32, #tpu.memory_space<hbm>>) target(%dma_start3A_344 : memref<224x224xf32, #tpu.memory_space<vmem>>) target_semaphore(%arg6 : memref<!tpu.dma_semaphore, #tpu.memory_space<semaphore_mem>>)
    %dma_wait3A_349 = arith.constant 0 : i32
    %dma_wait3A_350 = arith.constant 0 : i32
    %dma_wait3A_351 = arith.constant 0 : i32
    %dma_wait3A_352 = arith.constant 0 : i32
    %dma_wait3A_353 = tpu.memref_slice %arg5[%dma_wait3A_350, %dma_wait3A_351, %dma_wait3A_352] : memref<2x224x224xf32, #tpu.memory_space<vmem>> -> memref<1x224x224xf32, #tpu.memory_space<vmem>>
    %dma_wait3A_354 = tpu.memref_squeeze %dma_wait3A_353 : memref<1x224x224xf32, #tpu.memory_space<vmem>> -> memref<224x224xf32, #tpu.memory_space<vmem>>
    %dma_wait3A_355 = arith.constant 0 : i32
    %dma_wait3A_356 = arith.constant 0 : i32
    %dma_wait3A_357 = tpu.memref_slice %arg3[%add3A_8, %dma_wait3A_349, %dma_wait3A_355, %dma_wait3A_356] : memref<384x2x224x224xf32, #tpu.memory_space<hbm>> -> memref<1x1x224x224xf32, #tpu.memory_space<hbm>>
    %dma_wait3A_358 = tpu.memref_squeeze %dma_wait3A_357 : memref<1x1x224x224xf32, #tpu.memory_space<hbm>> -> memref<224x224xf32, #tpu.memory_space<hbm>>
    %dma_wait3A_359 = arith.constant 0 : i32
    %dma_wait3A_360 = arith.constant 0 : i32
    %dma_wait3A_361 = tpu.memref_slice %arg5[%dma_wait3A_350, %dma_wait3A_359, %dma_wait3A_360] : memref<2x224x224xf32, #tpu.memory_space<vmem>> -> memref<1x224x224xf32, #tpu.memory_space<vmem>>
    %dma_wait3A_362 = tpu.memref_squeeze %dma_wait3A_361 : memref<1x224x224xf32, #tpu.memory_space<vmem>> -> memref<224x224xf32, #tpu.memory_space<vmem>>
    %dma_wait3A_363 = arith.constant 0 : i32
    %dma_wait3A_364 = arith.constant 0 : i32
    %dma_wait3A_365 = tpu.memref_slice %arg3[%add3A_8, %dma_wait3A_349, %dma_wait3A_363, %dma_wait3A_364] : memref<384x2x224x224xf32, #tpu.memory_space<hbm>> -> memref<1x1x224x224xf32, #tpu.memory_space<hbm>>
    %dma_wait3A_366 = tpu.memref_squeeze %dma_wait3A_365 : memref<1x1x224x224xf32, #tpu.memory_space<hbm>> -> memref<224x224xf32, #tpu.memory_space<hbm>>
    tpu.wait_dma2 semaphore(%arg6 : memref<!tpu.dma_semaphore, #tpu.memory_space<semaphore_mem>>) src(%dma_wait3A_366 : memref<224x224xf32, #tpu.memory_space<hbm>>) dst(%dma_wait3A_362 : memref<224x224xf32, #tpu.memory_space<vmem>>)
    %dma_start3A_367 = arith.constant 0 : i32
    %dma_start3A_368 = arith.constant 0 : i32
    %dma_start3A_369 = arith.constant 0 : i32
    %dma_start3A_370 = arith.constant 0 : i32
    %dma_start3A_371 = tpu.memref_slice %arg5[%dma_start3A_367, %dma_start3A_369, %dma_start3A_370] : memref<2x224x224xf32, #tpu.memory_space<vmem>> -> memref<1x224x224xf32, #tpu.memory_space<vmem>>
    %dma_start3A_372 = tpu.memref_squeeze %dma_start3A_371 : memref<1x224x224xf32, #tpu.memory_space<vmem>> -> memref<224x224xf32, #tpu.memory_space<vmem>>
    %dma_start3A_373 = arith.constant 0 : i32
    %dma_start3A_374 = arith.constant 0 : i32
    %dma_start3A_375 = tpu.memref_slice %arg4[%add3A_8, %dma_start3A_368, %dma_start3A_373, %dma_start3A_374] : memref<384x2x224x224xf32, #tpu.memory_space<hbm>> -> memref<1x1x224x224xf32, #tpu.memory_space<hbm>>
    %dma_start3A_376 = tpu.memref_squeeze %dma_start3A_375 : memref<1x1x224x224xf32, #tpu.memory_space<hbm>> -> memref<224x224xf32, #tpu.memory_space<hbm>>
    %dma_start3A_377 = arith.constant 0 : i32
    %dma_start3A_378 = arith.constant 0 : i32
    %dma_start3A_379 = tpu.memref_slice %arg4[%add3A_8, %dma_start3A_368, %dma_start3A_377, %dma_start3A_378] : memref<384x2x224x224xf32, #tpu.memory_space<hbm>> -> memref<1x1x224x224xf32, #tpu.memory_space<hbm>>
    %dma_start3A_380 = tpu.memref_squeeze %dma_start3A_379 : memref<1x1x224x224xf32, #tpu.memory_space<hbm>> -> memref<224x224xf32, #tpu.memory_space<hbm>>
    %dma_start3A_381 = arith.constant 0 : i32
    %dma_start3A_382 = arith.constant 0 : i32
    %dma_start3A_383 = tpu.memref_slice %arg5[%dma_start3A_367, %dma_start3A_381, %dma_start3A_382] : memref<2x224x224xf32, #tpu.memory_space<vmem>> -> memref<1x224x224xf32, #tpu.memory_space<vmem>>
    %dma_start3A_384 = tpu.memref_squeeze %dma_start3A_383 : memref<1x224x224xf32, #tpu.memory_space<vmem>> -> memref<224x224xf32, #tpu.memory_space<vmem>>
    tpu.enqueue_dma source(%dma_start3A_384 : memref<224x224xf32, #tpu.memory_space<vmem>>) target(%dma_start3A_380 : memref<224x224xf32, #tpu.memory_space<hbm>>) target_semaphore(%arg7 : memref<!tpu.dma_semaphore, #tpu.memory_space<semaphore_mem>>)
    %dma_wait3A_385 = arith.constant 0 : i32
    %dma_wait3A_386 = arith.constant 0 : i32
    %dma_wait3A_387 = arith.constant 0 : i32
    %dma_wait3A_388 = arith.constant 0 : i32
    %dma_wait3A_389 = tpu.memref_slice %arg5[%dma_wait3A_385, %dma_wait3A_387, %dma_wait3A_388] : memref<2x224x224xf32, #tpu.memory_space<vmem>> -> memref<1x224x224xf32, #tpu.memory_space<vmem>>
    %dma_wait3A_390 = tpu.memref_squeeze %dma_wait3A_389 : memref<1x224x224xf32, #tpu.memory_space<vmem>> -> memref<224x224xf32, #tpu.memory_space<vmem>>
    %dma_wait3A_391 = arith.constant 0 : i32
    %dma_wait3A_392 = arith.constant 0 : i32
    %dma_wait3A_393 = tpu.memref_slice %arg4[%add3A_8, %dma_wait3A_386, %dma_wait3A_391, %dma_wait3A_392] : memref<384x2x224x224xf32, #tpu.memory_space<hbm>> -> memref<1x1x224x224xf32, #tpu.memory_space<hbm>>
    %dma_wait3A_394 = tpu.memref_squeeze %dma_wait3A_393 : memref<1x1x224x224xf32, #tpu.memory_space<hbm>> -> memref<224x224xf32, #tpu.memory_space<hbm>>
    %dma_wait3A_395 = arith.constant 0 : i32
    %dma_wait3A_396 = arith.constant 0 : i32
    %dma_wait3A_397 = tpu.memref_slice %arg4[%add3A_8, %dma_wait3A_386, %dma_wait3A_395, %dma_wait3A_396] : memref<384x2x224x224xf32, #tpu.memory_space<hbm>> -> memref<1x1x224x224xf32, #tpu.memory_space<hbm>>
    %dma_wait3A_398 = tpu.memref_squeeze %dma_wait3A_397 : memref<1x1x224x224xf32, #tpu.memory_space<hbm>> -> memref<224x224xf32, #tpu.memory_space<hbm>>
    %dma_wait3A_399 = arith.constant 0 : i32
    %dma_wait3A_400 = arith.constant 0 : i32
    %dma_wait3A_401 = tpu.memref_slice %arg5[%dma_wait3A_385, %dma_wait3A_399, %dma_wait3A_400] : memref<2x224x224xf32, #tpu.memory_space<vmem>> -> memref<1x224x224xf32, #tpu.memory_space<vmem>>
    %dma_wait3A_402 = tpu.memref_squeeze %dma_wait3A_401 : memref<1x224x224xf32, #tpu.memory_space<vmem>> -> memref<224x224xf32, #tpu.memory_space<vmem>>
    tpu.wait_dma2 semaphore(%arg7 : memref<!tpu.dma_semaphore, #tpu.memory_space<semaphore_mem>>) src(%dma_wait3A_402 : memref<224x224xf32, #tpu.memory_space<vmem>>) dst(%dma_wait3A_398 : memref<224x224xf32, #tpu.memory_space<hbm>>)
    %dma_start3A_403 = arith.constant 0 : i32
    %dma_start3A_404 = arith.constant 0 : i32
    %dma_start3A_405 = arith.constant 0 : i32
    %dma_start3A_406 = arith.constant 0 : i32
    %dma_start3A_407 = tpu.memref_slice %arg5[%dma_start3A_404, %dma_start3A_405, %dma_start3A_406] : memref<2x224x224xf32, #tpu.memory_space<vmem>> -> memref<1x224x224xf32, #tpu.memory_space<vmem>>
    %dma_start3A_408 = tpu.memref_squeeze %dma_start3A_407 : memref<1x224x224xf32, #tpu.memory_space<vmem>> -> memref<224x224xf32, #tpu.memory_space<vmem>>
    %dma_start3A_409 = arith.constant 0 : i32
    %dma_start3A_410 = arith.constant 0 : i32
    %dma_start3A_411 = tpu.memref_slice %arg3[%add3A_10, %dma_start3A_403, %dma_start3A_409, %dma_start3A_410] : memref<384x2x224x224xf32, #tpu.memory_space<hbm>> -> memref<1x1x224x224xf32, #tpu.memory_space<hbm>>
    %dma_start3A_412 = tpu.memref_squeeze %dma_start3A_411 : memref<1x1x224x224xf32, #tpu.memory_space<hbm>> -> memref<224x224xf32, #tpu.memory_space<hbm>>
    %dma_start3A_413 = arith.constant 0 : i32
    %dma_start3A_414 = arith.constant 0 : i32
    %dma_start3A_415 = tpu.memref_slice %arg5[%dma_start3A_404, %dma_start3A_413, %dma_start3A_414] : memref<2x224x224xf32, #tpu.memory_space<vmem>> -> memref<1x224x224xf32, #tpu.memory_space<vmem>>
    %dma_start3A_416 = tpu.memref_squeeze %dma_start3A_415 : memref<1x224x224xf32, #tpu.memory_space<vmem>> -> memref<224x224xf32, #tpu.memory_space<vmem>>
    %dma_start3A_417 = arith.constant 0 : i32
    %dma_start3A_418 = arith.constant 0 : i32
    %dma_start3A_419 = tpu.memref_slice %arg3[%add3A_10, %dma_start3A_403, %dma_start3A_417, %dma_start3A_418] : memref<384x2x224x224xf32, #tpu.memory_space<hbm>> -> memref<1x1x224x224xf32, #tpu.memory_space<hbm>>
    %dma_start3A_420 = tpu.memref_squeeze %dma_start3A_419 : memref<1x1x224x224xf32, #tpu.memory_space<hbm>> -> memref<224x224xf32, #tpu.memory_space<hbm>>
    tpu.enqueue_dma source(%dma_start3A_420 : memref<224x224xf32, #tpu.memory_space<hbm>>) target(%dma_start3A_416 : memref<224x224xf32, #tpu.memory_space<vmem>>) target_semaphore(%arg6 : memref<!tpu.dma_semaphore, #tpu.memory_space<semaphore_mem>>)
    %dma_wait3A_421 = arith.constant 1 : i32
    %dma_wait3A_422 = arith.constant 1 : i32
    %dma_wait3A_423 = arith.constant 0 : i32
    %dma_wait3A_424 = arith.constant 0 : i32
    %dma_wait3A_425 = tpu.memref_slice %arg5[%dma_wait3A_422, %dma_wait3A_423, %dma_wait3A_424] : memref<2x224x224xf32, #tpu.memory_space<vmem>> -> memref<1x224x224xf32, #tpu.memory_space<vmem>>
    %dma_wait3A_426 = tpu.memref_squeeze %dma_wait3A_425 : memref<1x224x224xf32, #tpu.memory_space<vmem>> -> memref<224x224xf32, #tpu.memory_space<vmem>>
    %dma_wait3A_427 = arith.constant 0 : i32
    %dma_wait3A_428 = arith.constant 0 : i32
    %dma_wait3A_429 = tpu.memref_slice %arg2[%add3A_8, %dma_wait3A_421, %dma_wait3A_427, %dma_wait3A_428] : memref<384x2x224x224xf32, #tpu.memory_space<hbm>> -> memref<1x1x224x224xf32, #tpu.memory_space<hbm>>
    %dma_wait3A_430 = tpu.memref_squeeze %dma_wait3A_429 : memref<1x1x224x224xf32, #tpu.memory_space<hbm>> -> memref<224x224xf32, #tpu.memory_space<hbm>>
    %dma_wait3A_431 = arith.constant 0 : i32
    %dma_wait3A_432 = arith.constant 0 : i32
    %dma_wait3A_433 = tpu.memref_slice %arg5[%dma_wait3A_422, %dma_wait3A_431, %dma_wait3A_432] : memref<2x224x224xf32, #tpu.memory_space<vmem>> -> memref<1x224x224xf32, #tpu.memory_space<vmem>>
    %dma_wait3A_434 = tpu.memref_squeeze %dma_wait3A_433 : memref<1x224x224xf32, #tpu.memory_space<vmem>> -> memref<224x224xf32, #tpu.memory_space<vmem>>
    %dma_wait3A_435 = arith.constant 0 : i32
    %dma_wait3A_436 = arith.constant 0 : i32
    %dma_wait3A_437 = tpu.memref_slice %arg2[%add3A_8, %dma_wait3A_421, %dma_wait3A_435, %dma_wait3A_436] : memref<384x2x224x224xf32, #tpu.memory_space<hbm>> -> memref<1x1x224x224xf32, #tpu.memory_space<hbm>>
    %dma_wait3A_438 = tpu.memref_squeeze %dma_wait3A_437 : memref<1x1x224x224xf32, #tpu.memory_space<hbm>> -> memref<224x224xf32, #tpu.memory_space<hbm>>
    tpu.wait_dma2 semaphore(%arg6 : memref<!tpu.dma_semaphore, #tpu.memory_space<semaphore_mem>>) src(%dma_wait3A_438 : memref<224x224xf32, #tpu.memory_space<hbm>>) dst(%dma_wait3A_434 : memref<224x224xf32, #tpu.memory_space<vmem>>)
    %dma_start3A_439 = arith.constant 1 : i32
    %dma_start3A_440 = arith.constant 1 : i32
    %dma_start3A_441 = arith.constant 0 : i32
    %dma_start3A_442 = arith.constant 0 : i32
    %dma_start3A_443 = tpu.memref_slice %arg5[%dma_start3A_439, %dma_start3A_441, %dma_start3A_442] : memref<2x224x224xf32, #tpu.memory_space<vmem>> -> memref<1x224x224xf32, #tpu.memory_space<vmem>>
    %dma_start3A_444 = tpu.memref_squeeze %dma_start3A_443 : memref<1x224x224xf32, #tpu.memory_space<vmem>> -> memref<224x224xf32, #tpu.memory_space<vmem>>
    %dma_start3A_445 = arith.constant 0 : i32
    %dma_start3A_446 = arith.constant 0 : i32
    %dma_start3A_447 = tpu.memref_slice %arg4[%add3A_8, %dma_start3A_440, %dma_start3A_445, %dma_start3A_446] : memref<384x2x224x224xf32, #tpu.memory_space<hbm>> -> memref<1x1x224x224xf32, #tpu.memory_space<hbm>>
    %dma_start3A_448 = tpu.memref_squeeze %dma_start3A_447 : memref<1x1x224x224xf32, #tpu.memory_space<hbm>> -> memref<224x224xf32, #tpu.memory_space<hbm>>
    %dma_start3A_449 = arith.constant 0 : i32
    %dma_start3A_450 = arith.constant 0 : i32
    %dma_start3A_451 = tpu.memref_slice %arg4[%add3A_8, %dma_start3A_440, %dma_start3A_449, %dma_start3A_450] : memref<384x2x224x224xf32, #tpu.memory_space<hbm>> -> memref<1x1x224x224xf32, #tpu.memory_space<hbm>>
    %dma_start3A_452 = tpu.memref_squeeze %dma_start3A_451 : memref<1x1x224x224xf32, #tpu.memory_space<hbm>> -> memref<224x224xf32, #tpu.memory_space<hbm>>
    %dma_start3A_453 = arith.constant 0 : i32
    %dma_start3A_454 = arith.constant 0 : i32
    %dma_start3A_455 = tpu.memref_slice %arg5[%dma_start3A_439, %dma_start3A_453, %dma_start3A_454] : memref<2x224x224xf32, #tpu.memory_space<vmem>> -> memref<1x224x224xf32, #tpu.memory_space<vmem>>
    %dma_start3A_456 = tpu.memref_squeeze %dma_start3A_455 : memref<1x224x224xf32, #tpu.memory_space<vmem>> -> memref<224x224xf32, #tpu.memory_space<vmem>>
    tpu.enqueue_dma source(%dma_start3A_456 : memref<224x224xf32, #tpu.memory_space<vmem>>) target(%dma_start3A_452 : memref<224x224xf32, #tpu.memory_space<hbm>>) target_semaphore(%arg7 : memref<!tpu.dma_semaphore, #tpu.memory_space<semaphore_mem>>)
    %dma_wait3A_457 = arith.constant 1 : i32
    %dma_wait3A_458 = arith.constant 1 : i32
    %dma_wait3A_459 = arith.constant 0 : i32
    %dma_wait3A_460 = arith.constant 0 : i32
    %dma_wait3A_461 = tpu.memref_slice %arg5[%dma_wait3A_457, %dma_wait3A_459, %dma_wait3A_460] : memref<2x224x224xf32, #tpu.memory_space<vmem>> -> memref<1x224x224xf32, #tpu.memory_space<vmem>>
    %dma_wait3A_462 = tpu.memref_squeeze %dma_wait3A_461 : memref<1x224x224xf32, #tpu.memory_space<vmem>> -> memref<224x224xf32, #tpu.memory_space<vmem>>
    %dma_wait3A_463 = arith.constant 0 : i32
    %dma_wait3A_464 = arith.constant 0 : i32
    %dma_wait3A_465 = tpu.memref_slice %arg4[%add3A_8, %dma_wait3A_458, %dma_wait3A_463, %dma_wait3A_464] : memref<384x2x224x224xf32, #tpu.memory_space<hbm>> -> memref<1x1x224x224xf32, #tpu.memory_space<hbm>>
    %dma_wait3A_466 = tpu.memref_squeeze %dma_wait3A_465 : memref<1x1x224x224xf32, #tpu.memory_space<hbm>> -> memref<224x224xf32, #tpu.memory_space<hbm>>
    %dma_wait3A_467 = arith.constant 0 : i32
    %dma_wait3A_468 = arith.constant 0 : i32
    %dma_wait3A_469 = tpu.memref_slice %arg4[%add3A_8, %dma_wait3A_458, %dma_wait3A_467, %dma_wait3A_468] : memref<384x2x224x224xf32, #tpu.memory_space<hbm>> -> memref<1x1x224x224xf32, #tpu.memory_space<hbm>>
    %dma_wait3A_470 = tpu.memref_squeeze %dma_wait3A_469 : memref<1x1x224x224xf32, #tpu.memory_space<hbm>> -> memref<224x224xf32, #tpu.memory_space<hbm>>
    %dma_wait3A_471 = arith.constant 0 : i32
    %dma_wait3A_472 = arith.constant 0 : i32
    %dma_wait3A_473 = tpu.memref_slice %arg5[%dma_wait3A_457, %dma_wait3A_471, %dma_wait3A_472] : memref<2x224x224xf32, #tpu.memory_space<vmem>> -> memref<1x224x224xf32, #tpu.memory_space<vmem>>
    %dma_wait3A_474 = tpu.memref_squeeze %dma_wait3A_473 : memref<1x224x224xf32, #tpu.memory_space<vmem>> -> memref<224x224xf32, #tpu.memory_space<vmem>>
    tpu.wait_dma2 semaphore(%arg7 : memref<!tpu.dma_semaphore, #tpu.memory_space<semaphore_mem>>) src(%dma_wait3A_474 : memref<224x224xf32, #tpu.memory_space<vmem>>) dst(%dma_wait3A_470 : memref<224x224xf32, #tpu.memory_space<hbm>>)
    %dma_start3A_475 = arith.constant 1 : i32
    %dma_start3A_476 = arith.constant 1 : i32
    %dma_start3A_477 = arith.constant 0 : i32
    %dma_start3A_478 = arith.constant 0 : i32
    %dma_start3A_479 = tpu.memref_slice %arg5[%dma_start3A_476, %dma_start3A_477, %dma_start3A_478] : memref<2x224x224xf32, #tpu.memory_space<vmem>> -> memref<1x224x224xf32, #tpu.memory_space<vmem>>
    %dma_start3A_480 = tpu.memref_squeeze %dma_start3A_479 : memref<1x224x224xf32, #tpu.memory_space<vmem>> -> memref<224x224xf32, #tpu.memory_space<vmem>>
    %dma_start3A_481 = arith.constant 0 : i32
    %dma_start3A_482 = arith.constant 0 : i32
    %dma_start3A_483 = tpu.memref_slice %arg2[%add3A_10, %dma_start3A_475, %dma_start3A_481, %dma_start3A_482] : memref<384x2x224x224xf32, #tpu.memory_space<hbm>> -> memref<1x1x224x224xf32, #tpu.memory_space<hbm>>
    %dma_start3A_484 = tpu.memref_squeeze %dma_start3A_483 : memref<1x1x224x224xf32, #tpu.memory_space<hbm>> -> memref<224x224xf32, #tpu.memory_space<hbm>>
    %dma_start3A_485 = arith.constant 0 : i32
    %dma_start3A_486 = arith.constant 0 : i32
    %dma_start3A_487 = tpu.memref_slice %arg5[%dma_start3A_476, %dma_start3A_485, %dma_start3A_486] : memref<2x224x224xf32, #tpu.memory_space<vmem>> -> memref<1x224x224xf32, #tpu.memory_space<vmem>>
    %dma_start3A_488 = tpu.memref_squeeze %dma_start3A_487 : memref<1x224x224xf32, #tpu.memory_space<vmem>> -> memref<224x224xf32, #tpu.memory_space<vmem>>
    %dma_start3A_489 = arith.constant 0 : i32
    %dma_start3A_490 = arith.constant 0 : i32
    %dma_start3A_491 = tpu.memref_slice %arg2[%add3A_10, %dma_start3A_475, %dma_start3A_489, %dma_start3A_490] : memref<384x2x224x224xf32, #tpu.memory_space<hbm>> -> memref<1x1x224x224xf32, #tpu.memory_space<hbm>>
    %dma_start3A_492 = tpu.memref_squeeze %dma_start3A_491 : memref<1x1x224x224xf32, #tpu.memory_space<hbm>> -> memref<224x224xf32, #tpu.memory_space<hbm>>
    tpu.enqueue_dma source(%dma_start3A_492 : memref<224x224xf32, #tpu.memory_space<hbm>>) target(%dma_start3A_488 : memref<224x224xf32, #tpu.memory_space<vmem>>) target_semaphore(%arg6 : memref<!tpu.dma_semaphore, #tpu.memory_space<semaphore_mem>>)
    %dma_wait3A_493 = arith.constant 0 : i32
    %dma_wait3A_494 = arith.constant 0 : i32
    %dma_wait3A_495 = arith.constant 0 : i32
    %dma_wait3A_496 = arith.constant 0 : i32
    %dma_wait3A_497 = tpu.memref_slice %arg5[%dma_wait3A_494, %dma_wait3A_495, %dma_wait3A_496] : memref<2x224x224xf32, #tpu.memory_space<vmem>> -> memref<1x224x224xf32, #tpu.memory_space<vmem>>
    %dma_wait3A_498 = tpu.memref_squeeze %dma_wait3A_497 : memref<1x224x224xf32, #tpu.memory_space<vmem>> -> memref<224x224xf32, #tpu.memory_space<vmem>>
    %dma_wait3A_499 = arith.constant 0 : i32
    %dma_wait3A_500 = arith.constant 0 : i32
    %dma_wait3A_501 = tpu.memref_slice %arg3[%add3A_10, %dma_wait3A_493, %dma_wait3A_499, %dma_wait3A_500] : memref<384x2x224x224xf32, #tpu.memory_space<hbm>> -> memref<1x1x224x224xf32, #tpu.memory_space<hbm>>
    %dma_wait3A_502 = tpu.memref_squeeze %dma_wait3A_501 : memref<1x1x224x224xf32, #tpu.memory_space<hbm>> -> memref<224x224xf32, #tpu.memory_space<hbm>>
    %dma_wait3A_503 = arith.constant 0 : i32
    %dma_wait3A_504 = arith.constant 0 : i32
    %dma_wait3A_505 = tpu.memref_slice %arg5[%dma_wait3A_494, %dma_wait3A_503, %dma_wait3A_504] : memref<2x224x224xf32, #tpu.memory_space<vmem>> -> memref<1x224x224xf32, #tpu.memory_space<vmem>>
    %dma_wait3A_506 = tpu.memref_squeeze %dma_wait3A_505 : memref<1x224x224xf32, #tpu.memory_space<vmem>> -> memref<224x224xf32, #tpu.memory_space<vmem>>
    %dma_wait3A_507 = arith.constant 0 : i32
    %dma_wait3A_508 = arith.constant 0 : i32
    %dma_wait3A_509 = tpu.memref_slice %arg3[%add3A_10, %dma_wait3A_493, %dma_wait3A_507, %dma_wait3A_508] : memref<384x2x224x224xf32, #tpu.memory_space<hbm>> -> memref<1x1x224x224xf32, #tpu.memory_space<hbm>>
    %dma_wait3A_510 = tpu.memref_squeeze %dma_wait3A_509 : memref<1x1x224x224xf32, #tpu.memory_space<hbm>> -> memref<224x224xf32, #tpu.memory_space<hbm>>
    tpu.wait_dma2 semaphore(%arg6 : memref<!tpu.dma_semaphore, #tpu.memory_space<semaphore_mem>>) src(%dma_wait3A_510 : memref<224x224xf32, #tpu.memory_space<hbm>>) dst(%dma_wait3A_506 : memref<224x224xf32, #tpu.memory_space<vmem>>)
    %dma_start3A_511 = arith.constant 0 : i32
    %dma_start3A_512 = arith.constant 0 : i32
    %dma_start3A_513 = arith.constant 0 : i32
    %dma_start3A_514 = arith.constant 0 : i32
    %dma_start3A_515 = tpu.memref_slice %arg5[%dma_start3A_511, %dma_start3A_513, %dma_start3A_514] : memref<2x224x224xf32, #tpu.memory_space<vmem>> -> memref<1x224x224xf32, #tpu.memory_space<vmem>>
    %dma_start3A_516 = tpu.memref_squeeze %dma_start3A_515 : memref<1x224x224xf32, #tpu.memory_space<vmem>> -> memref<224x224xf32, #tpu.memory_space<vmem>>
    %dma_start3A_517 = arith.constant 0 : i32
    %dma_start3A_518 = arith.constant 0 : i32
    %dma_start3A_519 = tpu.memref_slice %arg4[%add3A_10, %dma_start3A_512, %dma_start3A_517, %dma_start3A_518] : memref<384x2x224x224xf32, #tpu.memory_space<hbm>> -> memref<1x1x224x224xf32, #tpu.memory_space<hbm>>
    %dma_start3A_520 = tpu.memref_squeeze %dma_start3A_519 : memref<1x1x224x224xf32, #tpu.memory_space<hbm>> -> memref<224x224xf32, #tpu.memory_space<hbm>>
    %dma_start3A_521 = arith.constant 0 : i32
    %dma_start3A_522 = arith.constant 0 : i32
    %dma_start3A_523 = tpu.memref_slice %arg4[%add3A_10, %dma_start3A_512, %dma_start3A_521, %dma_start3A_522] : memref<384x2x224x224xf32, #tpu.memory_space<hbm>> -> memref<1x1x224x224xf32, #tpu.memory_space<hbm>>
    %dma_start3A_524 = tpu.memref_squeeze %dma_start3A_523 : memref<1x1x224x224xf32, #tpu.memory_space<hbm>> -> memref<224x224xf32, #tpu.memory_space<hbm>>
    %dma_start3A_525 = arith.constant 0 : i32
    %dma_start3A_526 = arith.constant 0 : i32
    %dma_start3A_527 = tpu.memref_slice %arg5[%dma_start3A_511, %dma_start3A_525, %dma_start3A_526] : memref<2x224x224xf32, #tpu.memory_space<vmem>> -> memref<1x224x224xf32, #tpu.memory_space<vmem>>
    %dma_start3A_528 = tpu.memref_squeeze %dma_start3A_527 : memref<1x224x224xf32, #tpu.memory_space<vmem>> -> memref<224x224xf32, #tpu.memory_space<vmem>>
    tpu.enqueue_dma source(%dma_start3A_528 : memref<224x224xf32, #tpu.memory_space<vmem>>) target(%dma_start3A_524 : memref<224x224xf32, #tpu.memory_space<hbm>>) target_semaphore(%arg7 : memref<!tpu.dma_semaphore, #tpu.memory_space<semaphore_mem>>)
    %dma_wait3A_529 = arith.constant 0 : i32
    %dma_wait3A_530 = arith.constant 0 : i32
    %dma_wait3A_531 = arith.constant 0 : i32
    %dma_wait3A_532 = arith.constant 0 : i32
    %dma_wait3A_533 = tpu.memref_slice %arg5[%dma_wait3A_529, %dma_wait3A_531, %dma_wait3A_532] : memref<2x224x224xf32, #tpu.memory_space<vmem>> -> memref<1x224x224xf32, #tpu.memory_space<vmem>>
    %dma_wait3A_534 = tpu.memref_squeeze %dma_wait3A_533 : memref<1x224x224xf32, #tpu.memory_space<vmem>> -> memref<224x224xf32, #tpu.memory_space<vmem>>
    %dma_wait3A_535 = arith.constant 0 : i32
    %dma_wait3A_536 = arith.constant 0 : i32
    %dma_wait3A_537 = tpu.memref_slice %arg4[%add3A_10, %dma_wait3A_530, %dma_wait3A_535, %dma_wait3A_536] : memref<384x2x224x224xf32, #tpu.memory_space<hbm>> -> memref<1x1x224x224xf32, #tpu.memory_space<hbm>>
    %dma_wait3A_538 = tpu.memref_squeeze %dma_wait3A_537 : memref<1x1x224x224xf32, #tpu.memory_space<hbm>> -> memref<224x224xf32, #tpu.memory_space<hbm>>
    %dma_wait3A_539 = arith.constant 0 : i32
    %dma_wait3A_540 = arith.constant 0 : i32
    %dma_wait3A_541 = tpu.memref_slice %arg4[%add3A_10, %dma_wait3A_530, %dma_wait3A_539, %dma_wait3A_540] : memref<384x2x224x224xf32, #tpu.memory_space<hbm>> -> memref<1x1x224x224xf32, #tpu.memory_space<hbm>>
    %dma_wait3A_542 = tpu.memref_squeeze %dma_wait3A_541 : memref<1x1x224x224xf32, #tpu.memory_space<hbm>> -> memref<224x224xf32, #tpu.memory_space<hbm>>
    %dma_wait3A_543 = arith.constant 0 : i32
    %dma_wait3A_544 = arith.constant 0 : i32
    %dma_wait3A_545 = tpu.memref_slice %arg5[%dma_wait3A_529, %dma_wait3A_543, %dma_wait3A_544] : memref<2x224x224xf32, #tpu.memory_space<vmem>> -> memref<1x224x224xf32, #tpu.memory_space<vmem>>
    %dma_wait3A_546 = tpu.memref_squeeze %dma_wait3A_545 : memref<1x224x224xf32, #tpu.memory_space<vmem>> -> memref<224x224xf32, #tpu.memory_space<vmem>>
    tpu.wait_dma2 semaphore(%arg7 : memref<!tpu.dma_semaphore, #tpu.memory_space<semaphore_mem>>) src(%dma_wait3A_546 : memref<224x224xf32, #tpu.memory_space<vmem>>) dst(%dma_wait3A_542 : memref<224x224xf32, #tpu.memory_space<hbm>>)
    %dma_start3A_547 = arith.constant 0 : i32
    %dma_start3A_548 = arith.constant 0 : i32
    %dma_start3A_549 = arith.constant 0 : i32
    %dma_start3A_550 = arith.constant 0 : i32
    %dma_start3A_551 = tpu.memref_slice %arg5[%dma_start3A_548, %dma_start3A_549, %dma_start3A_550] : memref<2x224x224xf32, #tpu.memory_space<vmem>> -> memref<1x224x224xf32, #tpu.memory_space<vmem>>
    %dma_start3A_552 = tpu.memref_squeeze %dma_start3A_551 : memref<1x224x224xf32, #tpu.memory_space<vmem>> -> memref<224x224xf32, #tpu.memory_space<vmem>>
    %dma_start3A_553 = arith.constant 0 : i32
    %dma_start3A_554 = arith.constant 0 : i32
    %dma_start3A_555 = tpu.memref_slice %arg3[%add3A_12, %dma_start3A_547, %dma_start3A_553, %dma_start3A_554] : memref<384x2x224x224xf32, #tpu.memory_space<hbm>> -> memref<1x1x224x224xf32, #tpu.memory_space<hbm>>
    %dma_start3A_556 = tpu.memref_squeeze %dma_start3A_555 : memref<1x1x224x224xf32, #tpu.memory_space<hbm>> -> memref<224x224xf32, #tpu.memory_space<hbm>>
    %dma_start3A_557 = arith.constant 0 : i32
    %dma_start3A_558 = arith.constant 0 : i32
    %dma_start3A_559 = tpu.memref_slice %arg5[%dma_start3A_548, %dma_start3A_557, %dma_start3A_558] : memref<2x224x224xf32, #tpu.memory_space<vmem>> -> memref<1x224x224xf32, #tpu.memory_space<vmem>>
    %dma_start3A_560 = tpu.memref_squeeze %dma_start3A_559 : memref<1x224x224xf32, #tpu.memory_space<vmem>> -> memref<224x224xf32, #tpu.memory_space<vmem>>
    %dma_start3A_561 = arith.constant 0 : i32
    %dma_start3A_562 = arith.constant 0 : i32
    %dma_start3A_563 = tpu.memref_slice %arg3[%add3A_12, %dma_start3A_547, %dma_start3A_561, %dma_start3A_562] : memref<384x2x224x224xf32, #tpu.memory_space<hbm>> -> memref<1x1x224x224xf32, #tpu.memory_space<hbm>>
    %dma_start3A_564 = tpu.memref_squeeze %dma_start3A_563 : memref<1x1x224x224xf32, #tpu.memory_space<hbm>> -> memref<224x224xf32, #tpu.memory_space<hbm>>
    tpu.enqueue_dma source(%dma_start3A_564 : memref<224x224xf32, #tpu.memory_space<hbm>>) target(%dma_start3A_560 : memref<224x224xf32, #tpu.memory_space<vmem>>) target_semaphore(%arg6 : memref<!tpu.dma_semaphore, #tpu.memory_space<semaphore_mem>>)
    %dma_wait3A_565 = arith.constant 1 : i32
    %dma_wait3A_566 = arith.constant 1 : i32
    %dma_wait3A_567 = arith.constant 0 : i32
    %dma_wait3A_568 = arith.constant 0 : i32
    %dma_wait3A_569 = tpu.memref_slice %arg5[%dma_wait3A_566, %dma_wait3A_567, %dma_wait3A_568] : memref<2x224x224xf32, #tpu.memory_space<vmem>> -> memref<1x224x224xf32, #tpu.memory_space<vmem>>
    %dma_wait3A_570 = tpu.memref_squeeze %dma_wait3A_569 : memref<1x224x224xf32, #tpu.memory_space<vmem>> -> memref<224x224xf32, #tpu.memory_space<vmem>>
    %dma_wait3A_571 = arith.constant 0 : i32
    %dma_wait3A_572 = arith.constant 0 : i32
    %dma_wait3A_573 = tpu.memref_slice %arg2[%add3A_10, %dma_wait3A_565, %dma_wait3A_571, %dma_wait3A_572] : memref<384x2x224x224xf32, #tpu.memory_space<hbm>> -> memref<1x1x224x224xf32, #tpu.memory_space<hbm>>
    %dma_wait3A_574 = tpu.memref_squeeze %dma_wait3A_573 : memref<1x1x224x224xf32, #tpu.memory_space<hbm>> -> memref<224x224xf32, #tpu.memory_space<hbm>>
    %dma_wait3A_575 = arith.constant 0 : i32
    %dma_wait3A_576 = arith.constant 0 : i32
    %dma_wait3A_577 = tpu.memref_slice %arg5[%dma_wait3A_566, %dma_wait3A_575, %dma_wait3A_576] : memref<2x224x224xf32, #tpu.memory_space<vmem>> -> memref<1x224x224xf32, #tpu.memory_space<vmem>>
    %dma_wait3A_578 = tpu.memref_squeeze %dma_wait3A_577 : memref<1x224x224xf32, #tpu.memory_space<vmem>> -> memref<224x224xf32, #tpu.memory_space<vmem>>
    %dma_wait3A_579 = arith.constant 0 : i32
    %dma_wait3A_580 = arith.constant 0 : i32
    %dma_wait3A_581 = tpu.memref_slice %arg2[%add3A_10, %dma_wait3A_565, %dma_wait3A_579, %dma_wait3A_580] : memref<384x2x224x224xf32, #tpu.memory_space<hbm>> -> memref<1x1x224x224xf32, #tpu.memory_space<hbm>>
    %dma_wait3A_582 = tpu.memref_squeeze %dma_wait3A_581 : memref<1x1x224x224xf32, #tpu.memory_space<hbm>> -> memref<224x224xf32, #tpu.memory_space<hbm>>
    tpu.wait_dma2 semaphore(%arg6 : memref<!tpu.dma_semaphore, #tpu.memory_space<semaphore_mem>>) src(%dma_wait3A_582 : memref<224x224xf32, #tpu.memory_space<hbm>>) dst(%dma_wait3A_578 : memref<224x224xf32, #tpu.memory_space<vmem>>)
    %dma_start3A_583 = arith.constant 1 : i32
    %dma_start3A_584 = arith.constant 1 : i32
    %dma_start3A_585 = arith.constant 0 : i32
    %dma_start3A_586 = arith.constant 0 : i32
    %dma_start3A_587 = tpu.memref_slice %arg5[%dma_start3A_583, %dma_start3A_585, %dma_start3A_586] : memref<2x224x224xf32, #tpu.memory_space<vmem>> -> memref<1x224x224xf32, #tpu.memory_space<vmem>>
    %dma_start3A_588 = tpu.memref_squeeze %dma_start3A_587 : memref<1x224x224xf32, #tpu.memory_space<vmem>> -> memref<224x224xf32, #tpu.memory_space<vmem>>
    %dma_start3A_589 = arith.constant 0 : i32
    %dma_start3A_590 = arith.constant 0 : i32
    %dma_start3A_591 = tpu.memref_slice %arg4[%add3A_10, %dma_start3A_584, %dma_start3A_589, %dma_start3A_590] : memref<384x2x224x224xf32, #tpu.memory_space<hbm>> -> memref<1x1x224x224xf32, #tpu.memory_space<hbm>>
    %dma_start3A_592 = tpu.memref_squeeze %dma_start3A_591 : memref<1x1x224x224xf32, #tpu.memory_space<hbm>> -> memref<224x224xf32, #tpu.memory_space<hbm>>
    %dma_start3A_593 = arith.constant 0 : i32
    %dma_start3A_594 = arith.constant 0 : i32
    %dma_start3A_595 = tpu.memref_slice %arg4[%add3A_10, %dma_start3A_584, %dma_start3A_593, %dma_start3A_594] : memref<384x2x224x224xf32, #tpu.memory_space<hbm>> -> memref<1x1x224x224xf32, #tpu.memory_space<hbm>>
    %dma_start3A_596 = tpu.memref_squeeze %dma_start3A_595 : memref<1x1x224x224xf32, #tpu.memory_space<hbm>> -> memref<224x224xf32, #tpu.memory_space<hbm>>
    %dma_start3A_597 = arith.constant 0 : i32
    %dma_start3A_598 = arith.constant 0 : i32
    %dma_start3A_599 = tpu.memref_slice %arg5[%dma_start3A_583, %dma_start3A_597, %dma_start3A_598] : memref<2x224x224xf32, #tpu.memory_space<vmem>> -> memref<1x224x224xf32, #tpu.memory_space<vmem>>
    %dma_start3A_600 = tpu.memref_squeeze %dma_start3A_599 : memref<1x224x224xf32, #tpu.memory_space<vmem>> -> memref<224x224xf32, #tpu.memory_space<vmem>>
    tpu.enqueue_dma source(%dma_start3A_600 : memref<224x224xf32, #tpu.memory_space<vmem>>) target(%dma_start3A_596 : memref<224x224xf32, #tpu.memory_space<hbm>>) target_semaphore(%arg7 : memref<!tpu.dma_semaphore, #tpu.memory_space<semaphore_mem>>)
    %dma_wait3A_601 = arith.constant 1 : i32
    %dma_wait3A_602 = arith.constant 1 : i32
    %dma_wait3A_603 = arith.constant 0 : i32
    %dma_wait3A_604 = arith.constant 0 : i32
    %dma_wait3A_605 = tpu.memref_slice %arg5[%dma_wait3A_601, %dma_wait3A_603, %dma_wait3A_604] : memref<2x224x224xf32, #tpu.memory_space<vmem>> -> memref<1x224x224xf32, #tpu.memory_space<vmem>>
    %dma_wait3A_606 = tpu.memref_squeeze %dma_wait3A_605 : memref<1x224x224xf32, #tpu.memory_space<vmem>> -> memref<224x224xf32, #tpu.memory_space<vmem>>
    %dma_wait3A_607 = arith.constant 0 : i32
    %dma_wait3A_608 = arith.constant 0 : i32
    %dma_wait3A_609 = tpu.memref_slice %arg4[%add3A_10, %dma_wait3A_602, %dma_wait3A_607, %dma_wait3A_608] : memref<384x2x224x224xf32, #tpu.memory_space<hbm>> -> memref<1x1x224x224xf32, #tpu.memory_space<hbm>>
    %dma_wait3A_610 = tpu.memref_squeeze %dma_wait3A_609 : memref<1x1x224x224xf32, #tpu.memory_space<hbm>> -> memref<224x224xf32, #tpu.memory_space<hbm>>
    %dma_wait3A_611 = arith.constant 0 : i32
    %dma_wait3A_612 = arith.constant 0 : i32
    %dma_wait3A_613 = tpu.memref_slice %arg4[%add3A_10, %dma_wait3A_602, %dma_wait3A_611, %dma_wait3A_612] : memref<384x2x224x224xf32, #tpu.memory_space<hbm>> -> memref<1x1x224x224xf32, #tpu.memory_space<hbm>>
    %dma_wait3A_614 = tpu.memref_squeeze %dma_wait3A_613 : memref<1x1x224x224xf32, #tpu.memory_space<hbm>> -> memref<224x224xf32, #tpu.memory_space<hbm>>
    %dma_wait3A_615 = arith.constant 0 : i32
    %dma_wait3A_616 = arith.constant 0 : i32
    %dma_wait3A_617 = tpu.memref_slice %arg5[%dma_wait3A_601, %dma_wait3A_615, %dma_wait3A_616] : memref<2x224x224xf32, #tpu.memory_space<vmem>> -> memref<1x224x224xf32, #tpu.memory_space<vmem>>
    %dma_wait3A_618 = tpu.memref_squeeze %dma_wait3A_617 : memref<1x224x224xf32, #tpu.memory_space<vmem>> -> memref<224x224xf32, #tpu.memory_space<vmem>>
    tpu.wait_dma2 semaphore(%arg7 : memref<!tpu.dma_semaphore, #tpu.memory_space<semaphore_mem>>) src(%dma_wait3A_618 : memref<224x224xf32, #tpu.memory_space<vmem>>) dst(%dma_wait3A_614 : memref<224x224xf32, #tpu.memory_space<hbm>>)
    %dma_start3A_619 = arith.constant 1 : i32
    %dma_start3A_620 = arith.constant 1 : i32
    %dma_start3A_621 = arith.constant 0 : i32
    %dma_start3A_622 = arith.constant 0 : i32
    %dma_start3A_623 = tpu.memref_slice %arg5[%dma_start3A_620, %dma_start3A_621, %dma_start3A_622] : memref<2x224x224xf32, #tpu.memory_space<vmem>> -> memref<1x224x224xf32, #tpu.memory_space<vmem>>
    %dma_start3A_624 = tpu.memref_squeeze %dma_start3A_623 : memref<1x224x224xf32, #tpu.memory_space<vmem>> -> memref<224x224xf32, #tpu.memory_space<vmem>>
    %dma_start3A_625 = arith.constant 0 : i32
    %dma_start3A_626 = arith.constant 0 : i32
    %dma_start3A_627 = tpu.memref_slice %arg2[%add3A_12, %dma_start3A_619, %dma_start3A_625, %dma_start3A_626] : memref<384x2x224x224xf32, #tpu.memory_space<hbm>> -> memref<1x1x224x224xf32, #tpu.memory_space<hbm>>
    %dma_start3A_628 = tpu.memref_squeeze %dma_start3A_627 : memref<1x1x224x224xf32, #tpu.memory_space<hbm>> -> memref<224x224xf32, #tpu.memory_space<hbm>>
    %dma_start3A_629 = arith.constant 0 : i32
    %dma_start3A_630 = arith.constant 0 : i32
    %dma_start3A_631 = tpu.memref_slice %arg5[%dma_start3A_620, %dma_start3A_629, %dma_start3A_630] : memref<2x224x224xf32, #tpu.memory_space<vmem>> -> memref<1x224x224xf32, #tpu.memory_space<vmem>>
    %dma_start3A_632 = tpu.memref_squeeze %dma_start3A_631 : memref<1x224x224xf32, #tpu.memory_space<vmem>> -> memref<224x224xf32, #tpu.memory_space<vmem>>
    %dma_start3A_633 = arith.constant 0 : i32
    %dma_start3A_634 = arith.constant 0 : i32
    %dma_start3A_635 = tpu.memref_slice %arg2[%add3A_12, %dma_start3A_619, %dma_start3A_633, %dma_start3A_634] : memref<384x2x224x224xf32, #tpu.memory_space<hbm>> -> memref<1x1x224x224xf32, #tpu.memory_space<hbm>>
    %dma_start3A_636 = tpu.memref_squeeze %dma_start3A_635 : memref<1x1x224x224xf32, #tpu.memory_space<hbm>> -> memref<224x224xf32, #tpu.memory_space<hbm>>
    tpu.enqueue_dma source(%dma_start3A_636 : memref<224x224xf32, #tpu.memory_space<hbm>>) target(%dma_start3A_632 : memref<224x224xf32, #tpu.memory_space<vmem>>) target_semaphore(%arg6 : memref<!tpu.dma_semaphore, #tpu.memory_space<semaphore_mem>>)
    %dma_wait3A_637 = arith.constant 0 : i32
    %dma_wait3A_638 = arith.constant 0 : i32
    %dma_wait3A_639 = arith.constant 0 : i32
    %dma_wait3A_640 = arith.constant 0 : i32
    %dma_wait3A_641 = tpu.memref_slice %arg5[%dma_wait3A_638, %dma_wait3A_639, %dma_wait3A_640] : memref<2x224x224xf32, #tpu.memory_space<vmem>> -> memref<1x224x224xf32, #tpu.memory_space<vmem>>
    %dma_wait3A_642 = tpu.memref_squeeze %dma_wait3A_641 : memref<1x224x224xf32, #tpu.memory_space<vmem>> -> memref<224x224xf32, #tpu.memory_space<vmem>>
    %dma_wait3A_643 = arith.constant 0 : i32
    %dma_wait3A_644 = arith.constant 0 : i32
    %dma_wait3A_645 = tpu.memref_slice %arg3[%add3A_12, %dma_wait3A_637, %dma_wait3A_643, %dma_wait3A_644] : memref<384x2x224x224xf32, #tpu.memory_space<hbm>> -> memref<1x1x224x224xf32, #tpu.memory_space<hbm>>
    %dma_wait3A_646 = tpu.memref_squeeze %dma_wait3A_645 : memref<1x1x224x224xf32, #tpu.memory_space<hbm>> -> memref<224x224xf32, #tpu.memory_space<hbm>>
    %dma_wait3A_647 = arith.constant 0 : i32
    %dma_wait3A_648 = arith.constant 0 : i32
    %dma_wait3A_649 = tpu.memref_slice %arg5[%dma_wait3A_638, %dma_wait3A_647, %dma_wait3A_648] : memref<2x224x224xf32, #tpu.memory_space<vmem>> -> memref<1x224x224xf32, #tpu.memory_space<vmem>>
    %dma_wait3A_650 = tpu.memref_squeeze %dma_wait3A_649 : memref<1x224x224xf32, #tpu.memory_space<vmem>> -> memref<224x224xf32, #tpu.memory_space<vmem>>
    %dma_wait3A_651 = arith.constant 0 : i32
    %dma_wait3A_652 = arith.constant 0 : i32
    %dma_wait3A_653 = tpu.memref_slice %arg3[%add3A_12, %dma_wait3A_637, %dma_wait3A_651, %dma_wait3A_652] : memref<384x2x224x224xf32, #tpu.memory_space<hbm>> -> memref<1x1x224x224xf32, #tpu.memory_space<hbm>>
    %dma_wait3A_654 = tpu.memref_squeeze %dma_wait3A_653 : memref<1x1x224x224xf32, #tpu.memory_space<hbm>> -> memref<224x224xf32, #tpu.memory_space<hbm>>
    tpu.wait_dma2 semaphore(%arg6 : memref<!tpu.dma_semaphore, #tpu.memory_space<semaphore_mem>>) src(%dma_wait3A_654 : memref<224x224xf32, #tpu.memory_space<hbm>>) dst(%dma_wait3A_650 : memref<224x224xf32, #tpu.memory_space<vmem>>)
    %dma_start3A_655 = arith.constant 0 : i32
    %dma_start3A_656 = arith.constant 0 : i32
    %dma_start3A_657 = arith.constant 0 : i32
    %dma_start3A_658 = arith.constant 0 : i32
    %dma_start3A_659 = tpu.memref_slice %arg5[%dma_start3A_655, %dma_start3A_657, %dma_start3A_658] : memref<2x224x224xf32, #tpu.memory_space<vmem>> -> memref<1x224x224xf32, #tpu.memory_space<vmem>>
    %dma_start3A_660 = tpu.memref_squeeze %dma_start3A_659 : memref<1x224x224xf32, #tpu.memory_space<vmem>> -> memref<224x224xf32, #tpu.memory_space<vmem>>
    %dma_start3A_661 = arith.constant 0 : i32
    %dma_start3A_662 = arith.constant 0 : i32
    %dma_start3A_663 = tpu.memref_slice %arg4[%add3A_12, %dma_start3A_656, %dma_start3A_661, %dma_start3A_662] : memref<384x2x224x224xf32, #tpu.memory_space<hbm>> -> memref<1x1x224x224xf32, #tpu.memory_space<hbm>>
    %dma_start3A_664 = tpu.memref_squeeze %dma_start3A_663 : memref<1x1x224x224xf32, #tpu.memory_space<hbm>> -> memref<224x224xf32, #tpu.memory_space<hbm>>
    %dma_start3A_665 = arith.constant 0 : i32
    %dma_start3A_666 = arith.constant 0 : i32
    %dma_start3A_667 = tpu.memref_slice %arg4[%add3A_12, %dma_start3A_656, %dma_start3A_665, %dma_start3A_666] : memref<384x2x224x224xf32, #tpu.memory_space<hbm>> -> memref<1x1x224x224xf32, #tpu.memory_space<hbm>>
    %dma_start3A_668 = tpu.memref_squeeze %dma_start3A_667 : memref<1x1x224x224xf32, #tpu.memory_space<hbm>> -> memref<224x224xf32, #tpu.memory_space<hbm>>
    %dma_start3A_669 = arith.constant 0 : i32
    %dma_start3A_670 = arith.constant 0 : i32
    %dma_start3A_671 = tpu.memref_slice %arg5[%dma_start3A_655, %dma_start3A_669, %dma_start3A_670] : memref<2x224x224xf32, #tpu.memory_space<vmem>> -> memref<1x224x224xf32, #tpu.memory_space<vmem>>
    %dma_start3A_672 = tpu.memref_squeeze %dma_start3A_671 : memref<1x224x224xf32, #tpu.memory_space<vmem>> -> memref<224x224xf32, #tpu.memory_space<vmem>>
    tpu.enqueue_dma source(%dma_start3A_672 : memref<224x224xf32, #tpu.memory_space<vmem>>) target(%dma_start3A_668 : memref<224x224xf32, #tpu.memory_space<hbm>>) target_semaphore(%arg7 : memref<!tpu.dma_semaphore, #tpu.memory_space<semaphore_mem>>)
    %dma_wait3A_673 = arith.constant 0 : i32
    %dma_wait3A_674 = arith.constant 0 : i32
    %dma_wait3A_675 = arith.constant 0 : i32
    %dma_wait3A_676 = arith.constant 0 : i32
    %dma_wait3A_677 = tpu.memref_slice %arg5[%dma_wait3A_673, %dma_wait3A_675, %dma_wait3A_676] : memref<2x224x224xf32, #tpu.memory_space<vmem>> -> memref<1x224x224xf32, #tpu.memory_space<vmem>>
    %dma_wait3A_678 = tpu.memref_squeeze %dma_wait3A_677 : memref<1x224x224xf32, #tpu.memory_space<vmem>> -> memref<224x224xf32, #tpu.memory_space<vmem>>
    %dma_wait3A_679 = arith.constant 0 : i32
    %dma_wait3A_680 = arith.constant 0 : i32
    %dma_wait3A_681 = tpu.memref_slice %arg4[%add3A_12, %dma_wait3A_674, %dma_wait3A_679, %dma_wait3A_680] : memref<384x2x224x224xf32, #tpu.memory_space<hbm>> -> memref<1x1x224x224xf32, #tpu.memory_space<hbm>>
    %dma_wait3A_682 = tpu.memref_squeeze %dma_wait3A_681 : memref<1x1x224x224xf32, #tpu.memory_space<hbm>> -> memref<224x224xf32, #tpu.memory_space<hbm>>
    %dma_wait3A_683 = arith.constant 0 : i32
    %dma_wait3A_684 = arith.constant 0 : i32
    %dma_wait3A_685 = tpu.memref_slice %arg4[%add3A_12, %dma_wait3A_674, %dma_wait3A_683, %dma_wait3A_684] : memref<384x2x224x224xf32, #tpu.memory_space<hbm>> -> memref<1x1x224x224xf32, #tpu.memory_space<hbm>>
    %dma_wait3A_686 = tpu.memref_squeeze %dma_wait3A_685 : memref<1x1x224x224xf32, #tpu.memory_space<hbm>> -> memref<224x224xf32, #tpu.memory_space<hbm>>
    %dma_wait3A_687 = arith.constant 0 : i32
    %dma_wait3A_688 = arith.constant 0 : i32
    %dma_wait3A_689 = tpu.memref_slice %arg5[%dma_wait3A_673, %dma_wait3A_687, %dma_wait3A_688] : memref<2x224x224xf32, #tpu.memory_space<vmem>> -> memref<1x224x224xf32, #tpu.memory_space<vmem>>
    %dma_wait3A_690 = tpu.memref_squeeze %dma_wait3A_689 : memref<1x224x224xf32, #tpu.memory_space<vmem>> -> memref<224x224xf32, #tpu.memory_space<vmem>>
    tpu.wait_dma2 semaphore(%arg7 : memref<!tpu.dma_semaphore, #tpu.memory_space<semaphore_mem>>) src(%dma_wait3A_690 : memref<224x224xf32, #tpu.memory_space<vmem>>) dst(%dma_wait3A_686 : memref<224x224xf32, #tpu.memory_space<hbm>>)
    %dma_start3A_691 = arith.constant 0 : i32
    %dma_start3A_692 = arith.constant 0 : i32
    %dma_start3A_693 = arith.constant 0 : i32
    %dma_start3A_694 = arith.constant 0 : i32
    %dma_start3A_695 = tpu.memref_slice %arg5[%dma_start3A_692, %dma_start3A_693, %dma_start3A_694] : memref<2x224x224xf32, #tpu.memory_space<vmem>> -> memref<1x224x224xf32, #tpu.memory_space<vmem>>
    %dma_start3A_696 = tpu.memref_squeeze %dma_start3A_695 : memref<1x224x224xf32, #tpu.memory_space<vmem>> -> memref<224x224xf32, #tpu.memory_space<vmem>>
    %dma_start3A_697 = arith.constant 0 : i32
    %dma_start3A_698 = arith.constant 0 : i32
    %dma_start3A_699 = tpu.memref_slice %arg3[%add3A_14, %dma_start3A_691, %dma_start3A_697, %dma_start3A_698] : memref<384x2x224x224xf32, #tpu.memory_space<hbm>> -> memref<1x1x224x224xf32, #tpu.memory_space<hbm>>
    %dma_start3A_700 = tpu.memref_squeeze %dma_start3A_699 : memref<1x1x224x224xf32, #tpu.memory_space<hbm>> -> memref<224x224xf32, #tpu.memory_space<hbm>>
    %dma_start3A_701 = arith.constant 0 : i32
    %dma_start3A_702 = arith.constant 0 : i32
    %dma_start3A_703 = tpu.memref_slice %arg5[%dma_start3A_692, %dma_start3A_701, %dma_start3A_702] : memref<2x224x224xf32, #tpu.memory_space<vmem>> -> memref<1x224x224xf32, #tpu.memory_space<vmem>>
    %dma_start3A_704 = tpu.memref_squeeze %dma_start3A_703 : memref<1x224x224xf32, #tpu.memory_space<vmem>> -> memref<224x224xf32, #tpu.memory_space<vmem>>
    %dma_start3A_705 = arith.constant 0 : i32
    %dma_start3A_706 = arith.constant 0 : i32
    %dma_start3A_707 = tpu.memref_slice %arg3[%add3A_14, %dma_start3A_691, %dma_start3A_705, %dma_start3A_706] : memref<384x2x224x224xf32, #tpu.memory_space<hbm>> -> memref<1x1x224x224xf32, #tpu.memory_space<hbm>>
    %dma_start3A_708 = tpu.memref_squeeze %dma_start3A_707 : memref<1x1x224x224xf32, #tpu.memory_space<hbm>> -> memref<224x224xf32, #tpu.memory_space<hbm>>
    tpu.enqueue_dma source(%dma_start3A_708 : memref<224x224xf32, #tpu.memory_space<hbm>>) target(%dma_start3A_704 : memref<224x224xf32, #tpu.memory_space<vmem>>) target_semaphore(%arg6 : memref<!tpu.dma_semaphore, #tpu.memory_space<semaphore_mem>>)
    %dma_wait3A_709 = arith.constant 1 : i32
    %dma_wait3A_710 = arith.constant 1 : i32
    %dma_wait3A_711 = arith.constant 0 : i32
    %dma_wait3A_712 = arith.constant 0 : i32
    %dma_wait3A_713 = tpu.memref_slice %arg5[%dma_wait3A_710, %dma_wait3A_711, %dma_wait3A_712] : memref<2x224x224xf32, #tpu.memory_space<vmem>> -> memref<1x224x224xf32, #tpu.memory_space<vmem>>
    %dma_wait3A_714 = tpu.memref_squeeze %dma_wait3A_713 : memref<1x224x224xf32, #tpu.memory_space<vmem>> -> memref<224x224xf32, #tpu.memory_space<vmem>>
    %dma_wait3A_715 = arith.constant 0 : i32
    %dma_wait3A_716 = arith.constant 0 : i32
    %dma_wait3A_717 = tpu.memref_slice %arg2[%add3A_12, %dma_wait3A_709, %dma_wait3A_715, %dma_wait3A_716] : memref<384x2x224x224xf32, #tpu.memory_space<hbm>> -> memref<1x1x224x224xf32, #tpu.memory_space<hbm>>
    %dma_wait3A_718 = tpu.memref_squeeze %dma_wait3A_717 : memref<1x1x224x224xf32, #tpu.memory_space<hbm>> -> memref<224x224xf32, #tpu.memory_space<hbm>>
    %dma_wait3A_719 = arith.constant 0 : i32
    %dma_wait3A_720 = arith.constant 0 : i32
    %dma_wait3A_721 = tpu.memref_slice %arg5[%dma_wait3A_710, %dma_wait3A_719, %dma_wait3A_720] : memref<2x224x224xf32, #tpu.memory_space<vmem>> -> memref<1x224x224xf32, #tpu.memory_space<vmem>>
    %dma_wait3A_722 = tpu.memref_squeeze %dma_wait3A_721 : memref<1x224x224xf32, #tpu.memory_space<vmem>> -> memref<224x224xf32, #tpu.memory_space<vmem>>
    %dma_wait3A_723 = arith.constant 0 : i32
    %dma_wait3A_724 = arith.constant 0 : i32
    %dma_wait3A_725 = tpu.memref_slice %arg2[%add3A_12, %dma_wait3A_709, %dma_wait3A_723, %dma_wait3A_724] : memref<384x2x224x224xf32, #tpu.memory_space<hbm>> -> memref<1x1x224x224xf32, #tpu.memory_space<hbm>>
    %dma_wait3A_726 = tpu.memref_squeeze %dma_wait3A_725 : memref<1x1x224x224xf32, #tpu.memory_space<hbm>> -> memref<224x224xf32, #tpu.memory_space<hbm>>
    tpu.wait_dma2 semaphore(%arg6 : memref<!tpu.dma_semaphore, #tpu.memory_space<semaphore_mem>>) src(%dma_wait3A_726 : memref<224x224xf32, #tpu.memory_space<hbm>>) dst(%dma_wait3A_722 : memref<224x224xf32, #tpu.memory_space<vmem>>)
    %dma_start3A_727 = arith.constant 1 : i32
    %dma_start3A_728 = arith.constant 1 : i32
    %dma_start3A_729 = arith.constant 0 : i32
    %dma_start3A_730 = arith.constant 0 : i32
    %dma_start3A_731 = tpu.memref_slice %arg5[%dma_start3A_727, %dma_start3A_729, %dma_start3A_730] : memref<2x224x224xf32, #tpu.memory_space<vmem>> -> memref<1x224x224xf32, #tpu.memory_space<vmem>>
    %dma_start3A_732 = tpu.memref_squeeze %dma_start3A_731 : memref<1x224x224xf32, #tpu.memory_space<vmem>> -> memref<224x224xf32, #tpu.memory_space<vmem>>
    %dma_start3A_733 = arith.constant 0 : i32
    %dma_start3A_734 = arith.constant 0 : i32
    %dma_start3A_735 = tpu.memref_slice %arg4[%add3A_12, %dma_start3A_728, %dma_start3A_733, %dma_start3A_734] : memref<384x2x224x224xf32, #tpu.memory_space<hbm>> -> memref<1x1x224x224xf32, #tpu.memory_space<hbm>>
    %dma_start3A_736 = tpu.memref_squeeze %dma_start3A_735 : memref<1x1x224x224xf32, #tpu.memory_space<hbm>> -> memref<224x224xf32, #tpu.memory_space<hbm>>
    %dma_start3A_737 = arith.constant 0 : i32
    %dma_start3A_738 = arith.constant 0 : i32
    %dma_start3A_739 = tpu.memref_slice %arg4[%add3A_12, %dma_start3A_728, %dma_start3A_737, %dma_start3A_738] : memref<384x2x224x224xf32, #tpu.memory_space<hbm>> -> memref<1x1x224x224xf32, #tpu.memory_space<hbm>>
    %dma_start3A_740 = tpu.memref_squeeze %dma_start3A_739 : memref<1x1x224x224xf32, #tpu.memory_space<hbm>> -> memref<224x224xf32, #tpu.memory_space<hbm>>
    %dma_start3A_741 = arith.constant 0 : i32
    %dma_start3A_742 = arith.constant 0 : i32
    %dma_start3A_743 = tpu.memref_slice %arg5[%dma_start3A_727, %dma_start3A_741, %dma_start3A_742] : memref<2x224x224xf32, #tpu.memory_space<vmem>> -> memref<1x224x224xf32, #tpu.memory_space<vmem>>
    %dma_start3A_744 = tpu.memref_squeeze %dma_start3A_743 : memref<1x224x224xf32, #tpu.memory_space<vmem>> -> memref<224x224xf32, #tpu.memory_space<vmem>>
    tpu.enqueue_dma source(%dma_start3A_744 : memref<224x224xf32, #tpu.memory_space<vmem>>) target(%dma_start3A_740 : memref<224x224xf32, #tpu.memory_space<hbm>>) target_semaphore(%arg7 : memref<!tpu.dma_semaphore, #tpu.memory_space<semaphore_mem>>)
    %dma_wait3A_745 = arith.constant 1 : i32
    %dma_wait3A_746 = arith.constant 1 : i32
    %dma_wait3A_747 = arith.constant 0 : i32
    %dma_wait3A_748 = arith.constant 0 : i32
    %dma_wait3A_749 = tpu.memref_slice %arg5[%dma_wait3A_745, %dma_wait3A_747, %dma_wait3A_748] : memref<2x224x224xf32, #tpu.memory_space<vmem>> -> memref<1x224x224xf32, #tpu.memory_space<vmem>>
    %dma_wait3A_750 = tpu.memref_squeeze %dma_wait3A_749 : memref<1x224x224xf32, #tpu.memory_space<vmem>> -> memref<224x224xf32, #tpu.memory_space<vmem>>
    %dma_wait3A_751 = arith.constant 0 : i32
    %dma_wait3A_752 = arith.constant 0 : i32
    %dma_wait3A_753 = tpu.memref_slice %arg4[%add3A_12, %dma_wait3A_746, %dma_wait3A_751, %dma_wait3A_752] : memref<384x2x224x224xf32, #tpu.memory_space<hbm>> -> memref<1x1x224x224xf32, #tpu.memory_space<hbm>>
    %dma_wait3A_754 = tpu.memref_squeeze %dma_wait3A_753 : memref<1x1x224x224xf32, #tpu.memory_space<hbm>> -> memref<224x224xf32, #tpu.memory_space<hbm>>
    %dma_wait3A_755 = arith.constant 0 : i32
    %dma_wait3A_756 = arith.constant 0 : i32
    %dma_wait3A_757 = tpu.memref_slice %arg4[%add3A_12, %dma_wait3A_746, %dma_wait3A_755, %dma_wait3A_756] : memref<384x2x224x224xf32, #tpu.memory_space<hbm>> -> memref<1x1x224x224xf32, #tpu.memory_space<hbm>>
    %dma_wait3A_758 = tpu.memref_squeeze %dma_wait3A_757 : memref<1x1x224x224xf32, #tpu.memory_space<hbm>> -> memref<224x224xf32, #tpu.memory_space<hbm>>
    %dma_wait3A_759 = arith.constant 0 : i32
    %dma_wait3A_760 = arith.constant 0 : i32
    %dma_wait3A_761 = tpu.memref_slice %arg5[%dma_wait3A_745, %dma_wait3A_759, %dma_wait3A_760] : memref<2x224x224xf32, #tpu.memory_space<vmem>> -> memref<1x224x224xf32, #tpu.memory_space<vmem>>
    %dma_wait3A_762 = tpu.memref_squeeze %dma_wait3A_761 : memref<1x224x224xf32, #tpu.memory_space<vmem>> -> memref<224x224xf32, #tpu.memory_space<vmem>>
    tpu.wait_dma2 semaphore(%arg7 : memref<!tpu.dma_semaphore, #tpu.memory_space<semaphore_mem>>) src(%dma_wait3A_762 : memref<224x224xf32, #tpu.memory_space<vmem>>) dst(%dma_wait3A_758 : memref<224x224xf32, #tpu.memory_space<hbm>>)
    %dma_start3A_763 = arith.constant 1 : i32
    %dma_start3A_764 = arith.constant 1 : i32
    %dma_start3A_765 = arith.constant 0 : i32
    %dma_start3A_766 = arith.constant 0 : i32
    %dma_start3A_767 = tpu.memref_slice %arg5[%dma_start3A_764, %dma_start3A_765, %dma_start3A_766] : memref<2x224x224xf32, #tpu.memory_space<vmem>> -> memref<1x224x224xf32, #tpu.memory_space<vmem>>
    %dma_start3A_768 = tpu.memref_squeeze %dma_start3A_767 : memref<1x224x224xf32, #tpu.memory_space<vmem>> -> memref<224x224xf32, #tpu.memory_space<vmem>>
    %dma_start3A_769 = arith.constant 0 : i32
    %dma_start3A_770 = arith.constant 0 : i32
    %dma_start3A_771 = tpu.memref_slice %arg2[%add3A_14, %dma_start3A_763, %dma_start3A_769, %dma_start3A_770] : memref<384x2x224x224xf32, #tpu.memory_space<hbm>> -> memref<1x1x224x224xf32, #tpu.memory_space<hbm>>
    %dma_start3A_772 = tpu.memref_squeeze %dma_start3A_771 : memref<1x1x224x224xf32, #tpu.memory_space<hbm>> -> memref<224x224xf32, #tpu.memory_space<hbm>>
    %dma_start3A_773 = arith.constant 0 : i32
    %dma_start3A_774 = arith.constant 0 : i32
    %dma_start3A_775 = tpu.memref_slice %arg5[%dma_start3A_764, %dma_start3A_773, %dma_start3A_774] : memref<2x224x224xf32, #tpu.memory_space<vmem>> -> memref<1x224x224xf32, #tpu.memory_space<vmem>>
    %dma_start3A_776 = tpu.memref_squeeze %dma_start3A_775 : memref<1x224x224xf32, #tpu.memory_space<vmem>> -> memref<224x224xf32, #tpu.memory_space<vmem>>
    %dma_start3A_777 = arith.constant 0 : i32
    %dma_start3A_778 = arith.constant 0 : i32
    %dma_start3A_779 = tpu.memref_slice %arg2[%add3A_14, %dma_start3A_763, %dma_start3A_777, %dma_start3A_778] : memref<384x2x224x224xf32, #tpu.memory_space<hbm>> -> memref<1x1x224x224xf32, #tpu.memory_space<hbm>>
    %dma_start3A_780 = tpu.memref_squeeze %dma_start3A_779 : memref<1x1x224x224xf32, #tpu.memory_space<hbm>> -> memref<224x224xf32, #tpu.memory_space<hbm>>
    tpu.enqueue_dma source(%dma_start3A_780 : memref<224x224xf32, #tpu.memory_space<hbm>>) target(%dma_start3A_776 : memref<224x224xf32, #tpu.memory_space<vmem>>) target_semaphore(%arg6 : memref<!tpu.dma_semaphore, #tpu.memory_space<semaphore_mem>>)
    %dma_wait3A_781 = arith.constant 0 : i32
    %dma_wait3A_782 = arith.constant 0 : i32
    %dma_wait3A_783 = arith.constant 0 : i32
    %dma_wait3A_784 = arith.constant 0 : i32
    %dma_wait3A_785 = tpu.memref_slice %arg5[%dma_wait3A_782, %dma_wait3A_783, %dma_wait3A_784] : memref<2x224x224xf32, #tpu.memory_space<vmem>> -> memref<1x224x224xf32, #tpu.memory_space<vmem>>
    %dma_wait3A_786 = tpu.memref_squeeze %dma_wait3A_785 : memref<1x224x224xf32, #tpu.memory_space<vmem>> -> memref<224x224xf32, #tpu.memory_space<vmem>>
    %dma_wait3A_787 = arith.constant 0 : i32
    %dma_wait3A_788 = arith.constant 0 : i32
    %dma_wait3A_789 = tpu.memref_slice %arg3[%add3A_14, %dma_wait3A_781, %dma_wait3A_787, %dma_wait3A_788] : memref<384x2x224x224xf32, #tpu.memory_space<hbm>> -> memref<1x1x224x224xf32, #tpu.memory_space<hbm>>
    %dma_wait3A_790 = tpu.memref_squeeze %dma_wait3A_789 : memref<1x1x224x224xf32, #tpu.memory_space<hbm>> -> memref<224x224xf32, #tpu.memory_space<hbm>>
    %dma_wait3A_791 = arith.constant 0 : i32
    %dma_wait3A_792 = arith.constant 0 : i32
    %dma_wait3A_793 = tpu.memref_slice %arg5[%dma_wait3A_782, %dma_wait3A_791, %dma_wait3A_792] : memref<2x224x224xf32, #tpu.memory_space<vmem>> -> memref<1x224x224xf32, #tpu.memory_space<vmem>>
    %dma_wait3A_794 = tpu.memref_squeeze %dma_wait3A_793 : memref<1x224x224xf32, #tpu.memory_space<vmem>> -> memref<224x224xf32, #tpu.memory_space<vmem>>
    %dma_wait3A_795 = arith.constant 0 : i32
    %dma_wait3A_796 = arith.constant 0 : i32
    %dma_wait3A_797 = tpu.memref_slice %arg3[%add3A_14, %dma_wait3A_781, %dma_wait3A_795, %dma_wait3A_796] : memref<384x2x224x224xf32, #tpu.memory_space<hbm>> -> memref<1x1x224x224xf32, #tpu.memory_space<hbm>>
    %dma_wait3A_798 = tpu.memref_squeeze %dma_wait3A_797 : memref<1x1x224x224xf32, #tpu.memory_space<hbm>> -> memref<224x224xf32, #tpu.memory_space<hbm>>
    tpu.wait_dma2 semaphore(%arg6 : memref<!tpu.dma_semaphore, #tpu.memory_space<semaphore_mem>>) src(%dma_wait3A_798 : memref<224x224xf32, #tpu.memory_space<hbm>>) dst(%dma_wait3A_794 : memref<224x224xf32, #tpu.memory_space<vmem>>)
    %dma_start3A_799 = arith.constant 0 : i32
    %dma_start3A_800 = arith.constant 0 : i32
    %dma_start3A_801 = arith.constant 0 : i32
    %dma_start3A_802 = arith.constant 0 : i32
    %dma_start3A_803 = tpu.memref_slice %arg5[%dma_start3A_799, %dma_start3A_801, %dma_start3A_802] : memref<2x224x224xf32, #tpu.memory_space<vmem>> -> memref<1x224x224xf32, #tpu.memory_space<vmem>>
    %dma_start3A_804 = tpu.memref_squeeze %dma_start3A_803 : memref<1x224x224xf32, #tpu.memory_space<vmem>> -> memref<224x224xf32, #tpu.memory_space<vmem>>
    %dma_start3A_805 = arith.constant 0 : i32
    %dma_start3A_806 = arith.constant 0 : i32
    %dma_start3A_807 = tpu.memref_slice %arg4[%add3A_14, %dma_start3A_800, %dma_start3A_805, %dma_start3A_806] : memref<384x2x224x224xf32, #tpu.memory_space<hbm>> -> memref<1x1x224x224xf32, #tpu.memory_space<hbm>>
    %dma_start3A_808 = tpu.memref_squeeze %dma_start3A_807 : memref<1x1x224x224xf32, #tpu.memory_space<hbm>> -> memref<224x224xf32, #tpu.memory_space<hbm>>
    %dma_start3A_809 = arith.constant 0 : i32
    %dma_start3A_810 = arith.constant 0 : i32
    %dma_start3A_811 = tpu.memref_slice %arg4[%add3A_14, %dma_start3A_800, %dma_start3A_809, %dma_start3A_810] : memref<384x2x224x224xf32, #tpu.memory_space<hbm>> -> memref<1x1x224x224xf32, #tpu.memory_space<hbm>>
    %dma_start3A_812 = tpu.memref_squeeze %dma_start3A_811 : memref<1x1x224x224xf32, #tpu.memory_space<hbm>> -> memref<224x224xf32, #tpu.memory_space<hbm>>
    %dma_start3A_813 = arith.constant 0 : i32
    %dma_start3A_814 = arith.constant 0 : i32
    %dma_start3A_815 = tpu.memref_slice %arg5[%dma_start3A_799, %dma_start3A_813, %dma_start3A_814] : memref<2x224x224xf32, #tpu.memory_space<vmem>> -> memref<1x224x224xf32, #tpu.memory_space<vmem>>
    %dma_start3A_816 = tpu.memref_squeeze %dma_start3A_815 : memref<1x224x224xf32, #tpu.memory_space<vmem>> -> memref<224x224xf32, #tpu.memory_space<vmem>>
    tpu.enqueue_dma source(%dma_start3A_816 : memref<224x224xf32, #tpu.memory_space<vmem>>) target(%dma_start3A_812 : memref<224x224xf32, #tpu.memory_space<hbm>>) target_semaphore(%arg7 : memref<!tpu.dma_semaphore, #tpu.memory_space<semaphore_mem>>)
    %dma_wait3A_817 = arith.constant 0 : i32
    %dma_wait3A_818 = arith.constant 0 : i32
    %dma_wait3A_819 = arith.constant 0 : i32
    %dma_wait3A_820 = arith.constant 0 : i32
    %dma_wait3A_821 = tpu.memref_slice %arg5[%dma_wait3A_817, %dma_wait3A_819, %dma_wait3A_820] : memref<2x224x224xf32, #tpu.memory_space<vmem>> -> memref<1x224x224xf32, #tpu.memory_space<vmem>>
    %dma_wait3A_822 = tpu.memref_squeeze %dma_wait3A_821 : memref<1x224x224xf32, #tpu.memory_space<vmem>> -> memref<224x224xf32, #tpu.memory_space<vmem>>
    %dma_wait3A_823 = arith.constant 0 : i32
    %dma_wait3A_824 = arith.constant 0 : i32
    %dma_wait3A_825 = tpu.memref_slice %arg4[%add3A_14, %dma_wait3A_818, %dma_wait3A_823, %dma_wait3A_824] : memref<384x2x224x224xf32, #tpu.memory_space<hbm>> -> memref<1x1x224x224xf32, #tpu.memory_space<hbm>>
    %dma_wait3A_826 = tpu.memref_squeeze %dma_wait3A_825 : memref<1x1x224x224xf32, #tpu.memory_space<hbm>> -> memref<224x224xf32, #tpu.memory_space<hbm>>
    %dma_wait3A_827 = arith.constant 0 : i32
    %dma_wait3A_828 = arith.constant 0 : i32
    %dma_wait3A_829 = tpu.memref_slice %arg4[%add3A_14, %dma_wait3A_818, %dma_wait3A_827, %dma_wait3A_828] : memref<384x2x224x224xf32, #tpu.memory_space<hbm>> -> memref<1x1x224x224xf32, #tpu.memory_space<hbm>>
    %dma_wait3A_830 = tpu.memref_squeeze %dma_wait3A_829 : memref<1x1x224x224xf32, #tpu.memory_space<hbm>> -> memref<224x224xf32, #tpu.memory_space<hbm>>
    %dma_wait3A_831 = arith.constant 0 : i32
    %dma_wait3A_832 = arith.constant 0 : i32
    %dma_wait3A_833 = tpu.memref_slice %arg5[%dma_wait3A_817, %dma_wait3A_831, %dma_wait3A_832] : memref<2x224x224xf32, #tpu.memory_space<vmem>> -> memref<1x224x224xf32, #tpu.memory_space<vmem>>
    %dma_wait3A_834 = tpu.memref_squeeze %dma_wait3A_833 : memref<1x224x224xf32, #tpu.memory_space<vmem>> -> memref<224x224xf32, #tpu.memory_space<vmem>>
    tpu.wait_dma2 semaphore(%arg7 : memref<!tpu.dma_semaphore, #tpu.memory_space<semaphore_mem>>) src(%dma_wait3A_834 : memref<224x224xf32, #tpu.memory_space<vmem>>) dst(%dma_wait3A_830 : memref<224x224xf32, #tpu.memory_space<hbm>>)
    %dma_start3A_835 = arith.constant 0 : i32
    %dma_start3A_836 = arith.constant 0 : i32
    %dma_start3A_837 = arith.constant 0 : i32
    %dma_start3A_838 = arith.constant 0 : i32
    %dma_start3A_839 = tpu.memref_slice %arg5[%dma_start3A_836, %dma_start3A_837, %dma_start3A_838] : memref<2x224x224xf32, #tpu.memory_space<vmem>> -> memref<1x224x224xf32, #tpu.memory_space<vmem>>
    %dma_start3A_840 = tpu.memref_squeeze %dma_start3A_839 : memref<1x224x224xf32, #tpu.memory_space<vmem>> -> memref<224x224xf32, #tpu.memory_space<vmem>>
    %dma_start3A_841 = arith.constant 0 : i32
    %dma_start3A_842 = arith.constant 0 : i32
    %dma_start3A_843 = tpu.memref_slice %arg3[%add3A_16, %dma_start3A_835, %dma_start3A_841, %dma_start3A_842] : memref<384x2x224x224xf32, #tpu.memory_space<hbm>> -> memref<1x1x224x224xf32, #tpu.memory_space<hbm>>
    %dma_start3A_844 = tpu.memref_squeeze %dma_start3A_843 : memref<1x1x224x224xf32, #tpu.memory_space<hbm>> -> memref<224x224xf32, #tpu.memory_space<hbm>>
    %dma_start3A_845 = arith.constant 0 : i32
    %dma_start3A_846 = arith.constant 0 : i32
    %dma_start3A_847 = tpu.memref_slice %arg5[%dma_start3A_836, %dma_start3A_845, %dma_start3A_846] : memref<2x224x224xf32, #tpu.memory_space<vmem>> -> memref<1x224x224xf32, #tpu.memory_space<vmem>>
    %dma_start3A_848 = tpu.memref_squeeze %dma_start3A_847 : memref<1x224x224xf32, #tpu.memory_space<vmem>> -> memref<224x224xf32, #tpu.memory_space<vmem>>
    %dma_start3A_849 = arith.constant 0 : i32
    %dma_start3A_850 = arith.constant 0 : i32
    %dma_start3A_851 = tpu.memref_slice %arg3[%add3A_16, %dma_start3A_835, %dma_start3A_849, %dma_start3A_850] : memref<384x2x224x224xf32, #tpu.memory_space<hbm>> -> memref<1x1x224x224xf32, #tpu.memory_space<hbm>>
    %dma_start3A_852 = tpu.memref_squeeze %dma_start3A_851 : memref<1x1x224x224xf32, #tpu.memory_space<hbm>> -> memref<224x224xf32, #tpu.memory_space<hbm>>
    tpu.enqueue_dma source(%dma_start3A_852 : memref<224x224xf32, #tpu.memory_space<hbm>>) target(%dma_start3A_848 : memref<224x224xf32, #tpu.memory_space<vmem>>) target_semaphore(%arg6 : memref<!tpu.dma_semaphore, #tpu.memory_space<semaphore_mem>>)
    %dma_wait3A_853 = arith.constant 1 : i32
    %dma_wait3A_854 = arith.constant 1 : i32
    %dma_wait3A_855 = arith.constant 0 : i32
    %dma_wait3A_856 = arith.constant 0 : i32
    %dma_wait3A_857 = tpu.memref_slice %arg5[%dma_wait3A_854, %dma_wait3A_855, %dma_wait3A_856] : memref<2x224x224xf32, #tpu.memory_space<vmem>> -> memref<1x224x224xf32, #tpu.memory_space<vmem>>
    %dma_wait3A_858 = tpu.memref_squeeze %dma_wait3A_857 : memref<1x224x224xf32, #tpu.memory_space<vmem>> -> memref<224x224xf32, #tpu.memory_space<vmem>>
    %dma_wait3A_859 = arith.constant 0 : i32
    %dma_wait3A_860 = arith.constant 0 : i32
    %dma_wait3A_861 = tpu.memref_slice %arg2[%add3A_14, %dma_wait3A_853, %dma_wait3A_859, %dma_wait3A_860] : memref<384x2x224x224xf32, #tpu.memory_space<hbm>> -> memref<1x1x224x224xf32, #tpu.memory_space<hbm>>
    %dma_wait3A_862 = tpu.memref_squeeze %dma_wait3A_861 : memref<1x1x224x224xf32, #tpu.memory_space<hbm>> -> memref<224x224xf32, #tpu.memory_space<hbm>>
    %dma_wait3A_863 = arith.constant 0 : i32
    %dma_wait3A_864 = arith.constant 0 : i32
    %dma_wait3A_865 = tpu.memref_slice %arg5[%dma_wait3A_854, %dma_wait3A_863, %dma_wait3A_864] : memref<2x224x224xf32, #tpu.memory_space<vmem>> -> memref<1x224x224xf32, #tpu.memory_space<vmem>>
    %dma_wait3A_866 = tpu.memref_squeeze %dma_wait3A_865 : memref<1x224x224xf32, #tpu.memory_space<vmem>> -> memref<224x224xf32, #tpu.memory_space<vmem>>
    %dma_wait3A_867 = arith.constant 0 : i32
    %dma_wait3A_868 = arith.constant 0 : i32
    %dma_wait3A_869 = tpu.memref_slice %arg2[%add3A_14, %dma_wait3A_853, %dma_wait3A_867, %dma_wait3A_868] : memref<384x2x224x224xf32, #tpu.memory_space<hbm>> -> memref<1x1x224x224xf32, #tpu.memory_space<hbm>>
    %dma_wait3A_870 = tpu.memref_squeeze %dma_wait3A_869 : memref<1x1x224x224xf32, #tpu.memory_space<hbm>> -> memref<224x224xf32, #tpu.memory_space<hbm>>
    tpu.wait_dma2 semaphore(%arg6 : memref<!tpu.dma_semaphore, #tpu.memory_space<semaphore_mem>>) src(%dma_wait3A_870 : memref<224x224xf32, #tpu.memory_space<hbm>>) dst(%dma_wait3A_866 : memref<224x224xf32, #tpu.memory_space<vmem>>)
    %dma_start3A_871 = arith.constant 1 : i32
    %dma_start3A_872 = arith.constant 1 : i32
    %dma_start3A_873 = arith.constant 0 : i32
    %dma_start3A_874 = arith.constant 0 : i32
    %dma_start3A_875 = tpu.memref_slice %arg5[%dma_start3A_871, %dma_start3A_873, %dma_start3A_874] : memref<2x224x224xf32, #tpu.memory_space<vmem>> -> memref<1x224x224xf32, #tpu.memory_space<vmem>>
    %dma_start3A_876 = tpu.memref_squeeze %dma_start3A_875 : memref<1x224x224xf32, #tpu.memory_space<vmem>> -> memref<224x224xf32, #tpu.memory_space<vmem>>
    %dma_start3A_877 = arith.constant 0 : i32
    %dma_start3A_878 = arith.constant 0 : i32
    %dma_start3A_879 = tpu.memref_slice %arg4[%add3A_14, %dma_start3A_872, %dma_start3A_877, %dma_start3A_878] : memref<384x2x224x224xf32, #tpu.memory_space<hbm>> -> memref<1x1x224x224xf32, #tpu.memory_space<hbm>>
    %dma_start3A_880 = tpu.memref_squeeze %dma_start3A_879 : memref<1x1x224x224xf32, #tpu.memory_space<hbm>> -> memref<224x224xf32, #tpu.memory_space<hbm>>
    %dma_start3A_881 = arith.constant 0 : i32
    %dma_start3A_882 = arith.constant 0 : i32
    %dma_start3A_883 = tpu.memref_slice %arg4[%add3A_14, %dma_start3A_872, %dma_start3A_881, %dma_start3A_882] : memref<384x2x224x224xf32, #tpu.memory_space<hbm>> -> memref<1x1x224x224xf32, #tpu.memory_space<hbm>>
    %dma_start3A_884 = tpu.memref_squeeze %dma_start3A_883 : memref<1x1x224x224xf32, #tpu.memory_space<hbm>> -> memref<224x224xf32, #tpu.memory_space<hbm>>
    %dma_start3A_885 = arith.constant 0 : i32
    %dma_start3A_886 = arith.constant 0 : i32
    %dma_start3A_887 = tpu.memref_slice %arg5[%dma_start3A_871, %dma_start3A_885, %dma_start3A_886] : memref<2x224x224xf32, #tpu.memory_space<vmem>> -> memref<1x224x224xf32, #tpu.memory_space<vmem>>
    %dma_start3A_888 = tpu.memref_squeeze %dma_start3A_887 : memref<1x224x224xf32, #tpu.memory_space<vmem>> -> memref<224x224xf32, #tpu.memory_space<vmem>>
    tpu.enqueue_dma source(%dma_start3A_888 : memref<224x224xf32, #tpu.memory_space<vmem>>) target(%dma_start3A_884 : memref<224x224xf32, #tpu.memory_space<hbm>>) target_semaphore(%arg7 : memref<!tpu.dma_semaphore, #tpu.memory_space<semaphore_mem>>)
    %dma_wait3A_889 = arith.constant 1 : i32
    %dma_wait3A_890 = arith.constant 1 : i32
    %dma_wait3A_891 = arith.constant 0 : i32
    %dma_wait3A_892 = arith.constant 0 : i32
    %dma_wait3A_893 = tpu.memref_slice %arg5[%dma_wait3A_889, %dma_wait3A_891, %dma_wait3A_892] : memref<2x224x224xf32, #tpu.memory_space<vmem>> -> memref<1x224x224xf32, #tpu.memory_space<vmem>>
    %dma_wait3A_894 = tpu.memref_squeeze %dma_wait3A_893 : memref<1x224x224xf32, #tpu.memory_space<vmem>> -> memref<224x224xf32, #tpu.memory_space<vmem>>
    %dma_wait3A_895 = arith.constant 0 : i32
    %dma_wait3A_896 = arith.constant 0 : i32
    %dma_wait3A_897 = tpu.memref_slice %arg4[%add3A_14, %dma_wait3A_890, %dma_wait3A_895, %dma_wait3A_896] : memref<384x2x224x224xf32, #tpu.memory_space<hbm>> -> memref<1x1x224x224xf32, #tpu.memory_space<hbm>>
    %dma_wait3A_898 = tpu.memref_squeeze %dma_wait3A_897 : memref<1x1x224x224xf32, #tpu.memory_space<hbm>> -> memref<224x224xf32, #tpu.memory_space<hbm>>
    %dma_wait3A_899 = arith.constant 0 : i32
    %dma_wait3A_900 = arith.constant 0 : i32
    %dma_wait3A_901 = tpu.memref_slice %arg4[%add3A_14, %dma_wait3A_890, %dma_wait3A_899, %dma_wait3A_900] : memref<384x2x224x224xf32, #tpu.memory_space<hbm>> -> memref<1x1x224x224xf32, #tpu.memory_space<hbm>>
    %dma_wait3A_902 = tpu.memref_squeeze %dma_wait3A_901 : memref<1x1x224x224xf32, #tpu.memory_space<hbm>> -> memref<224x224xf32, #tpu.memory_space<hbm>>
    %dma_wait3A_903 = arith.constant 0 : i32
    %dma_wait3A_904 = arith.constant 0 : i32
    %dma_wait3A_905 = tpu.memref_slice %arg5[%dma_wait3A_889, %dma_wait3A_903, %dma_wait3A_904] : memref<2x224x224xf32, #tpu.memory_space<vmem>> -> memref<1x224x224xf32, #tpu.memory_space<vmem>>
    %dma_wait3A_906 = tpu.memref_squeeze %dma_wait3A_905 : memref<1x224x224xf32, #tpu.memory_space<vmem>> -> memref<224x224xf32, #tpu.memory_space<vmem>>
    tpu.wait_dma2 semaphore(%arg7 : memref<!tpu.dma_semaphore, #tpu.memory_space<semaphore_mem>>) src(%dma_wait3A_906 : memref<224x224xf32, #tpu.memory_space<vmem>>) dst(%dma_wait3A_902 : memref<224x224xf32, #tpu.memory_space<hbm>>)
    %dma_start3A_907 = arith.constant 1 : i32
    %dma_start3A_908 = arith.constant 1 : i32
    %dma_start3A_909 = arith.constant 0 : i32
    %dma_start3A_910 = arith.constant 0 : i32
    %dma_start3A_911 = tpu.memref_slice %arg5[%dma_start3A_908, %dma_start3A_909, %dma_start3A_910] : memref<2x224x224xf32, #tpu.memory_space<vmem>> -> memref<1x224x224xf32, #tpu.memory_space<vmem>>
    %dma_start3A_912 = tpu.memref_squeeze %dma_start3A_911 : memref<1x224x224xf32, #tpu.memory_space<vmem>> -> memref<224x224xf32, #tpu.memory_space<vmem>>
    %dma_start3A_913 = arith.constant 0 : i32
    %dma_start3A_914 = arith.constant 0 : i32
    %dma_start3A_915 = tpu.memref_slice %arg2[%add3A_16, %dma_start3A_907, %dma_start3A_913, %dma_start3A_914] : memref<384x2x224x224xf32, #tpu.memory_space<hbm>> -> memref<1x1x224x224xf32, #tpu.memory_space<hbm>>
    %dma_start3A_916 = tpu.memref_squeeze %dma_start3A_915 : memref<1x1x224x224xf32, #tpu.memory_space<hbm>> -> memref<224x224xf32, #tpu.memory_space<hbm>>
    %dma_start3A_917 = arith.constant 0 : i32
    %dma_start3A_918 = arith.constant 0 : i32
    %dma_start3A_919 = tpu.memref_slice %arg5[%dma_start3A_908, %dma_start3A_917, %dma_start3A_918] : memref<2x224x224xf32, #tpu.memory_space<vmem>> -> memref<1x224x224xf32, #tpu.memory_space<vmem>>
    %dma_start3A_920 = tpu.memref_squeeze %dma_start3A_919 : memref<1x224x224xf32, #tpu.memory_space<vmem>> -> memref<224x224xf32, #tpu.memory_space<vmem>>
    %dma_start3A_921 = arith.constant 0 : i32
    %dma_start3A_922 = arith.constant 0 : i32
    %dma_start3A_923 = tpu.memref_slice %arg2[%add3A_16, %dma_start3A_907, %dma_start3A_921, %dma_start3A_922] : memref<384x2x224x224xf32, #tpu.memory_space<hbm>> -> memref<1x1x224x224xf32, #tpu.memory_space<hbm>>
    %dma_start3A_924 = tpu.memref_squeeze %dma_start3A_923 : memref<1x1x224x224xf32, #tpu.memory_space<hbm>> -> memref<224x224xf32, #tpu.memory_space<hbm>>
    tpu.enqueue_dma source(%dma_start3A_924 : memref<224x224xf32, #tpu.memory_space<hbm>>) target(%dma_start3A_920 : memref<224x224xf32, #tpu.memory_space<vmem>>) target_semaphore(%arg6 : memref<!tpu.dma_semaphore, #tpu.memory_space<semaphore_mem>>)
    %dma_wait3A_925 = arith.constant 0 : i32
    %dma_wait3A_926 = arith.constant 0 : i32
    %dma_wait3A_927 = arith.constant 0 : i32
    %dma_wait3A_928 = arith.constant 0 : i32
    %dma_wait3A_929 = tpu.memref_slice %arg5[%dma_wait3A_926, %dma_wait3A_927, %dma_wait3A_928] : memref<2x224x224xf32, #tpu.memory_space<vmem>> -> memref<1x224x224xf32, #tpu.memory_space<vmem>>
    %dma_wait3A_930 = tpu.memref_squeeze %dma_wait3A_929 : memref<1x224x224xf32, #tpu.memory_space<vmem>> -> memref<224x224xf32, #tpu.memory_space<vmem>>
    %dma_wait3A_931 = arith.constant 0 : i32
    %dma_wait3A_932 = arith.constant 0 : i32
    %dma_wait3A_933 = tpu.memref_slice %arg3[%add3A_16, %dma_wait3A_925, %dma_wait3A_931, %dma_wait3A_932] : memref<384x2x224x224xf32, #tpu.memory_space<hbm>> -> memref<1x1x224x224xf32, #tpu.memory_space<hbm>>
    %dma_wait3A_934 = tpu.memref_squeeze %dma_wait3A_933 : memref<1x1x224x224xf32, #tpu.memory_space<hbm>> -> memref<224x224xf32, #tpu.memory_space<hbm>>
    %dma_wait3A_935 = arith.constant 0 : i32
    %dma_wait3A_936 = arith.constant 0 : i32
    %dma_wait3A_937 = tpu.memref_slice %arg5[%dma_wait3A_926, %dma_wait3A_935, %dma_wait3A_936] : memref<2x224x224xf32, #tpu.memory_space<vmem>> -> memref<1x224x224xf32, #tpu.memory_space<vmem>>
    %dma_wait3A_938 = tpu.memref_squeeze %dma_wait3A_937 : memref<1x224x224xf32, #tpu.memory_space<vmem>> -> memref<224x224xf32, #tpu.memory_space<vmem>>
    %dma_wait3A_939 = arith.constant 0 : i32
    %dma_wait3A_940 = arith.constant 0 : i32
    %dma_wait3A_941 = tpu.memref_slice %arg3[%add3A_16, %dma_wait3A_925, %dma_wait3A_939, %dma_wait3A_940] : memref<384x2x224x224xf32, #tpu.memory_space<hbm>> -> memref<1x1x224x224xf32, #tpu.memory_space<hbm>>
    %dma_wait3A_942 = tpu.memref_squeeze %dma_wait3A_941 : memref<1x1x224x224xf32, #tpu.memory_space<hbm>> -> memref<224x224xf32, #tpu.memory_space<hbm>>
    tpu.wait_dma2 semaphore(%arg6 : memref<!tpu.dma_semaphore, #tpu.memory_space<semaphore_mem>>) src(%dma_wait3A_942 : memref<224x224xf32, #tpu.memory_space<hbm>>) dst(%dma_wait3A_938 : memref<224x224xf32, #tpu.memory_space<vmem>>)
    %dma_start3A_943 = arith.constant 0 : i32
    %dma_start3A_944 = arith.constant 0 : i32
    %dma_start3A_945 = arith.constant 0 : i32
    %dma_start3A_946 = arith.constant 0 : i32
    %dma_start3A_947 = tpu.memref_slice %arg5[%dma_start3A_943, %dma_start3A_945, %dma_start3A_946] : memref<2x224x224xf32, #tpu.memory_space<vmem>> -> memref<1x224x224xf32, #tpu.memory_space<vmem>>
    %dma_start3A_948 = tpu.memref_squeeze %dma_start3A_947 : memref<1x224x224xf32, #tpu.memory_space<vmem>> -> memref<224x224xf32, #tpu.memory_space<vmem>>
    %dma_start3A_949 = arith.constant 0 : i32
    %dma_start3A_950 = arith.constant 0 : i32
    %dma_start3A_951 = tpu.memref_slice %arg4[%add3A_16, %dma_start3A_944, %dma_start3A_949, %dma_start3A_950] : memref<384x2x224x224xf32, #tpu.memory_space<hbm>> -> memref<1x1x224x224xf32, #tpu.memory_space<hbm>>
    %dma_start3A_952 = tpu.memref_squeeze %dma_start3A_951 : memref<1x1x224x224xf32, #tpu.memory_space<hbm>> -> memref<224x224xf32, #tpu.memory_space<hbm>>
    %dma_start3A_953 = arith.constant 0 : i32
    %dma_start3A_954 = arith.constant 0 : i32
    %dma_start3A_955 = tpu.memref_slice %arg4[%add3A_16, %dma_start3A_944, %dma_start3A_953, %dma_start3A_954] : memref<384x2x224x224xf32, #tpu.memory_space<hbm>> -> memref<1x1x224x224xf32, #tpu.memory_space<hbm>>
    %dma_start3A_956 = tpu.memref_squeeze %dma_start3A_955 : memref<1x1x224x224xf32, #tpu.memory_space<hbm>> -> memref<224x224xf32, #tpu.memory_space<hbm>>
    %dma_start3A_957 = arith.constant 0 : i32
    %dma_start3A_958 = arith.constant 0 : i32
    %dma_start3A_959 = tpu.memref_slice %arg5[%dma_start3A_943, %dma_start3A_957, %dma_start3A_958] : memref<2x224x224xf32, #tpu.memory_space<vmem>> -> memref<1x224x224xf32, #tpu.memory_space<vmem>>
    %dma_start3A_960 = tpu.memref_squeeze %dma_start3A_959 : memref<1x224x224xf32, #tpu.memory_space<vmem>> -> memref<224x224xf32, #tpu.memory_space<vmem>>
    tpu.enqueue_dma source(%dma_start3A_960 : memref<224x224xf32, #tpu.memory_space<vmem>>) target(%dma_start3A_956 : memref<224x224xf32, #tpu.memory_space<hbm>>) target_semaphore(%arg7 : memref<!tpu.dma_semaphore, #tpu.memory_space<semaphore_mem>>)
    %dma_wait3A_961 = arith.constant 0 : i32
    %dma_wait3A_962 = arith.constant 0 : i32
    %dma_wait3A_963 = arith.constant 0 : i32
    %dma_wait3A_964 = arith.constant 0 : i32
    %dma_wait3A_965 = tpu.memref_slice %arg5[%dma_wait3A_961, %dma_wait3A_963, %dma_wait3A_964] : memref<2x224x224xf32, #tpu.memory_space<vmem>> -> memref<1x224x224xf32, #tpu.memory_space<vmem>>
    %dma_wait3A_966 = tpu.memref_squeeze %dma_wait3A_965 : memref<1x224x224xf32, #tpu.memory_space<vmem>> -> memref<224x224xf32, #tpu.memory_space<vmem>>
    %dma_wait3A_967 = arith.constant 0 : i32
    %dma_wait3A_968 = arith.constant 0 : i32
    %dma_wait3A_969 = tpu.memref_slice %arg4[%add3A_16, %dma_wait3A_962, %dma_wait3A_967, %dma_wait3A_968] : memref<384x2x224x224xf32, #tpu.memory_space<hbm>> -> memref<1x1x224x224xf32, #tpu.memory_space<hbm>>
    %dma_wait3A_970 = tpu.memref_squeeze %dma_wait3A_969 : memref<1x1x224x224xf32, #tpu.memory_space<hbm>> -> memref<224x224xf32, #tpu.memory_space<hbm>>
    %dma_wait3A_971 = arith.constant 0 : i32
    %dma_wait3A_972 = arith.constant 0 : i32
    %dma_wait3A_973 = tpu.memref_slice %arg4[%add3A_16, %dma_wait3A_962, %dma_wait3A_971, %dma_wait3A_972] : memref<384x2x224x224xf32, #tpu.memory_space<hbm>> -> memref<1x1x224x224xf32, #tpu.memory_space<hbm>>
    %dma_wait3A_974 = tpu.memref_squeeze %dma_wait3A_973 : memref<1x1x224x224xf32, #tpu.memory_space<hbm>> -> memref<224x224xf32, #tpu.memory_space<hbm>>
    %dma_wait3A_975 = arith.constant 0 : i32
    %dma_wait3A_976 = arith.constant 0 : i32
    %dma_wait3A_977 = tpu.memref_slice %arg5[%dma_wait3A_961, %dma_wait3A_975, %dma_wait3A_976] : memref<2x224x224xf32, #tpu.memory_space<vmem>> -> memref<1x224x224xf32, #tpu.memory_space<vmem>>
    %dma_wait3A_978 = tpu.memref_squeeze %dma_wait3A_977 : memref<1x224x224xf32, #tpu.memory_space<vmem>> -> memref<224x224xf32, #tpu.memory_space<vmem>>
    tpu.wait_dma2 semaphore(%arg7 : memref<!tpu.dma_semaphore, #tpu.memory_space<semaphore_mem>>) src(%dma_wait3A_978 : memref<224x224xf32, #tpu.memory_space<vmem>>) dst(%dma_wait3A_974 : memref<224x224xf32, #tpu.memory_space<hbm>>)
    %dma_start3A_979 = arith.constant 0 : i32
    %dma_start3A_980 = arith.constant 0 : i32
    %dma_start3A_981 = arith.constant 0 : i32
    %dma_start3A_982 = arith.constant 0 : i32
    %dma_start3A_983 = tpu.memref_slice %arg5[%dma_start3A_980, %dma_start3A_981, %dma_start3A_982] : memref<2x224x224xf32, #tpu.memory_space<vmem>> -> memref<1x224x224xf32, #tpu.memory_space<vmem>>
    %dma_start3A_984 = tpu.memref_squeeze %dma_start3A_983 : memref<1x224x224xf32, #tpu.memory_space<vmem>> -> memref<224x224xf32, #tpu.memory_space<vmem>>
    %dma_start3A_985 = arith.constant 0 : i32
    %dma_start3A_986 = arith.constant 0 : i32
    %dma_start3A_987 = tpu.memref_slice %arg3[%add3A_18, %dma_start3A_979, %dma_start3A_985, %dma_start3A_986] : memref<384x2x224x224xf32, #tpu.memory_space<hbm>> -> memref<1x1x224x224xf32, #tpu.memory_space<hbm>>
    %dma_start3A_988 = tpu.memref_squeeze %dma_start3A_987 : memref<1x1x224x224xf32, #tpu.memory_space<hbm>> -> memref<224x224xf32, #tpu.memory_space<hbm>>
    %dma_start3A_989 = arith.constant 0 : i32
    %dma_start3A_990 = arith.constant 0 : i32
    %dma_start3A_991 = tpu.memref_slice %arg5[%dma_start3A_980, %dma_start3A_989, %dma_start3A_990] : memref<2x224x224xf32, #tpu.memory_space<vmem>> -> memref<1x224x224xf32, #tpu.memory_space<vmem>>
    %dma_start3A_992 = tpu.memref_squeeze %dma_start3A_991 : memref<1x224x224xf32, #tpu.memory_space<vmem>> -> memref<224x224xf32, #tpu.memory_space<vmem>>
    %dma_start3A_993 = arith.constant 0 : i32
    %dma_start3A_994 = arith.constant 0 : i32
    %dma_start3A_995 = tpu.memref_slice %arg3[%add3A_18, %dma_start3A_979, %dma_start3A_993, %dma_start3A_994] : memref<384x2x224x224xf32, #tpu.memory_space<hbm>> -> memref<1x1x224x224xf32, #tpu.memory_space<hbm>>
    %dma_start3A_996 = tpu.memref_squeeze %dma_start3A_995 : memref<1x1x224x224xf32, #tpu.memory_space<hbm>> -> memref<224x224xf32, #tpu.memory_space<hbm>>
    tpu.enqueue_dma source(%dma_start3A_996 : memref<224x224xf32, #tpu.memory_space<hbm>>) target(%dma_start3A_992 : memref<224x224xf32, #tpu.memory_space<vmem>>) target_semaphore(%arg6 : memref<!tpu.dma_semaphore, #tpu.memory_space<semaphore_mem>>)
    %dma_wait3A_997 = arith.constant 1 : i32
    %dma_wait3A_998 = arith.constant 1 : i32
    %dma_wait3A_999 = arith.constant 0 : i32
    %dma_wait3A_1000 = arith.constant 0 : i32
    %dma_wait3A_1001 = tpu.memref_slice %arg5[%dma_wait3A_998, %dma_wait3A_999, %dma_wait3A_1000] : memref<2x224x224xf32, #tpu.memory_space<vmem>> -> memref<1x224x224xf32, #tpu.memory_space<vmem>>
    %dma_wait3A_1002 = tpu.memref_squeeze %dma_wait3A_1001 : memref<1x224x224xf32, #tpu.memory_space<vmem>> -> memref<224x224xf32, #tpu.memory_space<vmem>>
    %dma_wait3A_1003 = arith.constant 0 : i32
    %dma_wait3A_1004 = arith.constant 0 : i32
    %dma_wait3A_1005 = tpu.memref_slice %arg2[%add3A_16, %dma_wait3A_997, %dma_wait3A_1003, %dma_wait3A_1004] : memref<384x2x224x224xf32, #tpu.memory_space<hbm>> -> memref<1x1x224x224xf32, #tpu.memory_space<hbm>>
    %dma_wait3A_1006 = tpu.memref_squeeze %dma_wait3A_1005 : memref<1x1x224x224xf32, #tpu.memory_space<hbm>> -> memref<224x224xf32, #tpu.memory_space<hbm>>
    %dma_wait3A_1007 = arith.constant 0 : i32
    %dma_wait3A_1008 = arith.constant 0 : i32
    %dma_wait3A_1009 = tpu.memref_slice %arg5[%dma_wait3A_998, %dma_wait3A_1007, %dma_wait3A_1008] : memref<2x224x224xf32, #tpu.memory_space<vmem>> -> memref<1x224x224xf32, #tpu.memory_space<vmem>>
    %dma_wait3A_1010 = tpu.memref_squeeze %dma_wait3A_1009 : memref<1x224x224xf32, #tpu.memory_space<vmem>> -> memref<224x224xf32, #tpu.memory_space<vmem>>
    %dma_wait3A_1011 = arith.constant 0 : i32
    %dma_wait3A_1012 = arith.constant 0 : i32
    %dma_wait3A_1013 = tpu.memref_slice %arg2[%add3A_16, %dma_wait3A_997, %dma_wait3A_1011, %dma_wait3A_1012] : memref<384x2x224x224xf32, #tpu.memory_space<hbm>> -> memref<1x1x224x224xf32, #tpu.memory_space<hbm>>
    %dma_wait3A_1014 = tpu.memref_squeeze %dma_wait3A_1013 : memref<1x1x224x224xf32, #tpu.memory_space<hbm>> -> memref<224x224xf32, #tpu.memory_space<hbm>>
    tpu.wait_dma2 semaphore(%arg6 : memref<!tpu.dma_semaphore, #tpu.memory_space<semaphore_mem>>) src(%dma_wait3A_1014 : memref<224x224xf32, #tpu.memory_space<hbm>>) dst(%dma_wait3A_1010 : memref<224x224xf32, #tpu.memory_space<vmem>>)
    %dma_start3A_1015 = arith.constant 1 : i32
    %dma_start3A_1016 = arith.constant 1 : i32
    %dma_start3A_1017 = arith.constant 0 : i32
    %dma_start3A_1018 = arith.constant 0 : i32
    %dma_start3A_1019 = tpu.memref_slice %arg5[%dma_start3A_1015, %dma_start3A_1017, %dma_start3A_1018] : memref<2x224x224xf32, #tpu.memory_space<vmem>> -> memref<1x224x224xf32, #tpu.memory_space<vmem>>
    %dma_start3A_1020 = tpu.memref_squeeze %dma_start3A_1019 : memref<1x224x224xf32, #tpu.memory_space<vmem>> -> memref<224x224xf32, #tpu.memory_space<vmem>>
    %dma_start3A_1021 = arith.constant 0 : i32
    %dma_start3A_1022 = arith.constant 0 : i32
    %dma_start3A_1023 = tpu.memref_slice %arg4[%add3A_16, %dma_start3A_1016, %dma_start3A_1021, %dma_start3A_1022] : memref<384x2x224x224xf32, #tpu.memory_space<hbm>> -> memref<1x1x224x224xf32, #tpu.memory_space<hbm>>
    %dma_start3A_1024 = tpu.memref_squeeze %dma_start3A_1023 : memref<1x1x224x224xf32, #tpu.memory_space<hbm>> -> memref<224x224xf32, #tpu.memory_space<hbm>>
    %dma_start3A_1025 = arith.constant 0 : i32
    %dma_start3A_1026 = arith.constant 0 : i32
    %dma_start3A_1027 = tpu.memref_slice %arg4[%add3A_16, %dma_start3A_1016, %dma_start3A_1025, %dma_start3A_1026] : memref<384x2x224x224xf32, #tpu.memory_space<hbm>> -> memref<1x1x224x224xf32, #tpu.memory_space<hbm>>
    %dma_start3A_1028 = tpu.memref_squeeze %dma_start3A_1027 : memref<1x1x224x224xf32, #tpu.memory_space<hbm>> -> memref<224x224xf32, #tpu.memory_space<hbm>>
    %dma_start3A_1029 = arith.constant 0 : i32
    %dma_start3A_1030 = arith.constant 0 : i32
    %dma_start3A_1031 = tpu.memref_slice %arg5[%dma_start3A_1015, %dma_start3A_1029, %dma_start3A_1030] : memref<2x224x224xf32, #tpu.memory_space<vmem>> -> memref<1x224x224xf32, #tpu.memory_space<vmem>>
    %dma_start3A_1032 = tpu.memref_squeeze %dma_start3A_1031 : memref<1x224x224xf32, #tpu.memory_space<vmem>> -> memref<224x224xf32, #tpu.memory_space<vmem>>
    tpu.enqueue_dma source(%dma_start3A_1032 : memref<224x224xf32, #tpu.memory_space<vmem>>) target(%dma_start3A_1028 : memref<224x224xf32, #tpu.memory_space<hbm>>) target_semaphore(%arg7 : memref<!tpu.dma_semaphore, #tpu.memory_space<semaphore_mem>>)
    %dma_wait3A_1033 = arith.constant 1 : i32
    %dma_wait3A_1034 = arith.constant 1 : i32
    %dma_wait3A_1035 = arith.constant 0 : i32
    %dma_wait3A_1036 = arith.constant 0 : i32
    %dma_wait3A_1037 = tpu.memref_slice %arg5[%dma_wait3A_1033, %dma_wait3A_1035, %dma_wait3A_1036] : memref<2x224x224xf32, #tpu.memory_space<vmem>> -> memref<1x224x224xf32, #tpu.memory_space<vmem>>
    %dma_wait3A_1038 = tpu.memref_squeeze %dma_wait3A_1037 : memref<1x224x224xf32, #tpu.memory_space<vmem>> -> memref<224x224xf32, #tpu.memory_space<vmem>>
    %dma_wait3A_1039 = arith.constant 0 : i32
    %dma_wait3A_1040 = arith.constant 0 : i32
    %dma_wait3A_1041 = tpu.memref_slice %arg4[%add3A_16, %dma_wait3A_1034, %dma_wait3A_1039, %dma_wait3A_1040] : memref<384x2x224x224xf32, #tpu.memory_space<hbm>> -> memref<1x1x224x224xf32, #tpu.memory_space<hbm>>
    %dma_wait3A_1042 = tpu.memref_squeeze %dma_wait3A_1041 : memref<1x1x224x224xf32, #tpu.memory_space<hbm>> -> memref<224x224xf32, #tpu.memory_space<hbm>>
    %dma_wait3A_1043 = arith.constant 0 : i32
    %dma_wait3A_1044 = arith.constant 0 : i32
    %dma_wait3A_1045 = tpu.memref_slice %arg4[%add3A_16, %dma_wait3A_1034, %dma_wait3A_1043, %dma_wait3A_1044] : memref<384x2x224x224xf32, #tpu.memory_space<hbm>> -> memref<1x1x224x224xf32, #tpu.memory_space<hbm>>
    %dma_wait3A_1046 = tpu.memref_squeeze %dma_wait3A_1045 : memref<1x1x224x224xf32, #tpu.memory_space<hbm>> -> memref<224x224xf32, #tpu.memory_space<hbm>>
    %dma_wait3A_1047 = arith.constant 0 : i32
    %dma_wait3A_1048 = arith.constant 0 : i32
    %dma_wait3A_1049 = tpu.memref_slice %arg5[%dma_wait3A_1033, %dma_wait3A_1047, %dma_wait3A_1048] : memref<2x224x224xf32, #tpu.memory_space<vmem>> -> memref<1x224x224xf32, #tpu.memory_space<vmem>>
    %dma_wait3A_1050 = tpu.memref_squeeze %dma_wait3A_1049 : memref<1x224x224xf32, #tpu.memory_space<vmem>> -> memref<224x224xf32, #tpu.memory_space<vmem>>
    tpu.wait_dma2 semaphore(%arg7 : memref<!tpu.dma_semaphore, #tpu.memory_space<semaphore_mem>>) src(%dma_wait3A_1050 : memref<224x224xf32, #tpu.memory_space<vmem>>) dst(%dma_wait3A_1046 : memref<224x224xf32, #tpu.memory_space<hbm>>)
    %dma_start3A_1051 = arith.constant 1 : i32
    %dma_start3A_1052 = arith.constant 1 : i32
    %dma_start3A_1053 = arith.constant 0 : i32
    %dma_start3A_1054 = arith.constant 0 : i32
    %dma_start3A_1055 = tpu.memref_slice %arg5[%dma_start3A_1052, %dma_start3A_1053, %dma_start3A_1054] : memref<2x224x224xf32, #tpu.memory_space<vmem>> -> memref<1x224x224xf32, #tpu.memory_space<vmem>>
    %dma_start3A_1056 = tpu.memref_squeeze %dma_start3A_1055 : memref<1x224x224xf32, #tpu.memory_space<vmem>> -> memref<224x224xf32, #tpu.memory_space<vmem>>
    %dma_start3A_1057 = arith.constant 0 : i32
    %dma_start3A_1058 = arith.constant 0 : i32
    %dma_start3A_1059 = tpu.memref_slice %arg2[%add3A_18, %dma_start3A_1051, %dma_start3A_1057, %dma_start3A_1058] : memref<384x2x224x224xf32, #tpu.memory_space<hbm>> -> memref<1x1x224x224xf32, #tpu.memory_space<hbm>>
    %dma_start3A_1060 = tpu.memref_squeeze %dma_start3A_1059 : memref<1x1x224x224xf32, #tpu.memory_space<hbm>> -> memref<224x224xf32, #tpu.memory_space<hbm>>
    %dma_start3A_1061 = arith.constant 0 : i32
    %dma_start3A_1062 = arith.constant 0 : i32
    %dma_start3A_1063 = tpu.memref_slice %arg5[%dma_start3A_1052, %dma_start3A_1061, %dma_start3A_1062] : memref<2x224x224xf32, #tpu.memory_space<vmem>> -> memref<1x224x224xf32, #tpu.memory_space<vmem>>
    %dma_start3A_1064 = tpu.memref_squeeze %dma_start3A_1063 : memref<1x224x224xf32, #tpu.memory_space<vmem>> -> memref<224x224xf32, #tpu.memory_space<vmem>>
    %dma_start3A_1065 = arith.constant 0 : i32
    %dma_start3A_1066 = arith.constant 0 : i32
    %dma_start3A_1067 = tpu.memref_slice %arg2[%add3A_18, %dma_start3A_1051, %dma_start3A_1065, %dma_start3A_1066] : memref<384x2x224x224xf32, #tpu.memory_space<hbm>> -> memref<1x1x224x224xf32, #tpu.memory_space<hbm>>
    %dma_start3A_1068 = tpu.memref_squeeze %dma_start3A_1067 : memref<1x1x224x224xf32, #tpu.memory_space<hbm>> -> memref<224x224xf32, #tpu.memory_space<hbm>>
    tpu.enqueue_dma source(%dma_start3A_1068 : memref<224x224xf32, #tpu.memory_space<hbm>>) target(%dma_start3A_1064 : memref<224x224xf32, #tpu.memory_space<vmem>>) target_semaphore(%arg6 : memref<!tpu.dma_semaphore, #tpu.memory_space<semaphore_mem>>)
    %dma_wait3A_1069 = arith.constant 0 : i32
    %dma_wait3A_1070 = arith.constant 0 : i32
    %dma_wait3A_1071 = arith.constant 0 : i32
    %dma_wait3A_1072 = arith.constant 0 : i32
    %dma_wait3A_1073 = tpu.memref_slice %arg5[%dma_wait3A_1070, %dma_wait3A_1071, %dma_wait3A_1072] : memref<2x224x224xf32, #tpu.memory_space<vmem>> -> memref<1x224x224xf32, #tpu.memory_space<vmem>>
    %dma_wait3A_1074 = tpu.memref_squeeze %dma_wait3A_1073 : memref<1x224x224xf32, #tpu.memory_space<vmem>> -> memref<224x224xf32, #tpu.memory_space<vmem>>
    %dma_wait3A_1075 = arith.constant 0 : i32
    %dma_wait3A_1076 = arith.constant 0 : i32
    %dma_wait3A_1077 = tpu.memref_slice %arg3[%add3A_18, %dma_wait3A_1069, %dma_wait3A_1075, %dma_wait3A_1076] : memref<384x2x224x224xf32, #tpu.memory_space<hbm>> -> memref<1x1x224x224xf32, #tpu.memory_space<hbm>>
    %dma_wait3A_1078 = tpu.memref_squeeze %dma_wait3A_1077 : memref<1x1x224x224xf32, #tpu.memory_space<hbm>> -> memref<224x224xf32, #tpu.memory_space<hbm>>
    %dma_wait3A_1079 = arith.constant 0 : i32
    %dma_wait3A_1080 = arith.constant 0 : i32
    %dma_wait3A_1081 = tpu.memref_slice %arg5[%dma_wait3A_1070, %dma_wait3A_1079, %dma_wait3A_1080] : memref<2x224x224xf32, #tpu.memory_space<vmem>> -> memref<1x224x224xf32, #tpu.memory_space<vmem>>
    %dma_wait3A_1082 = tpu.memref_squeeze %dma_wait3A_1081 : memref<1x224x224xf32, #tpu.memory_space<vmem>> -> memref<224x224xf32, #tpu.memory_space<vmem>>
    %dma_wait3A_1083 = arith.constant 0 : i32
    %dma_wait3A_1084 = arith.constant 0 : i32
    %dma_wait3A_1085 = tpu.memref_slice %arg3[%add3A_18, %dma_wait3A_1069, %dma_wait3A_1083, %dma_wait3A_1084] : memref<384x2x224x224xf32, #tpu.memory_space<hbm>> -> memref<1x1x224x224xf32, #tpu.memory_space<hbm>>
    %dma_wait3A_1086 = tpu.memref_squeeze %dma_wait3A_1085 : memref<1x1x224x224xf32, #tpu.memory_space<hbm>> -> memref<224x224xf32, #tpu.memory_space<hbm>>
    tpu.wait_dma2 semaphore(%arg6 : memref<!tpu.dma_semaphore, #tpu.memory_space<semaphore_mem>>) src(%dma_wait3A_1086 : memref<224x224xf32, #tpu.memory_space<hbm>>) dst(%dma_wait3A_1082 : memref<224x224xf32, #tpu.memory_space<vmem>>)
    %dma_start3A_1087 = arith.constant 0 : i32
    %dma_start3A_1088 = arith.constant 0 : i32
    %dma_start3A_1089 = arith.constant 0 : i32
    %dma_start3A_1090 = arith.constant 0 : i32
    %dma_start3A_1091 = tpu.memref_slice %arg5[%dma_start3A_1087, %dma_start3A_1089, %dma_start3A_1090] : memref<2x224x224xf32, #tpu.memory_space<vmem>> -> memref<1x224x224xf32, #tpu.memory_space<vmem>>
    %dma_start3A_1092 = tpu.memref_squeeze %dma_start3A_1091 : memref<1x224x224xf32, #tpu.memory_space<vmem>> -> memref<224x224xf32, #tpu.memory_space<vmem>>
    %dma_start3A_1093 = arith.constant 0 : i32
    %dma_start3A_1094 = arith.constant 0 : i32
    %dma_start3A_1095 = tpu.memref_slice %arg4[%add3A_18, %dma_start3A_1088, %dma_start3A_1093, %dma_start3A_1094] : memref<384x2x224x224xf32, #tpu.memory_space<hbm>> -> memref<1x1x224x224xf32, #tpu.memory_space<hbm>>
    %dma_start3A_1096 = tpu.memref_squeeze %dma_start3A_1095 : memref<1x1x224x224xf32, #tpu.memory_space<hbm>> -> memref<224x224xf32, #tpu.memory_space<hbm>>
    %dma_start3A_1097 = arith.constant 0 : i32
    %dma_start3A_1098 = arith.constant 0 : i32
    %dma_start3A_1099 = tpu.memref_slice %arg4[%add3A_18, %dma_start3A_1088, %dma_start3A_1097, %dma_start3A_1098] : memref<384x2x224x224xf32, #tpu.memory_space<hbm>> -> memref<1x1x224x224xf32, #tpu.memory_space<hbm>>
    %dma_start3A_1100 = tpu.memref_squeeze %dma_start3A_1099 : memref<1x1x224x224xf32, #tpu.memory_space<hbm>> -> memref<224x224xf32, #tpu.memory_space<hbm>>
    %dma_start3A_1101 = arith.constant 0 : i32
    %dma_start3A_1102 = arith.constant 0 : i32
    %dma_start3A_1103 = tpu.memref_slice %arg5[%dma_start3A_1087, %dma_start3A_1101, %dma_start3A_1102] : memref<2x224x224xf32, #tpu.memory_space<vmem>> -> memref<1x224x224xf32, #tpu.memory_space<vmem>>
    %dma_start3A_1104 = tpu.memref_squeeze %dma_start3A_1103 : memref<1x224x224xf32, #tpu.memory_space<vmem>> -> memref<224x224xf32, #tpu.memory_space<vmem>>
    tpu.enqueue_dma source(%dma_start3A_1104 : memref<224x224xf32, #tpu.memory_space<vmem>>) target(%dma_start3A_1100 : memref<224x224xf32, #tpu.memory_space<hbm>>) target_semaphore(%arg7 : memref<!tpu.dma_semaphore, #tpu.memory_space<semaphore_mem>>)
    %dma_wait3A_1105 = arith.constant 0 : i32
    %dma_wait3A_1106 = arith.constant 0 : i32
    %dma_wait3A_1107 = arith.constant 0 : i32
    %dma_wait3A_1108 = arith.constant 0 : i32
    %dma_wait3A_1109 = tpu.memref_slice %arg5[%dma_wait3A_1105, %dma_wait3A_1107, %dma_wait3A_1108] : memref<2x224x224xf32, #tpu.memory_space<vmem>> -> memref<1x224x224xf32, #tpu.memory_space<vmem>>
    %dma_wait3A_1110 = tpu.memref_squeeze %dma_wait3A_1109 : memref<1x224x224xf32, #tpu.memory_space<vmem>> -> memref<224x224xf32, #tpu.memory_space<vmem>>
    %dma_wait3A_1111 = arith.constant 0 : i32
    %dma_wait3A_1112 = arith.constant 0 : i32
    %dma_wait3A_1113 = tpu.memref_slice %arg4[%add3A_18, %dma_wait3A_1106, %dma_wait3A_1111, %dma_wait3A_1112] : memref<384x2x224x224xf32, #tpu.memory_space<hbm>> -> memref<1x1x224x224xf32, #tpu.memory_space<hbm>>
    %dma_wait3A_1114 = tpu.memref_squeeze %dma_wait3A_1113 : memref<1x1x224x224xf32, #tpu.memory_space<hbm>> -> memref<224x224xf32, #tpu.memory_space<hbm>>
    %dma_wait3A_1115 = arith.constant 0 : i32
    %dma_wait3A_1116 = arith.constant 0 : i32
    %dma_wait3A_1117 = tpu.memref_slice %arg4[%add3A_18, %dma_wait3A_1106, %dma_wait3A_1115, %dma_wait3A_1116] : memref<384x2x224x224xf32, #tpu.memory_space<hbm>> -> memref<1x1x224x224xf32, #tpu.memory_space<hbm>>
    %dma_wait3A_1118 = tpu.memref_squeeze %dma_wait3A_1117 : memref<1x1x224x224xf32, #tpu.memory_space<hbm>> -> memref<224x224xf32, #tpu.memory_space<hbm>>
    %dma_wait3A_1119 = arith.constant 0 : i32
    %dma_wait3A_1120 = arith.constant 0 : i32
    %dma_wait3A_1121 = tpu.memref_slice %arg5[%dma_wait3A_1105, %dma_wait3A_1119, %dma_wait3A_1120] : memref<2x224x224xf32, #tpu.memory_space<vmem>> -> memref<1x224x224xf32, #tpu.memory_space<vmem>>
    %dma_wait3A_1122 = tpu.memref_squeeze %dma_wait3A_1121 : memref<1x224x224xf32, #tpu.memory_space<vmem>> -> memref<224x224xf32, #tpu.memory_space<vmem>>
    tpu.wait_dma2 semaphore(%arg7 : memref<!tpu.dma_semaphore, #tpu.memory_space<semaphore_mem>>) src(%dma_wait3A_1122 : memref<224x224xf32, #tpu.memory_space<vmem>>) dst(%dma_wait3A_1118 : memref<224x224xf32, #tpu.memory_space<hbm>>)
    %dma_start3A_1123 = arith.constant 0 : i32
    %dma_start3A_1124 = arith.constant 0 : i32
    %dma_start3A_1125 = arith.constant 0 : i32
    %dma_start3A_1126 = arith.constant 0 : i32
    %dma_start3A_1127 = tpu.memref_slice %arg5[%dma_start3A_1124, %dma_start3A_1125, %dma_start3A_1126] : memref<2x224x224xf32, #tpu.memory_space<vmem>> -> memref<1x224x224xf32, #tpu.memory_space<vmem>>
    %dma_start3A_1128 = tpu.memref_squeeze %dma_start3A_1127 : memref<1x224x224xf32, #tpu.memory_space<vmem>> -> memref<224x224xf32, #tpu.memory_space<vmem>>
    %dma_start3A_1129 = arith.constant 0 : i32
    %dma_start3A_1130 = arith.constant 0 : i32
    %dma_start3A_1131 = tpu.memref_slice %arg3[%add3A_20, %dma_start3A_1123, %dma_start3A_1129, %dma_start3A_1130] : memref<384x2x224x224xf32, #tpu.memory_space<hbm>> -> memref<1x1x224x224xf32, #tpu.memory_space<hbm>>
    %dma_start3A_1132 = tpu.memref_squeeze %dma_start3A_1131 : memref<1x1x224x224xf32, #tpu.memory_space<hbm>> -> memref<224x224xf32, #tpu.memory_space<hbm>>
    %dma_start3A_1133 = arith.constant 0 : i32
    %dma_start3A_1134 = arith.constant 0 : i32
    %dma_start3A_1135 = tpu.memref_slice %arg5[%dma_start3A_1124, %dma_start3A_1133, %dma_start3A_1134] : memref<2x224x224xf32, #tpu.memory_space<vmem>> -> memref<1x224x224xf32, #tpu.memory_space<vmem>>
    %dma_start3A_1136 = tpu.memref_squeeze %dma_start3A_1135 : memref<1x224x224xf32, #tpu.memory_space<vmem>> -> memref<224x224xf32, #tpu.memory_space<vmem>>
    %dma_start3A_1137 = arith.constant 0 : i32
    %dma_start3A_1138 = arith.constant 0 : i32
    %dma_start3A_1139 = tpu.memref_slice %arg3[%add3A_20, %dma_start3A_1123, %dma_start3A_1137, %dma_start3A_1138] : memref<384x2x224x224xf32, #tpu.memory_space<hbm>> -> memref<1x1x224x224xf32, #tpu.memory_space<hbm>>
    %dma_start3A_1140 = tpu.memref_squeeze %dma_start3A_1139 : memref<1x1x224x224xf32, #tpu.memory_space<hbm>> -> memref<224x224xf32, #tpu.memory_space<hbm>>
    tpu.enqueue_dma source(%dma_start3A_1140 : memref<224x224xf32, #tpu.memory_space<hbm>>) target(%dma_start3A_1136 : memref<224x224xf32, #tpu.memory_space<vmem>>) target_semaphore(%arg6 : memref<!tpu.dma_semaphore, #tpu.memory_space<semaphore_mem>>)
    %dma_wait3A_1141 = arith.constant 1 : i32
    %dma_wait3A_1142 = arith.constant 1 : i32
    %dma_wait3A_1143 = arith.constant 0 : i32
    %dma_wait3A_1144 = arith.constant 0 : i32
    %dma_wait3A_1145 = tpu.memref_slice %arg5[%dma_wait3A_1142, %dma_wait3A_1143, %dma_wait3A_1144] : memref<2x224x224xf32, #tpu.memory_space<vmem>> -> memref<1x224x224xf32, #tpu.memory_space<vmem>>
    %dma_wait3A_1146 = tpu.memref_squeeze %dma_wait3A_1145 : memref<1x224x224xf32, #tpu.memory_space<vmem>> -> memref<224x224xf32, #tpu.memory_space<vmem>>
    %dma_wait3A_1147 = arith.constant 0 : i32
    %dma_wait3A_1148 = arith.constant 0 : i32
    %dma_wait3A_1149 = tpu.memref_slice %arg2[%add3A_18, %dma_wait3A_1141, %dma_wait3A_1147, %dma_wait3A_1148] : memref<384x2x224x224xf32, #tpu.memory_space<hbm>> -> memref<1x1x224x224xf32, #tpu.memory_space<hbm>>
    %dma_wait3A_1150 = tpu.memref_squeeze %dma_wait3A_1149 : memref<1x1x224x224xf32, #tpu.memory_space<hbm>> -> memref<224x224xf32, #tpu.memory_space<hbm>>
    %dma_wait3A_1151 = arith.constant 0 : i32
    %dma_wait3A_1152 = arith.constant 0 : i32
    %dma_wait3A_1153 = tpu.memref_slice %arg5[%dma_wait3A_1142, %dma_wait3A_1151, %dma_wait3A_1152] : memref<2x224x224xf32, #tpu.memory_space<vmem>> -> memref<1x224x224xf32, #tpu.memory_space<vmem>>
    %dma_wait3A_1154 = tpu.memref_squeeze %dma_wait3A_1153 : memref<1x224x224xf32, #tpu.memory_space<vmem>> -> memref<224x224xf32, #tpu.memory_space<vmem>>
    %dma_wait3A_1155 = arith.constant 0 : i32
    %dma_wait3A_1156 = arith.constant 0 : i32
    %dma_wait3A_1157 = tpu.memref_slice %arg2[%add3A_18, %dma_wait3A_1141, %dma_wait3A_1155, %dma_wait3A_1156] : memref<384x2x224x224xf32, #tpu.memory_space<hbm>> -> memref<1x1x224x224xf32, #tpu.memory_space<hbm>>
    %dma_wait3A_1158 = tpu.memref_squeeze %dma_wait3A_1157 : memref<1x1x224x224xf32, #tpu.memory_space<hbm>> -> memref<224x224xf32, #tpu.memory_space<hbm>>
    tpu.wait_dma2 semaphore(%arg6 : memref<!tpu.dma_semaphore, #tpu.memory_space<semaphore_mem>>) src(%dma_wait3A_1158 : memref<224x224xf32, #tpu.memory_space<hbm>>) dst(%dma_wait3A_1154 : memref<224x224xf32, #tpu.memory_space<vmem>>)
    %dma_start3A_1159 = arith.constant 1 : i32
    %dma_start3A_1160 = arith.constant 1 : i32
    %dma_start3A_1161 = arith.constant 0 : i32
    %dma_start3A_1162 = arith.constant 0 : i32
    %dma_start3A_1163 = tpu.memref_slice %arg5[%dma_start3A_1159, %dma_start3A_1161, %dma_start3A_1162] : memref<2x224x224xf32, #tpu.memory_space<vmem>> -> memref<1x224x224xf32, #tpu.memory_space<vmem>>
    %dma_start3A_1164 = tpu.memref_squeeze %dma_start3A_1163 : memref<1x224x224xf32, #tpu.memory_space<vmem>> -> memref<224x224xf32, #tpu.memory_space<vmem>>
    %dma_start3A_1165 = arith.constant 0 : i32
    %dma_start3A_1166 = arith.constant 0 : i32
    %dma_start3A_1167 = tpu.memref_slice %arg4[%add3A_18, %dma_start3A_1160, %dma_start3A_1165, %dma_start3A_1166] : memref<384x2x224x224xf32, #tpu.memory_space<hbm>> -> memref<1x1x224x224xf32, #tpu.memory_space<hbm>>
    %dma_start3A_1168 = tpu.memref_squeeze %dma_start3A_1167 : memref<1x1x224x224xf32, #tpu.memory_space<hbm>> -> memref<224x224xf32, #tpu.memory_space<hbm>>
    %dma_start3A_1169 = arith.constant 0 : i32
    %dma_start3A_1170 = arith.constant 0 : i32
    %dma_start3A_1171 = tpu.memref_slice %arg4[%add3A_18, %dma_start3A_1160, %dma_start3A_1169, %dma_start3A_1170] : memref<384x2x224x224xf32, #tpu.memory_space<hbm>> -> memref<1x1x224x224xf32, #tpu.memory_space<hbm>>
    %dma_start3A_1172 = tpu.memref_squeeze %dma_start3A_1171 : memref<1x1x224x224xf32, #tpu.memory_space<hbm>> -> memref<224x224xf32, #tpu.memory_space<hbm>>
    %dma_start3A_1173 = arith.constant 0 : i32
    %dma_start3A_1174 = arith.constant 0 : i32
    %dma_start3A_1175 = tpu.memref_slice %arg5[%dma_start3A_1159, %dma_start3A_1173, %dma_start3A_1174] : memref<2x224x224xf32, #tpu.memory_space<vmem>> -> memref<1x224x224xf32, #tpu.memory_space<vmem>>
    %dma_start3A_1176 = tpu.memref_squeeze %dma_start3A_1175 : memref<1x224x224xf32, #tpu.memory_space<vmem>> -> memref<224x224xf32, #tpu.memory_space<vmem>>
    tpu.enqueue_dma source(%dma_start3A_1176 : memref<224x224xf32, #tpu.memory_space<vmem>>) target(%dma_start3A_1172 : memref<224x224xf32, #tpu.memory_space<hbm>>) target_semaphore(%arg7 : memref<!tpu.dma_semaphore, #tpu.memory_space<semaphore_mem>>)
    %dma_wait3A_1177 = arith.constant 1 : i32
    %dma_wait3A_1178 = arith.constant 1 : i32
    %dma_wait3A_1179 = arith.constant 0 : i32
    %dma_wait3A_1180 = arith.constant 0 : i32
    %dma_wait3A_1181 = tpu.memref_slice %arg5[%dma_wait3A_1177, %dma_wait3A_1179, %dma_wait3A_1180] : memref<2x224x224xf32, #tpu.memory_space<vmem>> -> memref<1x224x224xf32, #tpu.memory_space<vmem>>
    %dma_wait3A_1182 = tpu.memref_squeeze %dma_wait3A_1181 : memref<1x224x224xf32, #tpu.memory_space<vmem>> -> memref<224x224xf32, #tpu.memory_space<vmem>>
    %dma_wait3A_1183 = arith.constant 0 : i32
    %dma_wait3A_1184 = arith.constant 0 : i32
    %dma_wait3A_1185 = tpu.memref_slice %arg4[%add3A_18, %dma_wait3A_1178, %dma_wait3A_1183, %dma_wait3A_1184] : memref<384x2x224x224xf32, #tpu.memory_space<hbm>> -> memref<1x1x224x224xf32, #tpu.memory_space<hbm>>
    %dma_wait3A_1186 = tpu.memref_squeeze %dma_wait3A_1185 : memref<1x1x224x224xf32, #tpu.memory_space<hbm>> -> memref<224x224xf32, #tpu.memory_space<hbm>>
    %dma_wait3A_1187 = arith.constant 0 : i32
    %dma_wait3A_1188 = arith.constant 0 : i32
    %dma_wait3A_1189 = tpu.memref_slice %arg4[%add3A_18, %dma_wait3A_1178, %dma_wait3A_1187, %dma_wait3A_1188] : memref<384x2x224x224xf32, #tpu.memory_space<hbm>> -> memref<1x1x224x224xf32, #tpu.memory_space<hbm>>
    %dma_wait3A_1190 = tpu.memref_squeeze %dma_wait3A_1189 : memref<1x1x224x224xf32, #tpu.memory_space<hbm>> -> memref<224x224xf32, #tpu.memory_space<hbm>>
    %dma_wait3A_1191 = arith.constant 0 : i32
    %dma_wait3A_1192 = arith.constant 0 : i32
    %dma_wait3A_1193 = tpu.memref_slice %arg5[%dma_wait3A_1177, %dma_wait3A_1191, %dma_wait3A_1192] : memref<2x224x224xf32, #tpu.memory_space<vmem>> -> memref<1x224x224xf32, #tpu.memory_space<vmem>>
    %dma_wait3A_1194 = tpu.memref_squeeze %dma_wait3A_1193 : memref<1x224x224xf32, #tpu.memory_space<vmem>> -> memref<224x224xf32, #tpu.memory_space<vmem>>
    tpu.wait_dma2 semaphore(%arg7 : memref<!tpu.dma_semaphore, #tpu.memory_space<semaphore_mem>>) src(%dma_wait3A_1194 : memref<224x224xf32, #tpu.memory_space<vmem>>) dst(%dma_wait3A_1190 : memref<224x224xf32, #tpu.memory_space<hbm>>)
    %dma_start3A_1195 = arith.constant 1 : i32
    %dma_start3A_1196 = arith.constant 1 : i32
    %dma_start3A_1197 = arith.constant 0 : i32
    %dma_start3A_1198 = arith.constant 0 : i32
    %dma_start3A_1199 = tpu.memref_slice %arg5[%dma_start3A_1196, %dma_start3A_1197, %dma_start3A_1198] : memref<2x224x224xf32, #tpu.memory_space<vmem>> -> memref<1x224x224xf32, #tpu.memory_space<vmem>>
    %dma_start3A_1200 = tpu.memref_squeeze %dma_start3A_1199 : memref<1x224x224xf32, #tpu.memory_space<vmem>> -> memref<224x224xf32, #tpu.memory_space<vmem>>
    %dma_start3A_1201 = arith.constant 0 : i32
    %dma_start3A_1202 = arith.constant 0 : i32
    %dma_start3A_1203 = tpu.memref_slice %arg2[%add3A_20, %dma_start3A_1195, %dma_start3A_1201, %dma_start3A_1202] : memref<384x2x224x224xf32, #tpu.memory_space<hbm>> -> memref<1x1x224x224xf32, #tpu.memory_space<hbm>>
    %dma_start3A_1204 = tpu.memref_squeeze %dma_start3A_1203 : memref<1x1x224x224xf32, #tpu.memory_space<hbm>> -> memref<224x224xf32, #tpu.memory_space<hbm>>
    %dma_start3A_1205 = arith.constant 0 : i32
    %dma_start3A_1206 = arith.constant 0 : i32
    %dma_start3A_1207 = tpu.memref_slice %arg5[%dma_start3A_1196, %dma_start3A_1205, %dma_start3A_1206] : memref<2x224x224xf32, #tpu.memory_space<vmem>> -> memref<1x224x224xf32, #tpu.memory_space<vmem>>
    %dma_start3A_1208 = tpu.memref_squeeze %dma_start3A_1207 : memref<1x224x224xf32, #tpu.memory_space<vmem>> -> memref<224x224xf32, #tpu.memory_space<vmem>>
    %dma_start3A_1209 = arith.constant 0 : i32
    %dma_start3A_1210 = arith.constant 0 : i32
    %dma_start3A_1211 = tpu.memref_slice %arg2[%add3A_20, %dma_start3A_1195, %dma_start3A_1209, %dma_start3A_1210] : memref<384x2x224x224xf32, #tpu.memory_space<hbm>> -> memref<1x1x224x224xf32, #tpu.memory_space<hbm>>
    %dma_start3A_1212 = tpu.memref_squeeze %dma_start3A_1211 : memref<1x1x224x224xf32, #tpu.memory_space<hbm>> -> memref<224x224xf32, #tpu.memory_space<hbm>>
    tpu.enqueue_dma source(%dma_start3A_1212 : memref<224x224xf32, #tpu.memory_space<hbm>>) target(%dma_start3A_1208 : memref<224x224xf32, #tpu.memory_space<vmem>>) target_semaphore(%arg6 : memref<!tpu.dma_semaphore, #tpu.memory_space<semaphore_mem>>)
    %dma_wait3A_1213 = arith.constant 0 : i32
    %dma_wait3A_1214 = arith.constant 0 : i32
    %dma_wait3A_1215 = arith.constant 0 : i32
    %dma_wait3A_1216 = arith.constant 0 : i32
    %dma_wait3A_1217 = tpu.memref_slice %arg5[%dma_wait3A_1214, %dma_wait3A_1215, %dma_wait3A_1216] : memref<2x224x224xf32, #tpu.memory_space<vmem>> -> memref<1x224x224xf32, #tpu.memory_space<vmem>>
    %dma_wait3A_1218 = tpu.memref_squeeze %dma_wait3A_1217 : memref<1x224x224xf32, #tpu.memory_space<vmem>> -> memref<224x224xf32, #tpu.memory_space<vmem>>
    %dma_wait3A_1219 = arith.constant 0 : i32
    %dma_wait3A_1220 = arith.constant 0 : i32
    %dma_wait3A_1221 = tpu.memref_slice %arg3[%add3A_20, %dma_wait3A_1213, %dma_wait3A_1219, %dma_wait3A_1220] : memref<384x2x224x224xf32, #tpu.memory_space<hbm>> -> memref<1x1x224x224xf32, #tpu.memory_space<hbm>>
    %dma_wait3A_1222 = tpu.memref_squeeze %dma_wait3A_1221 : memref<1x1x224x224xf32, #tpu.memory_space<hbm>> -> memref<224x224xf32, #tpu.memory_space<hbm>>
    %dma_wait3A_1223 = arith.constant 0 : i32
    %dma_wait3A_1224 = arith.constant 0 : i32
    %dma_wait3A_1225 = tpu.memref_slice %arg5[%dma_wait3A_1214, %dma_wait3A_1223, %dma_wait3A_1224] : memref<2x224x224xf32, #tpu.memory_space<vmem>> -> memref<1x224x224xf32, #tpu.memory_space<vmem>>
    %dma_wait3A_1226 = tpu.memref_squeeze %dma_wait3A_1225 : memref<1x224x224xf32, #tpu.memory_space<vmem>> -> memref<224x224xf32, #tpu.memory_space<vmem>>
    %dma_wait3A_1227 = arith.constant 0 : i32
    %dma_wait3A_1228 = arith.constant 0 : i32
    %dma_wait3A_1229 = tpu.memref_slice %arg3[%add3A_20, %dma_wait3A_1213, %dma_wait3A_1227, %dma_wait3A_1228] : memref<384x2x224x224xf32, #tpu.memory_space<hbm>> -> memref<1x1x224x224xf32, #tpu.memory_space<hbm>>
    %dma_wait3A_1230 = tpu.memref_squeeze %dma_wait3A_1229 : memref<1x1x224x224xf32, #tpu.memory_space<hbm>> -> memref<224x224xf32, #tpu.memory_space<hbm>>
    tpu.wait_dma2 semaphore(%arg6 : memref<!tpu.dma_semaphore, #tpu.memory_space<semaphore_mem>>) src(%dma_wait3A_1230 : memref<224x224xf32, #tpu.memory_space<hbm>>) dst(%dma_wait3A_1226 : memref<224x224xf32, #tpu.memory_space<vmem>>)
    %dma_start3A_1231 = arith.constant 0 : i32
    %dma_start3A_1232 = arith.constant 0 : i32
    %dma_start3A_1233 = arith.constant 0 : i32
    %dma_start3A_1234 = arith.constant 0 : i32
    %dma_start3A_1235 = tpu.memref_slice %arg5[%dma_start3A_1231, %dma_start3A_1233, %dma_start3A_1234] : memref<2x224x224xf32, #tpu.memory_space<vmem>> -> memref<1x224x224xf32, #tpu.memory_space<vmem>>
    %dma_start3A_1236 = tpu.memref_squeeze %dma_start3A_1235 : memref<1x224x224xf32, #tpu.memory_space<vmem>> -> memref<224x224xf32, #tpu.memory_space<vmem>>
    %dma_start3A_1237 = arith.constant 0 : i32
    %dma_start3A_1238 = arith.constant 0 : i32
    %dma_start3A_1239 = tpu.memref_slice %arg4[%add3A_20, %dma_start3A_1232, %dma_start3A_1237, %dma_start3A_1238] : memref<384x2x224x224xf32, #tpu.memory_space<hbm>> -> memref<1x1x224x224xf32, #tpu.memory_space<hbm>>
    %dma_start3A_1240 = tpu.memref_squeeze %dma_start3A_1239 : memref<1x1x224x224xf32, #tpu.memory_space<hbm>> -> memref<224x224xf32, #tpu.memory_space<hbm>>
    %dma_start3A_1241 = arith.constant 0 : i32
    %dma_start3A_1242 = arith.constant 0 : i32
    %dma_start3A_1243 = tpu.memref_slice %arg4[%add3A_20, %dma_start3A_1232, %dma_start3A_1241, %dma_start3A_1242] : memref<384x2x224x224xf32, #tpu.memory_space<hbm>> -> memref<1x1x224x224xf32, #tpu.memory_space<hbm>>
    %dma_start3A_1244 = tpu.memref_squeeze %dma_start3A_1243 : memref<1x1x224x224xf32, #tpu.memory_space<hbm>> -> memref<224x224xf32, #tpu.memory_space<hbm>>
    %dma_start3A_1245 = arith.constant 0 : i32
    %dma_start3A_1246 = arith.constant 0 : i32
    %dma_start3A_1247 = tpu.memref_slice %arg5[%dma_start3A_1231, %dma_start3A_1245, %dma_start3A_1246] : memref<2x224x224xf32, #tpu.memory_space<vmem>> -> memref<1x224x224xf32, #tpu.memory_space<vmem>>
    %dma_start3A_1248 = tpu.memref_squeeze %dma_start3A_1247 : memref<1x224x224xf32, #tpu.memory_space<vmem>> -> memref<224x224xf32, #tpu.memory_space<vmem>>
    tpu.enqueue_dma source(%dma_start3A_1248 : memref<224x224xf32, #tpu.memory_space<vmem>>) target(%dma_start3A_1244 : memref<224x224xf32, #tpu.memory_space<hbm>>) target_semaphore(%arg7 : memref<!tpu.dma_semaphore, #tpu.memory_space<semaphore_mem>>)
    %dma_wait3A_1249 = arith.constant 0 : i32
    %dma_wait3A_1250 = arith.constant 0 : i32
    %dma_wait3A_1251 = arith.constant 0 : i32
    %dma_wait3A_1252 = arith.constant 0 : i32
    %dma_wait3A_1253 = tpu.memref_slice %arg5[%dma_wait3A_1249, %dma_wait3A_1251, %dma_wait3A_1252] : memref<2x224x224xf32, #tpu.memory_space<vmem>> -> memref<1x224x224xf32, #tpu.memory_space<vmem>>
    %dma_wait3A_1254 = tpu.memref_squeeze %dma_wait3A_1253 : memref<1x224x224xf32, #tpu.memory_space<vmem>> -> memref<224x224xf32, #tpu.memory_space<vmem>>
    %dma_wait3A_1255 = arith.constant 0 : i32
    %dma_wait3A_1256 = arith.constant 0 : i32
    %dma_wait3A_1257 = tpu.memref_slice %arg4[%add3A_20, %dma_wait3A_1250, %dma_wait3A_1255, %dma_wait3A_1256] : memref<384x2x224x224xf32, #tpu.memory_space<hbm>> -> memref<1x1x224x224xf32, #tpu.memory_space<hbm>>
    %dma_wait3A_1258 = tpu.memref_squeeze %dma_wait3A_1257 : memref<1x1x224x224xf32, #tpu.memory_space<hbm>> -> memref<224x224xf32, #tpu.memory_space<hbm>>
    %dma_wait3A_1259 = arith.constant 0 : i32
    %dma_wait3A_1260 = arith.constant 0 : i32
    %dma_wait3A_1261 = tpu.memref_slice %arg4[%add3A_20, %dma_wait3A_1250, %dma_wait3A_1259, %dma_wait3A_1260] : memref<384x2x224x224xf32, #tpu.memory_space<hbm>> -> memref<1x1x224x224xf32, #tpu.memory_space<hbm>>
    %dma_wait3A_1262 = tpu.memref_squeeze %dma_wait3A_1261 : memref<1x1x224x224xf32, #tpu.memory_space<hbm>> -> memref<224x224xf32, #tpu.memory_space<hbm>>
    %dma_wait3A_1263 = arith.constant 0 : i32
    %dma_wait3A_1264 = arith.constant 0 : i32
    %dma_wait3A_1265 = tpu.memref_slice %arg5[%dma_wait3A_1249, %dma_wait3A_1263, %dma_wait3A_1264] : memref<2x224x224xf32, #tpu.memory_space<vmem>> -> memref<1x224x224xf32, #tpu.memory_space<vmem>>
    %dma_wait3A_1266 = tpu.memref_squeeze %dma_wait3A_1265 : memref<1x224x224xf32, #tpu.memory_space<vmem>> -> memref<224x224xf32, #tpu.memory_space<vmem>>
    tpu.wait_dma2 semaphore(%arg7 : memref<!tpu.dma_semaphore, #tpu.memory_space<semaphore_mem>>) src(%dma_wait3A_1266 : memref<224x224xf32, #tpu.memory_space<vmem>>) dst(%dma_wait3A_1262 : memref<224x224xf32, #tpu.memory_space<hbm>>)
    %dma_start3A_1267 = arith.constant 0 : i32
    %dma_start3A_1268 = arith.constant 0 : i32
    %dma_start3A_1269 = arith.constant 0 : i32
    %dma_start3A_1270 = arith.constant 0 : i32
    %dma_start3A_1271 = tpu.memref_slice %arg5[%dma_start3A_1268, %dma_start3A_1269, %dma_start3A_1270] : memref<2x224x224xf32, #tpu.memory_space<vmem>> -> memref<1x224x224xf32, #tpu.memory_space<vmem>>
    %dma_start3A_1272 = tpu.memref_squeeze %dma_start3A_1271 : memref<1x224x224xf32, #tpu.memory_space<vmem>> -> memref<224x224xf32, #tpu.memory_space<vmem>>
    %dma_start3A_1273 = arith.constant 0 : i32
    %dma_start3A_1274 = arith.constant 0 : i32
    %dma_start3A_1275 = tpu.memref_slice %arg3[%add3A_22, %dma_start3A_1267, %dma_start3A_1273, %dma_start3A_1274] : memref<384x2x224x224xf32, #tpu.memory_space<hbm>> -> memref<1x1x224x224xf32, #tpu.memory_space<hbm>>
    %dma_start3A_1276 = tpu.memref_squeeze %dma_start3A_1275 : memref<1x1x224x224xf32, #tpu.memory_space<hbm>> -> memref<224x224xf32, #tpu.memory_space<hbm>>
    %dma_start3A_1277 = arith.constant 0 : i32
    %dma_start3A_1278 = arith.constant 0 : i32
    %dma_start3A_1279 = tpu.memref_slice %arg5[%dma_start3A_1268, %dma_start3A_1277, %dma_start3A_1278] : memref<2x224x224xf32, #tpu.memory_space<vmem>> -> memref<1x224x224xf32, #tpu.memory_space<vmem>>
    %dma_start3A_1280 = tpu.memref_squeeze %dma_start3A_1279 : memref<1x224x224xf32, #tpu.memory_space<vmem>> -> memref<224x224xf32, #tpu.memory_space<vmem>>
    %dma_start3A_1281 = arith.constant 0 : i32
    %dma_start3A_1282 = arith.constant 0 : i32
    %dma_start3A_1283 = tpu.memref_slice %arg3[%add3A_22, %dma_start3A_1267, %dma_start3A_1281, %dma_start3A_1282] : memref<384x2x224x224xf32, #tpu.memory_space<hbm>> -> memref<1x1x224x224xf32, #tpu.memory_space<hbm>>
    %dma_start3A_1284 = tpu.memref_squeeze %dma_start3A_1283 : memref<1x1x224x224xf32, #tpu.memory_space<hbm>> -> memref<224x224xf32, #tpu.memory_space<hbm>>
    tpu.enqueue_dma source(%dma_start3A_1284 : memref<224x224xf32, #tpu.memory_space<hbm>>) target(%dma_start3A_1280 : memref<224x224xf32, #tpu.memory_space<vmem>>) target_semaphore(%arg6 : memref<!tpu.dma_semaphore, #tpu.memory_space<semaphore_mem>>)
    %dma_wait3A_1285 = arith.constant 1 : i32
    %dma_wait3A_1286 = arith.constant 1 : i32
    %dma_wait3A_1287 = arith.constant 0 : i32
    %dma_wait3A_1288 = arith.constant 0 : i32
    %dma_wait3A_1289 = tpu.memref_slice %arg5[%dma_wait3A_1286, %dma_wait3A_1287, %dma_wait3A_1288] : memref<2x224x224xf32, #tpu.memory_space<vmem>> -> memref<1x224x224xf32, #tpu.memory_space<vmem>>
    %dma_wait3A_1290 = tpu.memref_squeeze %dma_wait3A_1289 : memref<1x224x224xf32, #tpu.memory_space<vmem>> -> memref<224x224xf32, #tpu.memory_space<vmem>>
    %dma_wait3A_1291 = arith.constant 0 : i32
    %dma_wait3A_1292 = arith.constant 0 : i32
    %dma_wait3A_1293 = tpu.memref_slice %arg2[%add3A_20, %dma_wait3A_1285, %dma_wait3A_1291, %dma_wait3A_1292] : memref<384x2x224x224xf32, #tpu.memory_space<hbm>> -> memref<1x1x224x224xf32, #tpu.memory_space<hbm>>
    %dma_wait3A_1294 = tpu.memref_squeeze %dma_wait3A_1293 : memref<1x1x224x224xf32, #tpu.memory_space<hbm>> -> memref<224x224xf32, #tpu.memory_space<hbm>>
    %dma_wait3A_1295 = arith.constant 0 : i32
    %dma_wait3A_1296 = arith.constant 0 : i32
    %dma_wait3A_1297 = tpu.memref_slice %arg5[%dma_wait3A_1286, %dma_wait3A_1295, %dma_wait3A_1296] : memref<2x224x224xf32, #tpu.memory_space<vmem>> -> memref<1x224x224xf32, #tpu.memory_space<vmem>>
    %dma_wait3A_1298 = tpu.memref_squeeze %dma_wait3A_1297 : memref<1x224x224xf32, #tpu.memory_space<vmem>> -> memref<224x224xf32, #tpu.memory_space<vmem>>
    %dma_wait3A_1299 = arith.constant 0 : i32
    %dma_wait3A_1300 = arith.constant 0 : i32
    %dma_wait3A_1301 = tpu.memref_slice %arg2[%add3A_20, %dma_wait3A_1285, %dma_wait3A_1299, %dma_wait3A_1300] : memref<384x2x224x224xf32, #tpu.memory_space<hbm>> -> memref<1x1x224x224xf32, #tpu.memory_space<hbm>>
    %dma_wait3A_1302 = tpu.memref_squeeze %dma_wait3A_1301 : memref<1x1x224x224xf32, #tpu.memory_space<hbm>> -> memref<224x224xf32, #tpu.memory_space<hbm>>
    tpu.wait_dma2 semaphore(%arg6 : memref<!tpu.dma_semaphore, #tpu.memory_space<semaphore_mem>>) src(%dma_wait3A_1302 : memref<224x224xf32, #tpu.memory_space<hbm>>) dst(%dma_wait3A_1298 : memref<224x224xf32, #tpu.memory_space<vmem>>)
    %dma_start3A_1303 = arith.constant 1 : i32
    %dma_start3A_1304 = arith.constant 1 : i32
    %dma_start3A_1305 = arith.constant 0 : i32
    %dma_start3A_1306 = arith.constant 0 : i32
    %dma_start3A_1307 = tpu.memref_slice %arg5[%dma_start3A_1303, %dma_start3A_1305, %dma_start3A_1306] : memref<2x224x224xf32, #tpu.memory_space<vmem>> -> memref<1x224x224xf32, #tpu.memory_space<vmem>>
    %dma_start3A_1308 = tpu.memref_squeeze %dma_start3A_1307 : memref<1x224x224xf32, #tpu.memory_space<vmem>> -> memref<224x224xf32, #tpu.memory_space<vmem>>
    %dma_start3A_1309 = arith.constant 0 : i32
    %dma_start3A_1310 = arith.constant 0 : i32
    %dma_start3A_1311 = tpu.memref_slice %arg4[%add3A_20, %dma_start3A_1304, %dma_start3A_1309, %dma_start3A_1310] : memref<384x2x224x224xf32, #tpu.memory_space<hbm>> -> memref<1x1x224x224xf32, #tpu.memory_space<hbm>>
    %dma_start3A_1312 = tpu.memref_squeeze %dma_start3A_1311 : memref<1x1x224x224xf32, #tpu.memory_space<hbm>> -> memref<224x224xf32, #tpu.memory_space<hbm>>
    %dma_start3A_1313 = arith.constant 0 : i32
    %dma_start3A_1314 = arith.constant 0 : i32
    %dma_start3A_1315 = tpu.memref_slice %arg4[%add3A_20, %dma_start3A_1304, %dma_start3A_1313, %dma_start3A_1314] : memref<384x2x224x224xf32, #tpu.memory_space<hbm>> -> memref<1x1x224x224xf32, #tpu.memory_space<hbm>>
    %dma_start3A_1316 = tpu.memref_squeeze %dma_start3A_1315 : memref<1x1x224x224xf32, #tpu.memory_space<hbm>> -> memref<224x224xf32, #tpu.memory_space<hbm>>
    %dma_start3A_1317 = arith.constant 0 : i32
    %dma_start3A_1318 = arith.constant 0 : i32
    %dma_start3A_1319 = tpu.memref_slice %arg5[%dma_start3A_1303, %dma_start3A_1317, %dma_start3A_1318] : memref<2x224x224xf32, #tpu.memory_space<vmem>> -> memref<1x224x224xf32, #tpu.memory_space<vmem>>
    %dma_start3A_1320 = tpu.memref_squeeze %dma_start3A_1319 : memref<1x224x224xf32, #tpu.memory_space<vmem>> -> memref<224x224xf32, #tpu.memory_space<vmem>>
    tpu.enqueue_dma source(%dma_start3A_1320 : memref<224x224xf32, #tpu.memory_space<vmem>>) target(%dma_start3A_1316 : memref<224x224xf32, #tpu.memory_space<hbm>>) target_semaphore(%arg7 : memref<!tpu.dma_semaphore, #tpu.memory_space<semaphore_mem>>)
    %dma_wait3A_1321 = arith.constant 1 : i32
    %dma_wait3A_1322 = arith.constant 1 : i32
    %dma_wait3A_1323 = arith.constant 0 : i32
    %dma_wait3A_1324 = arith.constant 0 : i32
    %dma_wait3A_1325 = tpu.memref_slice %arg5[%dma_wait3A_1321, %dma_wait3A_1323, %dma_wait3A_1324] : memref<2x224x224xf32, #tpu.memory_space<vmem>> -> memref<1x224x224xf32, #tpu.memory_space<vmem>>
    %dma_wait3A_1326 = tpu.memref_squeeze %dma_wait3A_1325 : memref<1x224x224xf32, #tpu.memory_space<vmem>> -> memref<224x224xf32, #tpu.memory_space<vmem>>
    %dma_wait3A_1327 = arith.constant 0 : i32
    %dma_wait3A_1328 = arith.constant 0 : i32
    %dma_wait3A_1329 = tpu.memref_slice %arg4[%add3A_20, %dma_wait3A_1322, %dma_wait3A_1327, %dma_wait3A_1328] : memref<384x2x224x224xf32, #tpu.memory_space<hbm>> -> memref<1x1x224x224xf32, #tpu.memory_space<hbm>>
    %dma_wait3A_1330 = tpu.memref_squeeze %dma_wait3A_1329 : memref<1x1x224x224xf32, #tpu.memory_space<hbm>> -> memref<224x224xf32, #tpu.memory_space<hbm>>
    %dma_wait3A_1331 = arith.constant 0 : i32
    %dma_wait3A_1332 = arith.constant 0 : i32
    %dma_wait3A_1333 = tpu.memref_slice %arg4[%add3A_20, %dma_wait3A_1322, %dma_wait3A_1331, %dma_wait3A_1332] : memref<384x2x224x224xf32, #tpu.memory_space<hbm>> -> memref<1x1x224x224xf32, #tpu.memory_space<hbm>>
    %dma_wait3A_1334 = tpu.memref_squeeze %dma_wait3A_1333 : memref<1x1x224x224xf32, #tpu.memory_space<hbm>> -> memref<224x224xf32, #tpu.memory_space<hbm>>
    %dma_wait3A_1335 = arith.constant 0 : i32
    %dma_wait3A_1336 = arith.constant 0 : i32
    %dma_wait3A_1337 = tpu.memref_slice %arg5[%dma_wait3A_1321, %dma_wait3A_1335, %dma_wait3A_1336] : memref<2x224x224xf32, #tpu.memory_space<vmem>> -> memref<1x224x224xf32, #tpu.memory_space<vmem>>
    %dma_wait3A_1338 = tpu.memref_squeeze %dma_wait3A_1337 : memref<1x224x224xf32, #tpu.memory_space<vmem>> -> memref<224x224xf32, #tpu.memory_space<vmem>>
    tpu.wait_dma2 semaphore(%arg7 : memref<!tpu.dma_semaphore, #tpu.memory_space<semaphore_mem>>) src(%dma_wait3A_1338 : memref<224x224xf32, #tpu.memory_space<vmem>>) dst(%dma_wait3A_1334 : memref<224x224xf32, #tpu.memory_space<hbm>>)
    %dma_start3A_1339 = arith.constant 1 : i32
    %dma_start3A_1340 = arith.constant 1 : i32
    %dma_start3A_1341 = arith.constant 0 : i32
    %dma_start3A_1342 = arith.constant 0 : i32
    %dma_start3A_1343 = tpu.memref_slice %arg5[%dma_start3A_1340, %dma_start3A_1341, %dma_start3A_1342] : memref<2x224x224xf32, #tpu.memory_space<vmem>> -> memref<1x224x224xf32, #tpu.memory_space<vmem>>
    %dma_start3A_1344 = tpu.memref_squeeze %dma_start3A_1343 : memref<1x224x224xf32, #tpu.memory_space<vmem>> -> memref<224x224xf32, #tpu.memory_space<vmem>>
    %dma_start3A_1345 = arith.constant 0 : i32
    %dma_start3A_1346 = arith.constant 0 : i32
    %dma_start3A_1347 = tpu.memref_slice %arg2[%add3A_22, %dma_start3A_1339, %dma_start3A_1345, %dma_start3A_1346] : memref<384x2x224x224xf32, #tpu.memory_space<hbm>> -> memref<1x1x224x224xf32, #tpu.memory_space<hbm>>
    %dma_start3A_1348 = tpu.memref_squeeze %dma_start3A_1347 : memref<1x1x224x224xf32, #tpu.memory_space<hbm>> -> memref<224x224xf32, #tpu.memory_space<hbm>>
    %dma_start3A_1349 = arith.constant 0 : i32
    %dma_start3A_1350 = arith.constant 0 : i32
    %dma_start3A_1351 = tpu.memref_slice %arg5[%dma_start3A_1340, %dma_start3A_1349, %dma_start3A_1350] : memref<2x224x224xf32, #tpu.memory_space<vmem>> -> memref<1x224x224xf32, #tpu.memory_space<vmem>>
    %dma_start3A_1352 = tpu.memref_squeeze %dma_start3A_1351 : memref<1x224x224xf32, #tpu.memory_space<vmem>> -> memref<224x224xf32, #tpu.memory_space<vmem>>
    %dma_start3A_1353 = arith.constant 0 : i32
    %dma_start3A_1354 = arith.constant 0 : i32
    %dma_start3A_1355 = tpu.memref_slice %arg2[%add3A_22, %dma_start3A_1339, %dma_start3A_1353, %dma_start3A_1354] : memref<384x2x224x224xf32, #tpu.memory_space<hbm>> -> memref<1x1x224x224xf32, #tpu.memory_space<hbm>>
    %dma_start3A_1356 = tpu.memref_squeeze %dma_start3A_1355 : memref<1x1x224x224xf32, #tpu.memory_space<hbm>> -> memref<224x224xf32, #tpu.memory_space<hbm>>
    tpu.enqueue_dma source(%dma_start3A_1356 : memref<224x224xf32, #tpu.memory_space<hbm>>) target(%dma_start3A_1352 : memref<224x224xf32, #tpu.memory_space<vmem>>) target_semaphore(%arg6 : memref<!tpu.dma_semaphore, #tpu.memory_space<semaphore_mem>>)
    %dma_wait3A_1357 = arith.constant 0 : i32
    %dma_wait3A_1358 = arith.constant 0 : i32
    %dma_wait3A_1359 = arith.constant 0 : i32
    %dma_wait3A_1360 = arith.constant 0 : i32
    %dma_wait3A_1361 = tpu.memref_slice %arg5[%dma_wait3A_1358, %dma_wait3A_1359, %dma_wait3A_1360] : memref<2x224x224xf32, #tpu.memory_space<vmem>> -> memref<1x224x224xf32, #tpu.memory_space<vmem>>
    %dma_wait3A_1362 = tpu.memref_squeeze %dma_wait3A_1361 : memref<1x224x224xf32, #tpu.memory_space<vmem>> -> memref<224x224xf32, #tpu.memory_space<vmem>>
    %dma_wait3A_1363 = arith.constant 0 : i32
    %dma_wait3A_1364 = arith.constant 0 : i32
    %dma_wait3A_1365 = tpu.memref_slice %arg3[%add3A_22, %dma_wait3A_1357, %dma_wait3A_1363, %dma_wait3A_1364] : memref<384x2x224x224xf32, #tpu.memory_space<hbm>> -> memref<1x1x224x224xf32, #tpu.memory_space<hbm>>
    %dma_wait3A_1366 = tpu.memref_squeeze %dma_wait3A_1365 : memref<1x1x224x224xf32, #tpu.memory_space<hbm>> -> memref<224x224xf32, #tpu.memory_space<hbm>>
    %dma_wait3A_1367 = arith.constant 0 : i32
    %dma_wait3A_1368 = arith.constant 0 : i32
    %dma_wait3A_1369 = tpu.memref_slice %arg5[%dma_wait3A_1358, %dma_wait3A_1367, %dma_wait3A_1368] : memref<2x224x224xf32, #tpu.memory_space<vmem>> -> memref<1x224x224xf32, #tpu.memory_space<vmem>>
    %dma_wait3A_1370 = tpu.memref_squeeze %dma_wait3A_1369 : memref<1x224x224xf32, #tpu.memory_space<vmem>> -> memref<224x224xf32, #tpu.memory_space<vmem>>
    %dma_wait3A_1371 = arith.constant 0 : i32
    %dma_wait3A_1372 = arith.constant 0 : i32
    %dma_wait3A_1373 = tpu.memref_slice %arg3[%add3A_22, %dma_wait3A_1357, %dma_wait3A_1371, %dma_wait3A_1372] : memref<384x2x224x224xf32, #tpu.memory_space<hbm>> -> memref<1x1x224x224xf32, #tpu.memory_space<hbm>>
    %dma_wait3A_1374 = tpu.memref_squeeze %dma_wait3A_1373 : memref<1x1x224x224xf32, #tpu.memory_space<hbm>> -> memref<224x224xf32, #tpu.memory_space<hbm>>
    tpu.wait_dma2 semaphore(%arg6 : memref<!tpu.dma_semaphore, #tpu.memory_space<semaphore_mem>>) src(%dma_wait3A_1374 : memref<224x224xf32, #tpu.memory_space<hbm>>) dst(%dma_wait3A_1370 : memref<224x224xf32, #tpu.memory_space<vmem>>)
    %dma_start3A_1375 = arith.constant 0 : i32
    %dma_start3A_1376 = arith.constant 0 : i32
    %dma_start3A_1377 = arith.constant 0 : i32
    %dma_start3A_1378 = arith.constant 0 : i32
    %dma_start3A_1379 = tpu.memref_slice %arg5[%dma_start3A_1375, %dma_start3A_1377, %dma_start3A_1378] : memref<2x224x224xf32, #tpu.memory_space<vmem>> -> memref<1x224x224xf32, #tpu.memory_space<vmem>>
    %dma_start3A_1380 = tpu.memref_squeeze %dma_start3A_1379 : memref<1x224x224xf32, #tpu.memory_space<vmem>> -> memref<224x224xf32, #tpu.memory_space<vmem>>
    %dma_start3A_1381 = arith.constant 0 : i32
    %dma_start3A_1382 = arith.constant 0 : i32
    %dma_start3A_1383 = tpu.memref_slice %arg4[%add3A_22, %dma_start3A_1376, %dma_start3A_1381, %dma_start3A_1382] : memref<384x2x224x224xf32, #tpu.memory_space<hbm>> -> memref<1x1x224x224xf32, #tpu.memory_space<hbm>>
    %dma_start3A_1384 = tpu.memref_squeeze %dma_start3A_1383 : memref<1x1x224x224xf32, #tpu.memory_space<hbm>> -> memref<224x224xf32, #tpu.memory_space<hbm>>
    %dma_start3A_1385 = arith.constant 0 : i32
    %dma_start3A_1386 = arith.constant 0 : i32
    %dma_start3A_1387 = tpu.memref_slice %arg4[%add3A_22, %dma_start3A_1376, %dma_start3A_1385, %dma_start3A_1386] : memref<384x2x224x224xf32, #tpu.memory_space<hbm>> -> memref<1x1x224x224xf32, #tpu.memory_space<hbm>>
    %dma_start3A_1388 = tpu.memref_squeeze %dma_start3A_1387 : memref<1x1x224x224xf32, #tpu.memory_space<hbm>> -> memref<224x224xf32, #tpu.memory_space<hbm>>
    %dma_start3A_1389 = arith.constant 0 : i32
    %dma_start3A_1390 = arith.constant 0 : i32
    %dma_start3A_1391 = tpu.memref_slice %arg5[%dma_start3A_1375, %dma_start3A_1389, %dma_start3A_1390] : memref<2x224x224xf32, #tpu.memory_space<vmem>> -> memref<1x224x224xf32, #tpu.memory_space<vmem>>
    %dma_start3A_1392 = tpu.memref_squeeze %dma_start3A_1391 : memref<1x224x224xf32, #tpu.memory_space<vmem>> -> memref<224x224xf32, #tpu.memory_space<vmem>>
    tpu.enqueue_dma source(%dma_start3A_1392 : memref<224x224xf32, #tpu.memory_space<vmem>>) target(%dma_start3A_1388 : memref<224x224xf32, #tpu.memory_space<hbm>>) target_semaphore(%arg7 : memref<!tpu.dma_semaphore, #tpu.memory_space<semaphore_mem>>)
    %dma_wait3A_1393 = arith.constant 0 : i32
    %dma_wait3A_1394 = arith.constant 0 : i32
    %dma_wait3A_1395 = arith.constant 0 : i32
    %dma_wait3A_1396 = arith.constant 0 : i32
    %dma_wait3A_1397 = tpu.memref_slice %arg5[%dma_wait3A_1393, %dma_wait3A_1395, %dma_wait3A_1396] : memref<2x224x224xf32, #tpu.memory_space<vmem>> -> memref<1x224x224xf32, #tpu.memory_space<vmem>>
    %dma_wait3A_1398 = tpu.memref_squeeze %dma_wait3A_1397 : memref<1x224x224xf32, #tpu.memory_space<vmem>> -> memref<224x224xf32, #tpu.memory_space<vmem>>
    %dma_wait3A_1399 = arith.constant 0 : i32
    %dma_wait3A_1400 = arith.constant 0 : i32
    %dma_wait3A_1401 = tpu.memref_slice %arg4[%add3A_22, %dma_wait3A_1394, %dma_wait3A_1399, %dma_wait3A_1400] : memref<384x2x224x224xf32, #tpu.memory_space<hbm>> -> memref<1x1x224x224xf32, #tpu.memory_space<hbm>>
    %dma_wait3A_1402 = tpu.memref_squeeze %dma_wait3A_1401 : memref<1x1x224x224xf32, #tpu.memory_space<hbm>> -> memref<224x224xf32, #tpu.memory_space<hbm>>
    %dma_wait3A_1403 = arith.constant 0 : i32
    %dma_wait3A_1404 = arith.constant 0 : i32
    %dma_wait3A_1405 = tpu.memref_slice %arg4[%add3A_22, %dma_wait3A_1394, %dma_wait3A_1403, %dma_wait3A_1404] : memref<384x2x224x224xf32, #tpu.memory_space<hbm>> -> memref<1x1x224x224xf32, #tpu.memory_space<hbm>>
    %dma_wait3A_1406 = tpu.memref_squeeze %dma_wait3A_1405 : memref<1x1x224x224xf32, #tpu.memory_space<hbm>> -> memref<224x224xf32, #tpu.memory_space<hbm>>
    %dma_wait3A_1407 = arith.constant 0 : i32
    %dma_wait3A_1408 = arith.constant 0 : i32
    %dma_wait3A_1409 = tpu.memref_slice %arg5[%dma_wait3A_1393, %dma_wait3A_1407, %dma_wait3A_1408] : memref<2x224x224xf32, #tpu.memory_space<vmem>> -> memref<1x224x224xf32, #tpu.memory_space<vmem>>
    %dma_wait3A_1410 = tpu.memref_squeeze %dma_wait3A_1409 : memref<1x224x224xf32, #tpu.memory_space<vmem>> -> memref<224x224xf32, #tpu.memory_space<vmem>>
    tpu.wait_dma2 semaphore(%arg7 : memref<!tpu.dma_semaphore, #tpu.memory_space<semaphore_mem>>) src(%dma_wait3A_1410 : memref<224x224xf32, #tpu.memory_space<vmem>>) dst(%dma_wait3A_1406 : memref<224x224xf32, #tpu.memory_space<hbm>>)
    %dma_start3A_1411 = arith.constant 0 : i32
    %dma_start3A_1412 = arith.constant 0 : i32
    %dma_start3A_1413 = arith.constant 0 : i32
    %dma_start3A_1414 = arith.constant 0 : i32
    %dma_start3A_1415 = tpu.memref_slice %arg5[%dma_start3A_1412, %dma_start3A_1413, %dma_start3A_1414] : memref<2x224x224xf32, #tpu.memory_space<vmem>> -> memref<1x224x224xf32, #tpu.memory_space<vmem>>
    %dma_start3A_1416 = tpu.memref_squeeze %dma_start3A_1415 : memref<1x224x224xf32, #tpu.memory_space<vmem>> -> memref<224x224xf32, #tpu.memory_space<vmem>>
    %dma_start3A_1417 = arith.constant 0 : i32
    %dma_start3A_1418 = arith.constant 0 : i32
    %dma_start3A_1419 = tpu.memref_slice %arg3[%add3A_24, %dma_start3A_1411, %dma_start3A_1417, %dma_start3A_1418] : memref<384x2x224x224xf32, #tpu.memory_space<hbm>> -> memref<1x1x224x224xf32, #tpu.memory_space<hbm>>
    %dma_start3A_1420 = tpu.memref_squeeze %dma_start3A_1419 : memref<1x1x224x224xf32, #tpu.memory_space<hbm>> -> memref<224x224xf32, #tpu.memory_space<hbm>>
    %dma_start3A_1421 = arith.constant 0 : i32
    %dma_start3A_1422 = arith.constant 0 : i32
    %dma_start3A_1423 = tpu.memref_slice %arg5[%dma_start3A_1412, %dma_start3A_1421, %dma_start3A_1422] : memref<2x224x224xf32, #tpu.memory_space<vmem>> -> memref<1x224x224xf32, #tpu.memory_space<vmem>>
    %dma_start3A_1424 = tpu.memref_squeeze %dma_start3A_1423 : memref<1x224x224xf32, #tpu.memory_space<vmem>> -> memref<224x224xf32, #tpu.memory_space<vmem>>
    %dma_start3A_1425 = arith.constant 0 : i32
    %dma_start3A_1426 = arith.constant 0 : i32
    %dma_start3A_1427 = tpu.memref_slice %arg3[%add3A_24, %dma_start3A_1411, %dma_start3A_1425, %dma_start3A_1426] : memref<384x2x224x224xf32, #tpu.memory_space<hbm>> -> memref<1x1x224x224xf32, #tpu.memory_space<hbm>>
    %dma_start3A_1428 = tpu.memref_squeeze %dma_start3A_1427 : memref<1x1x224x224xf32, #tpu.memory_space<hbm>> -> memref<224x224xf32, #tpu.memory_space<hbm>>
    tpu.enqueue_dma source(%dma_start3A_1428 : memref<224x224xf32, #tpu.memory_space<hbm>>) target(%dma_start3A_1424 : memref<224x224xf32, #tpu.memory_space<vmem>>) target_semaphore(%arg6 : memref<!tpu.dma_semaphore, #tpu.memory_space<semaphore_mem>>)
    %dma_wait3A_1429 = arith.constant 1 : i32
    %dma_wait3A_1430 = arith.constant 1 : i32
    %dma_wait3A_1431 = arith.constant 0 : i32
    %dma_wait3A_1432 = arith.constant 0 : i32
    %dma_wait3A_1433 = tpu.memref_slice %arg5[%dma_wait3A_1430, %dma_wait3A_1431, %dma_wait3A_1432] : memref<2x224x224xf32, #tpu.memory_space<vmem>> -> memref<1x224x224xf32, #tpu.memory_space<vmem>>
    %dma_wait3A_1434 = tpu.memref_squeeze %dma_wait3A_1433 : memref<1x224x224xf32, #tpu.memory_space<vmem>> -> memref<224x224xf32, #tpu.memory_space<vmem>>
    %dma_wait3A_1435 = arith.constant 0 : i32
    %dma_wait3A_1436 = arith.constant 0 : i32
    %dma_wait3A_1437 = tpu.memref_slice %arg2[%add3A_22, %dma_wait3A_1429, %dma_wait3A_1435, %dma_wait3A_1436] : memref<384x2x224x224xf32, #tpu.memory_space<hbm>> -> memref<1x1x224x224xf32, #tpu.memory_space<hbm>>
    %dma_wait3A_1438 = tpu.memref_squeeze %dma_wait3A_1437 : memref<1x1x224x224xf32, #tpu.memory_space<hbm>> -> memref<224x224xf32, #tpu.memory_space<hbm>>
    %dma_wait3A_1439 = arith.constant 0 : i32
    %dma_wait3A_1440 = arith.constant 0 : i32
    %dma_wait3A_1441 = tpu.memref_slice %arg5[%dma_wait3A_1430, %dma_wait3A_1439, %dma_wait3A_1440] : memref<2x224x224xf32, #tpu.memory_space<vmem>> -> memref<1x224x224xf32, #tpu.memory_space<vmem>>
    %dma_wait3A_1442 = tpu.memref_squeeze %dma_wait3A_1441 : memref<1x224x224xf32, #tpu.memory_space<vmem>> -> memref<224x224xf32, #tpu.memory_space<vmem>>
    %dma_wait3A_1443 = arith.constant 0 : i32
    %dma_wait3A_1444 = arith.constant 0 : i32
    %dma_wait3A_1445 = tpu.memref_slice %arg2[%add3A_22, %dma_wait3A_1429, %dma_wait3A_1443, %dma_wait3A_1444] : memref<384x2x224x224xf32, #tpu.memory_space<hbm>> -> memref<1x1x224x224xf32, #tpu.memory_space<hbm>>
    %dma_wait3A_1446 = tpu.memref_squeeze %dma_wait3A_1445 : memref<1x1x224x224xf32, #tpu.memory_space<hbm>> -> memref<224x224xf32, #tpu.memory_space<hbm>>
    tpu.wait_dma2 semaphore(%arg6 : memref<!tpu.dma_semaphore, #tpu.memory_space<semaphore_mem>>) src(%dma_wait3A_1446 : memref<224x224xf32, #tpu.memory_space<hbm>>) dst(%dma_wait3A_1442 : memref<224x224xf32, #tpu.memory_space<vmem>>)
    %dma_start3A_1447 = arith.constant 1 : i32
    %dma_start3A_1448 = arith.constant 1 : i32
    %dma_start3A_1449 = arith.constant 0 : i32
    %dma_start3A_1450 = arith.constant 0 : i32
    %dma_start3A_1451 = tpu.memref_slice %arg5[%dma_start3A_1447, %dma_start3A_1449, %dma_start3A_1450] : memref<2x224x224xf32, #tpu.memory_space<vmem>> -> memref<1x224x224xf32, #tpu.memory_space<vmem>>
    %dma_start3A_1452 = tpu.memref_squeeze %dma_start3A_1451 : memref<1x224x224xf32, #tpu.memory_space<vmem>> -> memref<224x224xf32, #tpu.memory_space<vmem>>
    %dma_start3A_1453 = arith.constant 0 : i32
    %dma_start3A_1454 = arith.constant 0 : i32
    %dma_start3A_1455 = tpu.memref_slice %arg4[%add3A_22, %dma_start3A_1448, %dma_start3A_1453, %dma_start3A_1454] : memref<384x2x224x224xf32, #tpu.memory_space<hbm>> -> memref<1x1x224x224xf32, #tpu.memory_space<hbm>>
    %dma_start3A_1456 = tpu.memref_squeeze %dma_start3A_1455 : memref<1x1x224x224xf32, #tpu.memory_space<hbm>> -> memref<224x224xf32, #tpu.memory_space<hbm>>
    %dma_start3A_1457 = arith.constant 0 : i32
    %dma_start3A_1458 = arith.constant 0 : i32
    %dma_start3A_1459 = tpu.memref_slice %arg4[%add3A_22, %dma_start3A_1448, %dma_start3A_1457, %dma_start3A_1458] : memref<384x2x224x224xf32, #tpu.memory_space<hbm>> -> memref<1x1x224x224xf32, #tpu.memory_space<hbm>>
    %dma_start3A_1460 = tpu.memref_squeeze %dma_start3A_1459 : memref<1x1x224x224xf32, #tpu.memory_space<hbm>> -> memref<224x224xf32, #tpu.memory_space<hbm>>
    %dma_start3A_1461 = arith.constant 0 : i32
    %dma_start3A_1462 = arith.constant 0 : i32
    %dma_start3A_1463 = tpu.memref_slice %arg5[%dma_start3A_1447, %dma_start3A_1461, %dma_start3A_1462] : memref<2x224x224xf32, #tpu.memory_space<vmem>> -> memref<1x224x224xf32, #tpu.memory_space<vmem>>
    %dma_start3A_1464 = tpu.memref_squeeze %dma_start3A_1463 : memref<1x224x224xf32, #tpu.memory_space<vmem>> -> memref<224x224xf32, #tpu.memory_space<vmem>>
    tpu.enqueue_dma source(%dma_start3A_1464 : memref<224x224xf32, #tpu.memory_space<vmem>>) target(%dma_start3A_1460 : memref<224x224xf32, #tpu.memory_space<hbm>>) target_semaphore(%arg7 : memref<!tpu.dma_semaphore, #tpu.memory_space<semaphore_mem>>)
    %dma_wait3A_1465 = arith.constant 1 : i32
    %dma_wait3A_1466 = arith.constant 1 : i32
    %dma_wait3A_1467 = arith.constant 0 : i32
    %dma_wait3A_1468 = arith.constant 0 : i32
    %dma_wait3A_1469 = tpu.memref_slice %arg5[%dma_wait3A_1465, %dma_wait3A_1467, %dma_wait3A_1468] : memref<2x224x224xf32, #tpu.memory_space<vmem>> -> memref<1x224x224xf32, #tpu.memory_space<vmem>>
    %dma_wait3A_1470 = tpu.memref_squeeze %dma_wait3A_1469 : memref<1x224x224xf32, #tpu.memory_space<vmem>> -> memref<224x224xf32, #tpu.memory_space<vmem>>
    %dma_wait3A_1471 = arith.constant 0 : i32
    %dma_wait3A_1472 = arith.constant 0 : i32
    %dma_wait3A_1473 = tpu.memref_slice %arg4[%add3A_22, %dma_wait3A_1466, %dma_wait3A_1471, %dma_wait3A_1472] : memref<384x2x224x224xf32, #tpu.memory_space<hbm>> -> memref<1x1x224x224xf32, #tpu.memory_space<hbm>>
    %dma_wait3A_1474 = tpu.memref_squeeze %dma_wait3A_1473 : memref<1x1x224x224xf32, #tpu.memory_space<hbm>> -> memref<224x224xf32, #tpu.memory_space<hbm>>
    %dma_wait3A_1475 = arith.constant 0 : i32
    %dma_wait3A_1476 = arith.constant 0 : i32
    %dma_wait3A_1477 = tpu.memref_slice %arg4[%add3A_22, %dma_wait3A_1466, %dma_wait3A_1475, %dma_wait3A_1476] : memref<384x2x224x224xf32, #tpu.memory_space<hbm>> -> memref<1x1x224x224xf32, #tpu.memory_space<hbm>>
    %dma_wait3A_1478 = tpu.memref_squeeze %dma_wait3A_1477 : memref<1x1x224x224xf32, #tpu.memory_space<hbm>> -> memref<224x224xf32, #tpu.memory_space<hbm>>
    %dma_wait3A_1479 = arith.constant 0 : i32
    %dma_wait3A_1480 = arith.constant 0 : i32
    %dma_wait3A_1481 = tpu.memref_slice %arg5[%dma_wait3A_1465, %dma_wait3A_1479, %dma_wait3A_1480] : memref<2x224x224xf32, #tpu.memory_space<vmem>> -> memref<1x224x224xf32, #tpu.memory_space<vmem>>
    %dma_wait3A_1482 = tpu.memref_squeeze %dma_wait3A_1481 : memref<1x224x224xf32, #tpu.memory_space<vmem>> -> memref<224x224xf32, #tpu.memory_space<vmem>>
    tpu.wait_dma2 semaphore(%arg7 : memref<!tpu.dma_semaphore, #tpu.memory_space<semaphore_mem>>) src(%dma_wait3A_1482 : memref<224x224xf32, #tpu.memory_space<vmem>>) dst(%dma_wait3A_1478 : memref<224x224xf32, #tpu.memory_space<hbm>>)
    %dma_start3A_1483 = arith.constant 1 : i32
    %dma_start3A_1484 = arith.constant 1 : i32
    %dma_start3A_1485 = arith.constant 0 : i32
    %dma_start3A_1486 = arith.constant 0 : i32
    %dma_start3A_1487 = tpu.memref_slice %arg5[%dma_start3A_1484, %dma_start3A_1485, %dma_start3A_1486] : memref<2x224x224xf32, #tpu.memory_space<vmem>> -> memref<1x224x224xf32, #tpu.memory_space<vmem>>
    %dma_start3A_1488 = tpu.memref_squeeze %dma_start3A_1487 : memref<1x224x224xf32, #tpu.memory_space<vmem>> -> memref<224x224xf32, #tpu.memory_space<vmem>>
    %dma_start3A_1489 = arith.constant 0 : i32
    %dma_start3A_1490 = arith.constant 0 : i32
    %dma_start3A_1491 = tpu.memref_slice %arg2[%add3A_24, %dma_start3A_1483, %dma_start3A_1489, %dma_start3A_1490] : memref<384x2x224x224xf32, #tpu.memory_space<hbm>> -> memref<1x1x224x224xf32, #tpu.memory_space<hbm>>
    %dma_start3A_1492 = tpu.memref_squeeze %dma_start3A_1491 : memref<1x1x224x224xf32, #tpu.memory_space<hbm>> -> memref<224x224xf32, #tpu.memory_space<hbm>>
    %dma_start3A_1493 = arith.constant 0 : i32
    %dma_start3A_1494 = arith.constant 0 : i32
    %dma_start3A_1495 = tpu.memref_slice %arg5[%dma_start3A_1484, %dma_start3A_1493, %dma_start3A_1494] : memref<2x224x224xf32, #tpu.memory_space<vmem>> -> memref<1x224x224xf32, #tpu.memory_space<vmem>>
    %dma_start3A_1496 = tpu.memref_squeeze %dma_start3A_1495 : memref<1x224x224xf32, #tpu.memory_space<vmem>> -> memref<224x224xf32, #tpu.memory_space<vmem>>
    %dma_start3A_1497 = arith.constant 0 : i32
    %dma_start3A_1498 = arith.constant 0 : i32
    %dma_start3A_1499 = tpu.memref_slice %arg2[%add3A_24, %dma_start3A_1483, %dma_start3A_1497, %dma_start3A_1498] : memref<384x2x224x224xf32, #tpu.memory_space<hbm>> -> memref<1x1x224x224xf32, #tpu.memory_space<hbm>>
    %dma_start3A_1500 = tpu.memref_squeeze %dma_start3A_1499 : memref<1x1x224x224xf32, #tpu.memory_space<hbm>> -> memref<224x224xf32, #tpu.memory_space<hbm>>
    tpu.enqueue_dma source(%dma_start3A_1500 : memref<224x224xf32, #tpu.memory_space<hbm>>) target(%dma_start3A_1496 : memref<224x224xf32, #tpu.memory_space<vmem>>) target_semaphore(%arg6 : memref<!tpu.dma_semaphore, #tpu.memory_space<semaphore_mem>>)
    %dma_wait3A_1501 = arith.constant 0 : i32
    %dma_wait3A_1502 = arith.constant 0 : i32
    %dma_wait3A_1503 = arith.constant 0 : i32
    %dma_wait3A_1504 = arith.constant 0 : i32
    %dma_wait3A_1505 = tpu.memref_slice %arg5[%dma_wait3A_1502, %dma_wait3A_1503, %dma_wait3A_1504] : memref<2x224x224xf32, #tpu.memory_space<vmem>> -> memref<1x224x224xf32, #tpu.memory_space<vmem>>
    %dma_wait3A_1506 = tpu.memref_squeeze %dma_wait3A_1505 : memref<1x224x224xf32, #tpu.memory_space<vmem>> -> memref<224x224xf32, #tpu.memory_space<vmem>>
    %dma_wait3A_1507 = arith.constant 0 : i32
    %dma_wait3A_1508 = arith.constant 0 : i32
    %dma_wait3A_1509 = tpu.memref_slice %arg3[%add3A_24, %dma_wait3A_1501, %dma_wait3A_1507, %dma_wait3A_1508] : memref<384x2x224x224xf32, #tpu.memory_space<hbm>> -> memref<1x1x224x224xf32, #tpu.memory_space<hbm>>
    %dma_wait3A_1510 = tpu.memref_squeeze %dma_wait3A_1509 : memref<1x1x224x224xf32, #tpu.memory_space<hbm>> -> memref<224x224xf32, #tpu.memory_space<hbm>>
    %dma_wait3A_1511 = arith.constant 0 : i32
    %dma_wait3A_1512 = arith.constant 0 : i32
    %dma_wait3A_1513 = tpu.memref_slice %arg5[%dma_wait3A_1502, %dma_wait3A_1511, %dma_wait3A_1512] : memref<2x224x224xf32, #tpu.memory_space<vmem>> -> memref<1x224x224xf32, #tpu.memory_space<vmem>>
    %dma_wait3A_1514 = tpu.memref_squeeze %dma_wait3A_1513 : memref<1x224x224xf32, #tpu.memory_space<vmem>> -> memref<224x224xf32, #tpu.memory_space<vmem>>
    %dma_wait3A_1515 = arith.constant 0 : i32
    %dma_wait3A_1516 = arith.constant 0 : i32
    %dma_wait3A_1517 = tpu.memref_slice %arg3[%add3A_24, %dma_wait3A_1501, %dma_wait3A_1515, %dma_wait3A_1516] : memref<384x2x224x224xf32, #tpu.memory_space<hbm>> -> memref<1x1x224x224xf32, #tpu.memory_space<hbm>>
    %dma_wait3A_1518 = tpu.memref_squeeze %dma_wait3A_1517 : memref<1x1x224x224xf32, #tpu.memory_space<hbm>> -> memref<224x224xf32, #tpu.memory_space<hbm>>
    tpu.wait_dma2 semaphore(%arg6 : memref<!tpu.dma_semaphore, #tpu.memory_space<semaphore_mem>>) src(%dma_wait3A_1518 : memref<224x224xf32, #tpu.memory_space<hbm>>) dst(%dma_wait3A_1514 : memref<224x224xf32, #tpu.memory_space<vmem>>)
    %dma_start3A_1519 = arith.constant 0 : i32
    %dma_start3A_1520 = arith.constant 0 : i32
    %dma_start3A_1521 = arith.constant 0 : i32
    %dma_start3A_1522 = arith.constant 0 : i32
    %dma_start3A_1523 = tpu.memref_slice %arg5[%dma_start3A_1519, %dma_start3A_1521, %dma_start3A_1522] : memref<2x224x224xf32, #tpu.memory_space<vmem>> -> memref<1x224x224xf32, #tpu.memory_space<vmem>>
    %dma_start3A_1524 = tpu.memref_squeeze %dma_start3A_1523 : memref<1x224x224xf32, #tpu.memory_space<vmem>> -> memref<224x224xf32, #tpu.memory_space<vmem>>
    %dma_start3A_1525 = arith.constant 0 : i32
    %dma_start3A_1526 = arith.constant 0 : i32
    %dma_start3A_1527 = tpu.memref_slice %arg4[%add3A_24, %dma_start3A_1520, %dma_start3A_1525, %dma_start3A_1526] : memref<384x2x224x224xf32, #tpu.memory_space<hbm>> -> memref<1x1x224x224xf32, #tpu.memory_space<hbm>>
    %dma_start3A_1528 = tpu.memref_squeeze %dma_start3A_1527 : memref<1x1x224x224xf32, #tpu.memory_space<hbm>> -> memref<224x224xf32, #tpu.memory_space<hbm>>
    %dma_start3A_1529 = arith.constant 0 : i32
    %dma_start3A_1530 = arith.constant 0 : i32
    %dma_start3A_1531 = tpu.memref_slice %arg4[%add3A_24, %dma_start3A_1520, %dma_start3A_1529, %dma_start3A_1530] : memref<384x2x224x224xf32, #tpu.memory_space<hbm>> -> memref<1x1x224x224xf32, #tpu.memory_space<hbm>>
    %dma_start3A_1532 = tpu.memref_squeeze %dma_start3A_1531 : memref<1x1x224x224xf32, #tpu.memory_space<hbm>> -> memref<224x224xf32, #tpu.memory_space<hbm>>
    %dma_start3A_1533 = arith.constant 0 : i32
    %dma_start3A_1534 = arith.constant 0 : i32
    %dma_start3A_1535 = tpu.memref_slice %arg5[%dma_start3A_1519, %dma_start3A_1533, %dma_start3A_1534] : memref<2x224x224xf32, #tpu.memory_space<vmem>> -> memref<1x224x224xf32, #tpu.memory_space<vmem>>
    %dma_start3A_1536 = tpu.memref_squeeze %dma_start3A_1535 : memref<1x224x224xf32, #tpu.memory_space<vmem>> -> memref<224x224xf32, #tpu.memory_space<vmem>>
    tpu.enqueue_dma source(%dma_start3A_1536 : memref<224x224xf32, #tpu.memory_space<vmem>>) target(%dma_start3A_1532 : memref<224x224xf32, #tpu.memory_space<hbm>>) target_semaphore(%arg7 : memref<!tpu.dma_semaphore, #tpu.memory_space<semaphore_mem>>)
    %dma_wait3A_1537 = arith.constant 0 : i32
    %dma_wait3A_1538 = arith.constant 0 : i32
    %dma_wait3A_1539 = arith.constant 0 : i32
    %dma_wait3A_1540 = arith.constant 0 : i32
    %dma_wait3A_1541 = tpu.memref_slice %arg5[%dma_wait3A_1537, %dma_wait3A_1539, %dma_wait3A_1540] : memref<2x224x224xf32, #tpu.memory_space<vmem>> -> memref<1x224x224xf32, #tpu.memory_space<vmem>>
    %dma_wait3A_1542 = tpu.memref_squeeze %dma_wait3A_1541 : memref<1x224x224xf32, #tpu.memory_space<vmem>> -> memref<224x224xf32, #tpu.memory_space<vmem>>
    %dma_wait3A_1543 = arith.constant 0 : i32
    %dma_wait3A_1544 = arith.constant 0 : i32
    %dma_wait3A_1545 = tpu.memref_slice %arg4[%add3A_24, %dma_wait3A_1538, %dma_wait3A_1543, %dma_wait3A_1544] : memref<384x2x224x224xf32, #tpu.memory_space<hbm>> -> memref<1x1x224x224xf32, #tpu.memory_space<hbm>>
    %dma_wait3A_1546 = tpu.memref_squeeze %dma_wait3A_1545 : memref<1x1x224x224xf32, #tpu.memory_space<hbm>> -> memref<224x224xf32, #tpu.memory_space<hbm>>
    %dma_wait3A_1547 = arith.constant 0 : i32
    %dma_wait3A_1548 = arith.constant 0 : i32
    %dma_wait3A_1549 = tpu.memref_slice %arg4[%add3A_24, %dma_wait3A_1538, %dma_wait3A_1547, %dma_wait3A_1548] : memref<384x2x224x224xf32, #tpu.memory_space<hbm>> -> memref<1x1x224x224xf32, #tpu.memory_space<hbm>>
    %dma_wait3A_1550 = tpu.memref_squeeze %dma_wait3A_1549 : memref<1x1x224x224xf32, #tpu.memory_space<hbm>> -> memref<224x224xf32, #tpu.memory_space<hbm>>
    %dma_wait3A_1551 = arith.constant 0 : i32
    %dma_wait3A_1552 = arith.constant 0 : i32
    %dma_wait3A_1553 = tpu.memref_slice %arg5[%dma_wait3A_1537, %dma_wait3A_1551, %dma_wait3A_1552] : memref<2x224x224xf32, #tpu.memory_space<vmem>> -> memref<1x224x224xf32, #tpu.memory_space<vmem>>
    %dma_wait3A_1554 = tpu.memref_squeeze %dma_wait3A_1553 : memref<1x224x224xf32, #tpu.memory_space<vmem>> -> memref<224x224xf32, #tpu.memory_space<vmem>>
    tpu.wait_dma2 semaphore(%arg7 : memref<!tpu.dma_semaphore, #tpu.memory_space<semaphore_mem>>) src(%dma_wait3A_1554 : memref<224x224xf32, #tpu.memory_space<vmem>>) dst(%dma_wait3A_1550 : memref<224x224xf32, #tpu.memory_space<hbm>>)
    %dma_start3A_1555 = arith.constant 0 : i32
    %dma_start3A_1556 = arith.constant 0 : i32
    %dma_start3A_1557 = arith.constant 0 : i32
    %dma_start3A_1558 = arith.constant 0 : i32
    %dma_start3A_1559 = tpu.memref_slice %arg5[%dma_start3A_1556, %dma_start3A_1557, %dma_start3A_1558] : memref<2x224x224xf32, #tpu.memory_space<vmem>> -> memref<1x224x224xf32, #tpu.memory_space<vmem>>
    %dma_start3A_1560 = tpu.memref_squeeze %dma_start3A_1559 : memref<1x224x224xf32, #tpu.memory_space<vmem>> -> memref<224x224xf32, #tpu.memory_space<vmem>>
    %dma_start3A_1561 = arith.constant 0 : i32
    %dma_start3A_1562 = arith.constant 0 : i32
    %dma_start3A_1563 = tpu.memref_slice %arg3[%add3A_26, %dma_start3A_1555, %dma_start3A_1561, %dma_start3A_1562] : memref<384x2x224x224xf32, #tpu.memory_space<hbm>> -> memref<1x1x224x224xf32, #tpu.memory_space<hbm>>
    %dma_start3A_1564 = tpu.memref_squeeze %dma_start3A_1563 : memref<1x1x224x224xf32, #tpu.memory_space<hbm>> -> memref<224x224xf32, #tpu.memory_space<hbm>>
    %dma_start3A_1565 = arith.constant 0 : i32
    %dma_start3A_1566 = arith.constant 0 : i32
    %dma_start3A_1567 = tpu.memref_slice %arg5[%dma_start3A_1556, %dma_start3A_1565, %dma_start3A_1566] : memref<2x224x224xf32, #tpu.memory_space<vmem>> -> memref<1x224x224xf32, #tpu.memory_space<vmem>>
    %dma_start3A_1568 = tpu.memref_squeeze %dma_start3A_1567 : memref<1x224x224xf32, #tpu.memory_space<vmem>> -> memref<224x224xf32, #tpu.memory_space<vmem>>
    %dma_start3A_1569 = arith.constant 0 : i32
    %dma_start3A_1570 = arith.constant 0 : i32
    %dma_start3A_1571 = tpu.memref_slice %arg3[%add3A_26, %dma_start3A_1555, %dma_start3A_1569, %dma_start3A_1570] : memref<384x2x224x224xf32, #tpu.memory_space<hbm>> -> memref<1x1x224x224xf32, #tpu.memory_space<hbm>>
    %dma_start3A_1572 = tpu.memref_squeeze %dma_start3A_1571 : memref<1x1x224x224xf32, #tpu.memory_space<hbm>> -> memref<224x224xf32, #tpu.memory_space<hbm>>
    tpu.enqueue_dma source(%dma_start3A_1572 : memref<224x224xf32, #tpu.memory_space<hbm>>) target(%dma_start3A_1568 : memref<224x224xf32, #tpu.memory_space<vmem>>) target_semaphore(%arg6 : memref<!tpu.dma_semaphore, #tpu.memory_space<semaphore_mem>>)
    %dma_wait3A_1573 = arith.constant 1 : i32
    %dma_wait3A_1574 = arith.constant 1 : i32
    %dma_wait3A_1575 = arith.constant 0 : i32
    %dma_wait3A_1576 = arith.constant 0 : i32
    %dma_wait3A_1577 = tpu.memref_slice %arg5[%dma_wait3A_1574, %dma_wait3A_1575, %dma_wait3A_1576] : memref<2x224x224xf32, #tpu.memory_space<vmem>> -> memref<1x224x224xf32, #tpu.memory_space<vmem>>
    %dma_wait3A_1578 = tpu.memref_squeeze %dma_wait3A_1577 : memref<1x224x224xf32, #tpu.memory_space<vmem>> -> memref<224x224xf32, #tpu.memory_space<vmem>>
    %dma_wait3A_1579 = arith.constant 0 : i32
    %dma_wait3A_1580 = arith.constant 0 : i32
    %dma_wait3A_1581 = tpu.memref_slice %arg2[%add3A_24, %dma_wait3A_1573, %dma_wait3A_1579, %dma_wait3A_1580] : memref<384x2x224x224xf32, #tpu.memory_space<hbm>> -> memref<1x1x224x224xf32, #tpu.memory_space<hbm>>
    %dma_wait3A_1582 = tpu.memref_squeeze %dma_wait3A_1581 : memref<1x1x224x224xf32, #tpu.memory_space<hbm>> -> memref<224x224xf32, #tpu.memory_space<hbm>>
    %dma_wait3A_1583 = arith.constant 0 : i32
    %dma_wait3A_1584 = arith.constant 0 : i32
    %dma_wait3A_1585 = tpu.memref_slice %arg5[%dma_wait3A_1574, %dma_wait3A_1583, %dma_wait3A_1584] : memref<2x224x224xf32, #tpu.memory_space<vmem>> -> memref<1x224x224xf32, #tpu.memory_space<vmem>>
    %dma_wait3A_1586 = tpu.memref_squeeze %dma_wait3A_1585 : memref<1x224x224xf32, #tpu.memory_space<vmem>> -> memref<224x224xf32, #tpu.memory_space<vmem>>
    %dma_wait3A_1587 = arith.constant 0 : i32
    %dma_wait3A_1588 = arith.constant 0 : i32
    %dma_wait3A_1589 = tpu.memref_slice %arg2[%add3A_24, %dma_wait3A_1573, %dma_wait3A_1587, %dma_wait3A_1588] : memref<384x2x224x224xf32, #tpu.memory_space<hbm>> -> memref<1x1x224x224xf32, #tpu.memory_space<hbm>>
    %dma_wait3A_1590 = tpu.memref_squeeze %dma_wait3A_1589 : memref<1x1x224x224xf32, #tpu.memory_space<hbm>> -> memref<224x224xf32, #tpu.memory_space<hbm>>
    tpu.wait_dma2 semaphore(%arg6 : memref<!tpu.dma_semaphore, #tpu.memory_space<semaphore_mem>>) src(%dma_wait3A_1590 : memref<224x224xf32, #tpu.memory_space<hbm>>) dst(%dma_wait3A_1586 : memref<224x224xf32, #tpu.memory_space<vmem>>)
    %dma_start3A_1591 = arith.constant 1 : i32
    %dma_start3A_1592 = arith.constant 1 : i32
    %dma_start3A_1593 = arith.constant 0 : i32
    %dma_start3A_1594 = arith.constant 0 : i32
    %dma_start3A_1595 = tpu.memref_slice %arg5[%dma_start3A_1591, %dma_start3A_1593, %dma_start3A_1594] : memref<2x224x224xf32, #tpu.memory_space<vmem>> -> memref<1x224x224xf32, #tpu.memory_space<vmem>>
    %dma_start3A_1596 = tpu.memref_squeeze %dma_start3A_1595 : memref<1x224x224xf32, #tpu.memory_space<vmem>> -> memref<224x224xf32, #tpu.memory_space<vmem>>
    %dma_start3A_1597 = arith.constant 0 : i32
    %dma_start3A_1598 = arith.constant 0 : i32
    %dma_start3A_1599 = tpu.memref_slice %arg4[%add3A_24, %dma_start3A_1592, %dma_start3A_1597, %dma_start3A_1598] : memref<384x2x224x224xf32, #tpu.memory_space<hbm>> -> memref<1x1x224x224xf32, #tpu.memory_space<hbm>>
    %dma_start3A_1600 = tpu.memref_squeeze %dma_start3A_1599 : memref<1x1x224x224xf32, #tpu.memory_space<hbm>> -> memref<224x224xf32, #tpu.memory_space<hbm>>
    %dma_start3A_1601 = arith.constant 0 : i32
    %dma_start3A_1602 = arith.constant 0 : i32
    %dma_start3A_1603 = tpu.memref_slice %arg4[%add3A_24, %dma_start3A_1592, %dma_start3A_1601, %dma_start3A_1602] : memref<384x2x224x224xf32, #tpu.memory_space<hbm>> -> memref<1x1x224x224xf32, #tpu.memory_space<hbm>>
    %dma_start3A_1604 = tpu.memref_squeeze %dma_start3A_1603 : memref<1x1x224x224xf32, #tpu.memory_space<hbm>> -> memref<224x224xf32, #tpu.memory_space<hbm>>
    %dma_start3A_1605 = arith.constant 0 : i32
    %dma_start3A_1606 = arith.constant 0 : i32
    %dma_start3A_1607 = tpu.memref_slice %arg5[%dma_start3A_1591, %dma_start3A_1605, %dma_start3A_1606] : memref<2x224x224xf32, #tpu.memory_space<vmem>> -> memref<1x224x224xf32, #tpu.memory_space<vmem>>
    %dma_start3A_1608 = tpu.memref_squeeze %dma_start3A_1607 : memref<1x224x224xf32, #tpu.memory_space<vmem>> -> memref<224x224xf32, #tpu.memory_space<vmem>>
    tpu.enqueue_dma source(%dma_start3A_1608 : memref<224x224xf32, #tpu.memory_space<vmem>>) target(%dma_start3A_1604 : memref<224x224xf32, #tpu.memory_space<hbm>>) target_semaphore(%arg7 : memref<!tpu.dma_semaphore, #tpu.memory_space<semaphore_mem>>)
    %dma_wait3A_1609 = arith.constant 1 : i32
    %dma_wait3A_1610 = arith.constant 1 : i32
    %dma_wait3A_1611 = arith.constant 0 : i32
    %dma_wait3A_1612 = arith.constant 0 : i32
    %dma_wait3A_1613 = tpu.memref_slice %arg5[%dma_wait3A_1609, %dma_wait3A_1611, %dma_wait3A_1612] : memref<2x224x224xf32, #tpu.memory_space<vmem>> -> memref<1x224x224xf32, #tpu.memory_space<vmem>>
    %dma_wait3A_1614 = tpu.memref_squeeze %dma_wait3A_1613 : memref<1x224x224xf32, #tpu.memory_space<vmem>> -> memref<224x224xf32, #tpu.memory_space<vmem>>
    %dma_wait3A_1615 = arith.constant 0 : i32
    %dma_wait3A_1616 = arith.constant 0 : i32
    %dma_wait3A_1617 = tpu.memref_slice %arg4[%add3A_24, %dma_wait3A_1610, %dma_wait3A_1615, %dma_wait3A_1616] : memref<384x2x224x224xf32, #tpu.memory_space<hbm>> -> memref<1x1x224x224xf32, #tpu.memory_space<hbm>>
    %dma_wait3A_1618 = tpu.memref_squeeze %dma_wait3A_1617 : memref<1x1x224x224xf32, #tpu.memory_space<hbm>> -> memref<224x224xf32, #tpu.memory_space<hbm>>
    %dma_wait3A_1619 = arith.constant 0 : i32
    %dma_wait3A_1620 = arith.constant 0 : i32
    %dma_wait3A_1621 = tpu.memref_slice %arg4[%add3A_24, %dma_wait3A_1610, %dma_wait3A_1619, %dma_wait3A_1620] : memref<384x2x224x224xf32, #tpu.memory_space<hbm>> -> memref<1x1x224x224xf32, #tpu.memory_space<hbm>>
    %dma_wait3A_1622 = tpu.memref_squeeze %dma_wait3A_1621 : memref<1x1x224x224xf32, #tpu.memory_space<hbm>> -> memref<224x224xf32, #tpu.memory_space<hbm>>
    %dma_wait3A_1623 = arith.constant 0 : i32
    %dma_wait3A_1624 = arith.constant 0 : i32
    %dma_wait3A_1625 = tpu.memref_slice %arg5[%dma_wait3A_1609, %dma_wait3A_1623, %dma_wait3A_1624] : memref<2x224x224xf32, #tpu.memory_space<vmem>> -> memref<1x224x224xf32, #tpu.memory_space<vmem>>
    %dma_wait3A_1626 = tpu.memref_squeeze %dma_wait3A_1625 : memref<1x224x224xf32, #tpu.memory_space<vmem>> -> memref<224x224xf32, #tpu.memory_space<vmem>>
    tpu.wait_dma2 semaphore(%arg7 : memref<!tpu.dma_semaphore, #tpu.memory_space<semaphore_mem>>) src(%dma_wait3A_1626 : memref<224x224xf32, #tpu.memory_space<vmem>>) dst(%dma_wait3A_1622 : memref<224x224xf32, #tpu.memory_space<hbm>>)
    %dma_start3A_1627 = arith.constant 1 : i32
    %dma_start3A_1628 = arith.constant 1 : i32
    %dma_start3A_1629 = arith.constant 0 : i32
    %dma_start3A_1630 = arith.constant 0 : i32
    %dma_start3A_1631 = tpu.memref_slice %arg5[%dma_start3A_1628, %dma_start3A_1629, %dma_start3A_1630] : memref<2x224x224xf32, #tpu.memory_space<vmem>> -> memref<1x224x224xf32, #tpu.memory_space<vmem>>
    %dma_start3A_1632 = tpu.memref_squeeze %dma_start3A_1631 : memref<1x224x224xf32, #tpu.memory_space<vmem>> -> memref<224x224xf32, #tpu.memory_space<vmem>>
    %dma_start3A_1633 = arith.constant 0 : i32
    %dma_start3A_1634 = arith.constant 0 : i32
    %dma_start3A_1635 = tpu.memref_slice %arg2[%add3A_26, %dma_start3A_1627, %dma_start3A_1633, %dma_start3A_1634] : memref<384x2x224x224xf32, #tpu.memory_space<hbm>> -> memref<1x1x224x224xf32, #tpu.memory_space<hbm>>
    %dma_start3A_1636 = tpu.memref_squeeze %dma_start3A_1635 : memref<1x1x224x224xf32, #tpu.memory_space<hbm>> -> memref<224x224xf32, #tpu.memory_space<hbm>>
    %dma_start3A_1637 = arith.constant 0 : i32
    %dma_start3A_1638 = arith.constant 0 : i32
    %dma_start3A_1639 = tpu.memref_slice %arg5[%dma_start3A_1628, %dma_start3A_1637, %dma_start3A_1638] : memref<2x224x224xf32, #tpu.memory_space<vmem>> -> memref<1x224x224xf32, #tpu.memory_space<vmem>>
    %dma_start3A_1640 = tpu.memref_squeeze %dma_start3A_1639 : memref<1x224x224xf32, #tpu.memory_space<vmem>> -> memref<224x224xf32, #tpu.memory_space<vmem>>
    %dma_start3A_1641 = arith.constant 0 : i32
    %dma_start3A_1642 = arith.constant 0 : i32
    %dma_start3A_1643 = tpu.memref_slice %arg2[%add3A_26, %dma_start3A_1627, %dma_start3A_1641, %dma_start3A_1642] : memref<384x2x224x224xf32, #tpu.memory_space<hbm>> -> memref<1x1x224x224xf32, #tpu.memory_space<hbm>>
    %dma_start3A_1644 = tpu.memref_squeeze %dma_start3A_1643 : memref<1x1x224x224xf32, #tpu.memory_space<hbm>> -> memref<224x224xf32, #tpu.memory_space<hbm>>
    tpu.enqueue_dma source(%dma_start3A_1644 : memref<224x224xf32, #tpu.memory_space<hbm>>) target(%dma_start3A_1640 : memref<224x224xf32, #tpu.memory_space<vmem>>) target_semaphore(%arg6 : memref<!tpu.dma_semaphore, #tpu.memory_space<semaphore_mem>>)
    %dma_wait3A_1645 = arith.constant 0 : i32
    %dma_wait3A_1646 = arith.constant 0 : i32
    %dma_wait3A_1647 = arith.constant 0 : i32
    %dma_wait3A_1648 = arith.constant 0 : i32
    %dma_wait3A_1649 = tpu.memref_slice %arg5[%dma_wait3A_1646, %dma_wait3A_1647, %dma_wait3A_1648] : memref<2x224x224xf32, #tpu.memory_space<vmem>> -> memref<1x224x224xf32, #tpu.memory_space<vmem>>
    %dma_wait3A_1650 = tpu.memref_squeeze %dma_wait3A_1649 : memref<1x224x224xf32, #tpu.memory_space<vmem>> -> memref<224x224xf32, #tpu.memory_space<vmem>>
    %dma_wait3A_1651 = arith.constant 0 : i32
    %dma_wait3A_1652 = arith.constant 0 : i32
    %dma_wait3A_1653 = tpu.memref_slice %arg3[%add3A_26, %dma_wait3A_1645, %dma_wait3A_1651, %dma_wait3A_1652] : memref<384x2x224x224xf32, #tpu.memory_space<hbm>> -> memref<1x1x224x224xf32, #tpu.memory_space<hbm>>
    %dma_wait3A_1654 = tpu.memref_squeeze %dma_wait3A_1653 : memref<1x1x224x224xf32, #tpu.memory_space<hbm>> -> memref<224x224xf32, #tpu.memory_space<hbm>>
    %dma_wait3A_1655 = arith.constant 0 : i32
    %dma_wait3A_1656 = arith.constant 0 : i32
    %dma_wait3A_1657 = tpu.memref_slice %arg5[%dma_wait3A_1646, %dma_wait3A_1655, %dma_wait3A_1656] : memref<2x224x224xf32, #tpu.memory_space<vmem>> -> memref<1x224x224xf32, #tpu.memory_space<vmem>>
    %dma_wait3A_1658 = tpu.memref_squeeze %dma_wait3A_1657 : memref<1x224x224xf32, #tpu.memory_space<vmem>> -> memref<224x224xf32, #tpu.memory_space<vmem>>
    %dma_wait3A_1659 = arith.constant 0 : i32
    %dma_wait3A_1660 = arith.constant 0 : i32
    %dma_wait3A_1661 = tpu.memref_slice %arg3[%add3A_26, %dma_wait3A_1645, %dma_wait3A_1659, %dma_wait3A_1660] : memref<384x2x224x224xf32, #tpu.memory_space<hbm>> -> memref<1x1x224x224xf32, #tpu.memory_space<hbm>>
    %dma_wait3A_1662 = tpu.memref_squeeze %dma_wait3A_1661 : memref<1x1x224x224xf32, #tpu.memory_space<hbm>> -> memref<224x224xf32, #tpu.memory_space<hbm>>
    tpu.wait_dma2 semaphore(%arg6 : memref<!tpu.dma_semaphore, #tpu.memory_space<semaphore_mem>>) src(%dma_wait3A_1662 : memref<224x224xf32, #tpu.memory_space<hbm>>) dst(%dma_wait3A_1658 : memref<224x224xf32, #tpu.memory_space<vmem>>)
    %dma_start3A_1663 = arith.constant 0 : i32
    %dma_start3A_1664 = arith.constant 0 : i32
    %dma_start3A_1665 = arith.constant 0 : i32
    %dma_start3A_1666 = arith.constant 0 : i32
    %dma_start3A_1667 = tpu.memref_slice %arg5[%dma_start3A_1663, %dma_start3A_1665, %dma_start3A_1666] : memref<2x224x224xf32, #tpu.memory_space<vmem>> -> memref<1x224x224xf32, #tpu.memory_space<vmem>>
    %dma_start3A_1668 = tpu.memref_squeeze %dma_start3A_1667 : memref<1x224x224xf32, #tpu.memory_space<vmem>> -> memref<224x224xf32, #tpu.memory_space<vmem>>
    %dma_start3A_1669 = arith.constant 0 : i32
    %dma_start3A_1670 = arith.constant 0 : i32
    %dma_start3A_1671 = tpu.memref_slice %arg4[%add3A_26, %dma_start3A_1664, %dma_start3A_1669, %dma_start3A_1670] : memref<384x2x224x224xf32, #tpu.memory_space<hbm>> -> memref<1x1x224x224xf32, #tpu.memory_space<hbm>>
    %dma_start3A_1672 = tpu.memref_squeeze %dma_start3A_1671 : memref<1x1x224x224xf32, #tpu.memory_space<hbm>> -> memref<224x224xf32, #tpu.memory_space<hbm>>
    %dma_start3A_1673 = arith.constant 0 : i32
    %dma_start3A_1674 = arith.constant 0 : i32
    %dma_start3A_1675 = tpu.memref_slice %arg4[%add3A_26, %dma_start3A_1664, %dma_start3A_1673, %dma_start3A_1674] : memref<384x2x224x224xf32, #tpu.memory_space<hbm>> -> memref<1x1x224x224xf32, #tpu.memory_space<hbm>>
    %dma_start3A_1676 = tpu.memref_squeeze %dma_start3A_1675 : memref<1x1x224x224xf32, #tpu.memory_space<hbm>> -> memref<224x224xf32, #tpu.memory_space<hbm>>
    %dma_start3A_1677 = arith.constant 0 : i32
    %dma_start3A_1678 = arith.constant 0 : i32
    %dma_start3A_1679 = tpu.memref_slice %arg5[%dma_start3A_1663, %dma_start3A_1677, %dma_start3A_1678] : memref<2x224x224xf32, #tpu.memory_space<vmem>> -> memref<1x224x224xf32, #tpu.memory_space<vmem>>
    %dma_start3A_1680 = tpu.memref_squeeze %dma_start3A_1679 : memref<1x224x224xf32, #tpu.memory_space<vmem>> -> memref<224x224xf32, #tpu.memory_space<vmem>>
    tpu.enqueue_dma source(%dma_start3A_1680 : memref<224x224xf32, #tpu.memory_space<vmem>>) target(%dma_start3A_1676 : memref<224x224xf32, #tpu.memory_space<hbm>>) target_semaphore(%arg7 : memref<!tpu.dma_semaphore, #tpu.memory_space<semaphore_mem>>)
    %dma_wait3A_1681 = arith.constant 1 : i32
    %dma_wait3A_1682 = arith.constant 1 : i32
    %dma_wait3A_1683 = arith.constant 0 : i32
    %dma_wait3A_1684 = arith.constant 0 : i32
    %dma_wait3A_1685 = tpu.memref_slice %arg5[%dma_wait3A_1682, %dma_wait3A_1683, %dma_wait3A_1684] : memref<2x224x224xf32, #tpu.memory_space<vmem>> -> memref<1x224x224xf32, #tpu.memory_space<vmem>>
    %dma_wait3A_1686 = tpu.memref_squeeze %dma_wait3A_1685 : memref<1x224x224xf32, #tpu.memory_space<vmem>> -> memref<224x224xf32, #tpu.memory_space<vmem>>
    %dma_wait3A_1687 = arith.constant 0 : i32
    %dma_wait3A_1688 = arith.constant 0 : i32
    %dma_wait3A_1689 = tpu.memref_slice %arg2[%add3A_26, %dma_wait3A_1681, %dma_wait3A_1687, %dma_wait3A_1688] : memref<384x2x224x224xf32, #tpu.memory_space<hbm>> -> memref<1x1x224x224xf32, #tpu.memory_space<hbm>>
    %dma_wait3A_1690 = tpu.memref_squeeze %dma_wait3A_1689 : memref<1x1x224x224xf32, #tpu.memory_space<hbm>> -> memref<224x224xf32, #tpu.memory_space<hbm>>
    %dma_wait3A_1691 = arith.constant 0 : i32
    %dma_wait3A_1692 = arith.constant 0 : i32
    %dma_wait3A_1693 = tpu.memref_slice %arg5[%dma_wait3A_1682, %dma_wait3A_1691, %dma_wait3A_1692] : memref<2x224x224xf32, #tpu.memory_space<vmem>> -> memref<1x224x224xf32, #tpu.memory_space<vmem>>
    %dma_wait3A_1694 = tpu.memref_squeeze %dma_wait3A_1693 : memref<1x224x224xf32, #tpu.memory_space<vmem>> -> memref<224x224xf32, #tpu.memory_space<vmem>>
    %dma_wait3A_1695 = arith.constant 0 : i32
    %dma_wait3A_1696 = arith.constant 0 : i32
    %dma_wait3A_1697 = tpu.memref_slice %arg2[%add3A_26, %dma_wait3A_1681, %dma_wait3A_1695, %dma_wait3A_1696] : memref<384x2x224x224xf32, #tpu.memory_space<hbm>> -> memref<1x1x224x224xf32, #tpu.memory_space<hbm>>
    %dma_wait3A_1698 = tpu.memref_squeeze %dma_wait3A_1697 : memref<1x1x224x224xf32, #tpu.memory_space<hbm>> -> memref<224x224xf32, #tpu.memory_space<hbm>>
    tpu.wait_dma2 semaphore(%arg6 : memref<!tpu.dma_semaphore, #tpu.memory_space<semaphore_mem>>) src(%dma_wait3A_1698 : memref<224x224xf32, #tpu.memory_space<hbm>>) dst(%dma_wait3A_1694 : memref<224x224xf32, #tpu.memory_space<vmem>>)
    %dma_start3A_1699 = arith.constant 1 : i32
    %dma_start3A_1700 = arith.constant 1 : i32
    %dma_start3A_1701 = arith.constant 0 : i32
    %dma_start3A_1702 = arith.constant 0 : i32
    %dma_start3A_1703 = tpu.memref_slice %arg5[%dma_start3A_1699, %dma_start3A_1701, %dma_start3A_1702] : memref<2x224x224xf32, #tpu.memory_space<vmem>> -> memref<1x224x224xf32, #tpu.memory_space<vmem>>
    %dma_start3A_1704 = tpu.memref_squeeze %dma_start3A_1703 : memref<1x224x224xf32, #tpu.memory_space<vmem>> -> memref<224x224xf32, #tpu.memory_space<vmem>>
    %dma_start3A_1705 = arith.constant 0 : i32
    %dma_start3A_1706 = arith.constant 0 : i32
    %dma_start3A_1707 = tpu.memref_slice %arg4[%add3A_26, %dma_start3A_1700, %dma_start3A_1705, %dma_start3A_1706] : memref<384x2x224x224xf32, #tpu.memory_space<hbm>> -> memref<1x1x224x224xf32, #tpu.memory_space<hbm>>
    %dma_start3A_1708 = tpu.memref_squeeze %dma_start3A_1707 : memref<1x1x224x224xf32, #tpu.memory_space<hbm>> -> memref<224x224xf32, #tpu.memory_space<hbm>>
    %dma_start3A_1709 = arith.constant 0 : i32
    %dma_start3A_1710 = arith.constant 0 : i32
    %dma_start3A_1711 = tpu.memref_slice %arg4[%add3A_26, %dma_start3A_1700, %dma_start3A_1709, %dma_start3A_1710] : memref<384x2x224x224xf32, #tpu.memory_space<hbm>> -> memref<1x1x224x224xf32, #tpu.memory_space<hbm>>
    %dma_start3A_1712 = tpu.memref_squeeze %dma_start3A_1711 : memref<1x1x224x224xf32, #tpu.memory_space<hbm>> -> memref<224x224xf32, #tpu.memory_space<hbm>>
    %dma_start3A_1713 = arith.constant 0 : i32
    %dma_start3A_1714 = arith.constant 0 : i32
    %dma_start3A_1715 = tpu.memref_slice %arg5[%dma_start3A_1699, %dma_start3A_1713, %dma_start3A_1714] : memref<2x224x224xf32, #tpu.memory_space<vmem>> -> memref<1x224x224xf32, #tpu.memory_space<vmem>>
    %dma_start3A_1716 = tpu.memref_squeeze %dma_start3A_1715 : memref<1x224x224xf32, #tpu.memory_space<vmem>> -> memref<224x224xf32, #tpu.memory_space<vmem>>
    tpu.enqueue_dma source(%dma_start3A_1716 : memref<224x224xf32, #tpu.memory_space<vmem>>) target(%dma_start3A_1712 : memref<224x224xf32, #tpu.memory_space<hbm>>) target_semaphore(%arg7 : memref<!tpu.dma_semaphore, #tpu.memory_space<semaphore_mem>>)
    %dma_wait3A_1717 = arith.constant 0 : i32
    %dma_wait3A_1718 = arith.constant 0 : i32
    %dma_wait3A_1719 = arith.constant 0 : i32
    %dma_wait3A_1720 = arith.constant 0 : i32
    %dma_wait3A_1721 = tpu.memref_slice %arg5[%dma_wait3A_1717, %dma_wait3A_1719, %dma_wait3A_1720] : memref<2x224x224xf32, #tpu.memory_space<vmem>> -> memref<1x224x224xf32, #tpu.memory_space<vmem>>
    %dma_wait3A_1722 = tpu.memref_squeeze %dma_wait3A_1721 : memref<1x224x224xf32, #tpu.memory_space<vmem>> -> memref<224x224xf32, #tpu.memory_space<vmem>>
    %dma_wait3A_1723 = arith.constant 0 : i32
    %dma_wait3A_1724 = arith.constant 0 : i32
    %dma_wait3A_1725 = tpu.memref_slice %arg4[%add3A_26, %dma_wait3A_1718, %dma_wait3A_1723, %dma_wait3A_1724] : memref<384x2x224x224xf32, #tpu.memory_space<hbm>> -> memref<1x1x224x224xf32, #tpu.memory_space<hbm>>
    %dma_wait3A_1726 = tpu.memref_squeeze %dma_wait3A_1725 : memref<1x1x224x224xf32, #tpu.memory_space<hbm>> -> memref<224x224xf32, #tpu.memory_space<hbm>>
    %dma_wait3A_1727 = arith.constant 0 : i32
    %dma_wait3A_1728 = arith.constant 0 : i32
    %dma_wait3A_1729 = tpu.memref_slice %arg4[%add3A_26, %dma_wait3A_1718, %dma_wait3A_1727, %dma_wait3A_1728] : memref<384x2x224x224xf32, #tpu.memory_space<hbm>> -> memref<1x1x224x224xf32, #tpu.memory_space<hbm>>
    %dma_wait3A_1730 = tpu.memref_squeeze %dma_wait3A_1729 : memref<1x1x224x224xf32, #tpu.memory_space<hbm>> -> memref<224x224xf32, #tpu.memory_space<hbm>>
    %dma_wait3A_1731 = arith.constant 0 : i32
    %dma_wait3A_1732 = arith.constant 0 : i32
    %dma_wait3A_1733 = tpu.memref_slice %arg5[%dma_wait3A_1717, %dma_wait3A_1731, %dma_wait3A_1732] : memref<2x224x224xf32, #tpu.memory_space<vmem>> -> memref<1x224x224xf32, #tpu.memory_space<vmem>>
    %dma_wait3A_1734 = tpu.memref_squeeze %dma_wait3A_1733 : memref<1x224x224xf32, #tpu.memory_space<vmem>> -> memref<224x224xf32, #tpu.memory_space<vmem>>
    tpu.wait_dma2 semaphore(%arg7 : memref<!tpu.dma_semaphore, #tpu.memory_space<semaphore_mem>>) src(%dma_wait3A_1734 : memref<224x224xf32, #tpu.memory_space<vmem>>) dst(%dma_wait3A_1730 : memref<224x224xf32, #tpu.memory_space<hbm>>)
    %dma_wait3A_1735 = arith.constant 1 : i32
    %dma_wait3A_1736 = arith.constant 1 : i32
    %dma_wait3A_1737 = arith.constant 0 : i32
    %dma_wait3A_1738 = arith.constant 0 : i32
    %dma_wait3A_1739 = tpu.memref_slice %arg5[%dma_wait3A_1735, %dma_wait3A_1737, %dma_wait3A_1738] : memref<2x224x224xf32, #tpu.memory_space<vmem>> -> memref<1x224x224xf32, #tpu.memory_space<vmem>>
    %dma_wait3A_1740 = tpu.memref_squeeze %dma_wait3A_1739 : memref<1x224x224xf32, #tpu.memory_space<vmem>> -> memref<224x224xf32, #tpu.memory_space<vmem>>
    %dma_wait3A_1741 = arith.constant 0 : i32
    %dma_wait3A_1742 = arith.constant 0 : i32
    %dma_wait3A_1743 = tpu.memref_slice %arg4[%add3A_26, %dma_wait3A_1736, %dma_wait3A_1741, %dma_wait3A_1742] : memref<384x2x224x224xf32, #tpu.memory_space<hbm>> -> memref<1x1x224x224xf32, #tpu.memory_space<hbm>>
    %dma_wait3A_1744 = tpu.memref_squeeze %dma_wait3A_1743 : memref<1x1x224x224xf32, #tpu.memory_space<hbm>> -> memref<224x224xf32, #tpu.memory_space<hbm>>
    %dma_wait3A_1745 = arith.constant 0 : i32
    %dma_wait3A_1746 = arith.constant 0 : i32
    %dma_wait3A_1747 = tpu.memref_slice %arg4[%add3A_26, %dma_wait3A_1736, %dma_wait3A_1745, %dma_wait3A_1746] : memref<384x2x224x224xf32, #tpu.memory_space<hbm>> -> memref<1x1x224x224xf32, #tpu.memory_space<hbm>>
    %dma_wait3A_1748 = tpu.memref_squeeze %dma_wait3A_1747 : memref<1x1x224x224xf32, #tpu.memory_space<hbm>> -> memref<224x224xf32, #tpu.memory_space<hbm>>
    %dma_wait3A_1749 = arith.constant 0 : i32
    %dma_wait3A_1750 = arith.constant 0 : i32
    %dma_wait3A_1751 = tpu.memref_slice %arg5[%dma_wait3A_1735, %dma_wait3A_1749, %dma_wait3A_1750] : memref<2x224x224xf32, #tpu.memory_space<vmem>> -> memref<1x224x224xf32, #tpu.memory_space<vmem>>
    %dma_wait3A_1752 = tpu.memref_squeeze %dma_wait3A_1751 : memref<1x224x224xf32, #tpu.memory_space<vmem>> -> memref<224x224xf32, #tpu.memory_space<vmem>>
    tpu.wait_dma2 semaphore(%arg7 : memref<!tpu.dma_semaphore, #tpu.memory_space<semaphore_mem>>) src(%dma_wait3A_1752 : memref<224x224xf32, #tpu.memory_space<vmem>>) dst(%dma_wait3A_1748 : memref<224x224xf32, #tpu.memory_space<hbm>>)
    return
  }
}

module attributes {stable_mosaic.version = 14 : i64} {
  func.func @_tc_body(%arg0: i32, %arg1: memref<8x1x224x224xf32, #tpu.memory_space<vmem>>, %arg2: memref<8x1x224x224xf32, #tpu.memory_space<vmem>>, %arg3: memref<8x2x224x224xf32, #tpu.memory_space<vmem>>) attributes {dimension_semantics = [#tpu.dimension_semantics<arbitrary>], iteration_bounds = array<i64: 48>, scalar_prefetch = 0 : i64, scratch_operands = 0 : i64, tpu.core_type = #tpu.core_type<tc>, window_params = [{transform_indices = @transform_0, window_bounds = array<i64: 8, 1, 224, 224>}, {transform_indices = @transform_1, window_bounds = array<i64: 8, 1, 224, 224>}, {transform_indices = @transform_2, window_bounds = array<i64: 8, 2, 224, 224>}]} {
    %get3A = arith.constant 0 : index
    %get3A_0 = arith.constant 0 : index
    %get3A_1 = arith.constant 0 : index
    %get3A_2 = arith.constant 0 : index
    %get3A_3 = vector.load %arg1[%get3A, %get3A_0, %get3A_1, %get3A_2] : memref<8x1x224x224xf32, #tpu.memory_space<vmem>>, vector<8x1x224x224xf32>
    %get3A_4 = vector.shape_cast %get3A_3 : vector<8x1x224x224xf32> to vector<8x224x224xf32>
    %swap3A = arith.constant 0 : index
    %swap3A_5 = arith.constant 0 : index
    %swap3A_6 = arith.constant 0 : index
    %swap3A_7 = arith.constant 0 : index
    %swap3A_8 = vector.load %arg3[%swap3A, %swap3A_5, %swap3A_6, %swap3A_7] : memref<8x2x224x224xf32, #tpu.memory_space<vmem>>, vector<8x1x224x224xf32>
    %swap3A_9 = vector.shape_cast %swap3A_8 : vector<8x1x224x224xf32> to vector<8x224x224xf32>
    %swap3A_10 = vector.shape_cast %get3A_4 : vector<8x224x224xf32> to vector<8x1x224x224xf32>
    tpu.vector_store %arg3[%swap3A, %swap3A_5, %swap3A_6, %swap3A_7], %swap3A_10 {strides = array<i32>} : memref<8x2x224x224xf32, #tpu.memory_space<vmem>>, vector<8x1x224x224xf32>,
    %get3A_11 = arith.constant 0 : index
    %get3A_12 = arith.constant 0 : index
    %get3A_13 = arith.constant 0 : index
    %get3A_14 = arith.constant 0 : index
    %get3A_15 = vector.load %arg2[%get3A_11, %get3A_12, %get3A_13, %get3A_14] : memref<8x1x224x224xf32, #tpu.memory_space<vmem>>, vector<8x1x224x224xf32>
    %get3A_16 = vector.shape_cast %get3A_15 : vector<8x1x224x224xf32> to vector<8x224x224xf32>
    %swap3A_17 = arith.constant 0 : index
    %swap3A_18 = arith.constant 1 : index
    %swap3A_19 = arith.constant 0 : index
    %swap3A_20 = arith.constant 0 : index
    %swap3A_21 = vector.load %arg3[%swap3A_17, %swap3A_18, %swap3A_19, %swap3A_20] : memref<8x2x224x224xf32, #tpu.memory_space<vmem>>, vector<8x1x224x224xf32>
    %swap3A_22 = vector.shape_cast %swap3A_21 : vector<8x1x224x224xf32> to vector<8x224x224xf32>
    %swap3A_23 = vector.shape_cast %get3A_16 : vector<8x224x224xf32> to vector<8x1x224x224xf32>
    tpu.vector_store %arg3[%swap3A_17, %swap3A_18, %swap3A_19, %swap3A_20], %swap3A_23 {strides = array<i32>} : memref<8x2x224x224xf32, #tpu.memory_space<vmem>>, vector<8x1x224x224xf32>,
    return
  }
  func.func @transform_0(%arg0: i32) -> (i32, i32, i32, i32) {
    %sub3A = arith.constant 47 : i32
    %sub3A_0 = arith.subi %sub3A, %arg0 : i32
    %c0_i32 = arith.constant 0 : i32
    %c0_i32_1 = arith.constant 0 : i32
    %c0_i32_2 = arith.constant 0 : i32
    %c0_i32_3 = arith.constant 0 : i32
    return %sub3A_0, %c0_i32, %c0_i32_1, %c0_i32_2 : i32, i32, i32, i32
  }
  func.func @transform_1(%arg0: i32) -> (i32, i32, i32, i32) {
    %sub3A = arith.constant 47 : i32
    %sub3A_0 = arith.subi %sub3A, %arg0 : i32
    %c1_i32 = arith.constant 1 : i32
    %c0_i32 = arith.constant 0 : i32
    %c0_i32_1 = arith.constant 0 : i32
    %c0_i32_2 = arith.constant 0 : i32
    return %sub3A_0, %c1_i32, %c0_i32, %c0_i32_1 : i32, i32, i32, i32
  }
  func.func @transform_2(%arg0: i32) -> (i32, i32, i32, i32) {
    %sub3A = arith.constant 47 : i32
    %sub3A_0 = arith.subi %sub3A, %arg0 : i32
    %c0_i32 = arith.constant 0 : i32
    %c0_i32_1 = arith.constant 0 : i32
    %c0_i32_2 = arith.constant 0 : i32
    %c0_i32_3 = arith.constant 0 : i32
    return %sub3A_0, %c0_i32, %c0_i32_1, %c0_i32_2 : i32, i32, i32, i32
  }
}

</mosaic_0001>

<sc_bundles>
// kernel: kernel.4.cloned.1.call-start
scs
__scs_entry_jumppad:
0x0: {  	(pc) =	sbr.rel $0x88, $3  }
0x1: {  	(tag) =	ssettag $0x0;
	lr =	simm.s32 $0x1  }
0x2: {  	[smem:$0x3F9F] =	sst lr;
	_ =	strace $0xD0000000  }
0x3: {  	_ = 	snop  }
0x4: {  	_ = 	snop  }
0x5: {  	_ = 	snop  }
0x6: {  	_ = 	snop  }
0x7: {  	_ = 	snop  }
__scs_overlays_trampoline_lowered:
0x8: {  	[smem:$0x3FAE] =	sst s0  }
0x9: {  	[smem:$0x3FAF] =	sst s1  }
0xa: {  	[smem:$0x3FB0] =	sst s2  }
0xb: {  	[smem:$0x3FB1] =	sst s3  }
0xc: {  	[smem:$0x3FB2] =	sst s4  }
0xd: {  	[smem:$0x3FB3] =	sst s5  }
0xe: {  	[smem:$0x3FB4] =	sst s6  }
0xf: {  	[smem:$0x3FB5] =	sst s7  }
0x10: {  	[smem:$0x3FB6] =	sst s8  }
0x11: {  	[smem:$0x3FB7] =	sst s9;
	s0 =	simm.s32 @!p0 $0x0  }
0x12: {  	s1 =	sld [smem:$0x3F9D];
	s0 =	simm.s32 @p0 $0x1  }
0x13: {  	[smem:$0x3FB8] =	sst s0;
	s0 =	simm.s32 @!p1 $0x0  }
0x14: {  	s2 =	sld [smem:$0x3F9C];
	s0 =	simm.s32 @p1 $0x1  }
0x15: {  	[smem:$0x3FB9] =	sst s0;
	s0 =	simm.s32 @!p2 $0x0  }
0x16: {  	s3 =	sld [smem:$0x3FDB];
	s0 =	simm.s32 @p2 $0x1  }
0x17: {  	s4 =	simm.s32 $0x1BF5;
	[smem:$0x3FBB] =	sst s0  }
0x18: {  	s0 =	sld [smem:$0x3F9E];
	_ =	swait.ge [sflag:s4], $0x0  }
0x19: {  	s7 =	sld [smem:$0x3F9F]  }
0x1a: {  	s8 =	sadd.s32 $0xFFFFE003, lr  }
0x1b: {  	s9 =	sadd.s32 $0xFFFFFEF7, lr;
	s5 =	simm.s32 $0xFFFFFFFF;
	p2 =	slt.u32 s8, $0xFFFFF086  }
0x1c: {  	p1 =	slt.u32 s9, $0xF7A;
	s5 =	simm.s32 @!p2 $0x0  }
0x1d: {  	s5 =	simm.s32 @p1 $0x1;
	p0 =	seq.s32 s7, s2  }
0x1e: {  	s7 =	smul.u32 @!p0 $0xF7A, s2;
	p2 =	seq.s32 @!p0 s5, $0x0  }
0x1f: {  	s9 =	smul.u32 $0xF7A, s1;
	s8 =	simm.s32 @!p0 $0x1BF5;
	p2 =	por !p2, p0  }
0x20: {  	[sflag:s8] =	ssyncset.s32 @!p0 $0xFFFFF086;
	s6 =	sadd.s32 @!p0 s3, s7;
	s7 =	simm.s32 @!p0 $0x108  }
0x21: {  	s3 =	sadd.s32 s3, s9;
	s6 =	sadd.s32 @!p0 $0x88, s6;
	s7 =	simm.s32 @p2 $0x1082  }
0x22: {  	[simem:s7], [sflag:s8] =	dma.local @!p0 [hbm:s6], $0xF7A  }
0x23: {  	s9 =	sor.u32 $0xD0000000, s2;
	s6 =	simm.s32 $0x108;
	_ =	swait.ge @!p0 [sflag:s8], $0x0  }
0x24: {  	s3 =	sadd.s32 $0x88, s3;
	s6 =	simm.s32 @!p1 $0x1082;
	[sflag:s4] =	ssyncset.s32 $0xFFFFF086  }
0x25: {  	[simem:s6], [sflag:s4] =	dma.local [hbm:s3], $0xF7A  }
0x26: {  	[smem:$0x3F9F] =	sst s1;
	(tag) =	ssettag s2;
	_ =	strace s9  }
0x27: {  	s1 =	sld [smem:$0x3FAF]  }
0x28: {  	s2 =	sld [smem:$0x3FB0]  }
0x29: {  	s4 =	sld [smem:$0x3FB2]  }
0x2a: {  	p0 =	seq.s32 s5, $0x0;
	s5 =	sld [smem:$0x3FB3]  }
0x2b: {  	s6 =	sld [smem:$0x3FB4]  }
0x2c: {  	s7 =	sld [smem:$0x3FB5]  }
0x2d: {  	s3 =	simm.s32 $0x108;
	s8 =	sld [smem:$0x3FB6]  }
0x2e: {  	s3 =	simm.s32 @!p0 $0x1082;
	s9 =	sld [smem:$0x3FB7]  }
0x2f: {  	lr =	sadd.s32 s0, s3;
	s0 =	sld [smem:$0x3FAE]  }
0x30: {  	s3 =	sld [smem:$0x3FB1]  }
0x31: {  	[smem:$0x3FBA] =	sst s10  }
0x32: {  	s10 =	sld [smem:$0x3FB8];
	_ =	sdelay $0x3  }
0x33: {  	p0 =	seq.s32 s10, $0x1;
	s10 =	sld [smem:$0x3FBA];
	_ =	sdelay $0x3  }
0x34: {  	[smem:$0x3FBA] =	sst s10  }
0x35: {  	s10 =	sld [smem:$0x3FB9];
	_ =	sdelay $0x3  }
0x36: {  	p1 =	seq.s32 s10, $0x1;
	s10 =	sld [smem:$0x3FBA];
	_ =	sdelay $0x3  }
0x37: {  	[smem:$0x3FBA] =	sst s10  }
0x38: {  	s10 =	sld [smem:$0x3FBB]  }
0x39: {  	_ = 	snop;
	(pc) =	sbr.ind lr, $3  }
0x3a: {  	_ = 	snop  }
0x3b: {  	_ = 	snop  }
0x3c: {  	p2 =	seq.s32 s10, $0x1;
	s10 =	sld [smem:$0x3FBA]  }
0x3d: {  	_ =	shalt  }
0x3e: {  	_ =	shalt  }
0x3f: {  	_ =	shalt  }
0x40: {  	_ =	shalt  }
0x41: {  	_ =	shalt  }
0x42: {  	_ =	shalt  }
0x43: {  	_ =	shalt  }
0x44: {  	_ =	shalt  }
0x45: {  	_ =	shalt  }
0x46: {  	_ =	shalt  }
0x47: {  	_ =	shalt  }
0x48: {  	_ =	shalt  }
0x49: {  	_ =	shalt  }
0x4a: {  	_ =	shalt  }
0x4b: {  	_ =	shalt  }
0x4c: {  	_ =	shalt  }
0x4d: {  	_ =	shalt  }
0x4e: {  	_ =	shalt  }
0x4f: {  	_ =	shalt  }
0x50: {  	_ =	shalt  }
0x51: {  	_ =	shalt  }
0x52: {  	_ =	shalt  }
0x53: {  	_ =	shalt  }
0x54: {  	_ =	shalt  }
0x55: {  	_ =	shalt  }
0x56: {  	_ =	shalt  }
0x57: {  	_ =	shalt  }
0x58: {  	_ =	shalt  }
0x59: {  	_ =	shalt  }
0x5a: {  	_ =	shalt  }
0x5b: {  	_ =	shalt  }
0x5c: {  	_ =	shalt  }
0x5d: {  	_ =	shalt  }
0x5e: {  	_ =	shalt  }
0x5f: {  	_ =	shalt  }
0x60: {  	_ =	shalt  }
0x61: {  	_ =	shalt  }
0x62: {  	_ =	shalt  }
0x63: {  	_ =	shalt  }
0x64: {  	_ =	shalt  }
0x65: {  	_ =	shalt  }
0x66: {  	_ =	shalt  }
0x67: {  	_ =	shalt  }
0x68: {  	_ =	shalt  }
0x69: {  	_ =	shalt  }
0x6a: {  	_ =	shalt  }
0x6b: {  	_ =	shalt  }
0x6c: {  	_ =	shalt  }
0x6d: {  	_ =	shalt  }
0x6e: {  	_ =	shalt  }
0x6f: {  	_ =	shalt  }
0x70: {  	_ =	shalt  }
0x71: {  	_ =	shalt  }
0x72: {  	_ =	shalt  }
0x73: {  	_ =	shalt  }
0x74: {  	_ =	shalt  }
0x75: {  	_ =	shalt  }
0x76: {  	_ =	shalt  }
0x77: {  	_ =	shalt  }
0x78: {  	_ =	shalt  }
0x79: {  	_ =	shalt  }
0x7a: {  	_ =	shalt  }
0x7b: {  	_ =	shalt  }
0x7c: {  	_ =	shalt  }
0x7d: {  	_ =	shalt  }
0x7e: {  	_ =	shalt  }
0x7f: {  	_ =	shalt  }
0x80: {  	_ =	shalt  }
0x81: {  	_ =	shalt  }
0x82: {  	_ =	shalt  }
0x83: {  	_ =	shalt  }
0x84: {  	_ =	shalt  }
0x85: {  	_ =	shalt  }
0x86: {  	_ =	shalt  }
0x87: {  	_ =	shalt  }
.Lfunc_end0:
.L_simem_size_0:
called_computation_lowered:
.L_overlay_start_0:
0x88: {  	s2 =	sld [smem:$0x3FD9]  }
0x89: {  	s3 =	sld [smem:$0x3FFE];
	_ =	sdelay $0x1  }
0x8a: {  	s1 =	srdreg.scid  }
0x8b: {  	s0 =	sand.u32 $0x1, s1  }
0x8c: {  	s15 =	sshll.u32 s0, $0xA;
	s2 =	sadd.s32 s3, s2  }
0x8d: {  	s2 =	sadd.s32 s2, s15  }
0x8e: {  	[smem:$0x3FC6] =	sst s2  }
0x8f: {  	_ = 	snop  }
0x90: {  	s2 =	sld [smem:$0x3FD0];
	_ =	sdelay $0x1  }
0x91: {  	s16 =	sld [smem:$0x3FC9]  }
0x92: {  	s5 =	simm.s32 $0xA;
	s6 =	simm.s32 $0x10;
	s4 =	sld [smem:$0x3FC8]  }
0x93: {  	[smem:s6], [sflag:s5] =	dma.local [hbm:s2], $0x1  }
0x94: {  	_ =	swait.eq [sflag:s5], $0x1  }
0x95: {  	[sflag:s5] =	ssyncset.done $0x0  }
0x96: {  	[sflag:s5] =	ssyncadd.s32 $0xFFFFFFFF  }
0x97: {  	s17 =	sld [smem:$0x10];
	(tm) =	ssettm $0x1  }
0x98: {  	s18 =	sld [smem:$0x3FFB];
	_ =	sdelay $0x3  }
0x99: {  	_ =	strace s18  }
0x9a: {  	s5 =	sld [smem:$0x3FFC];
	_ =	sdelay $0x3  }
0x9b: {  	_ =	strace s5  }
0x9c: {  	s5 =	sld [smem:$0x3FFD];
	_ =	sdelay $0x3  }
0x9d: {  	_ =	strace s5  }
0x9e: {  	_ =	strace $0x8FFFFFFF  }
0x9f: {  	s19 =	sld [smem:$0x3FDB];
	_ =	sdelay $0x1  }
0xa0: {  	s20 =	simm.s32 $_scs_section_size  }
0xa1: {  	s7 =	simm.s32 $_size__tile_overlayer_lowered;
	s8 =	simm.s32 $_tile_overlayer_lowered  }
0xa2: {  	s23 =	simm.s32 $0x1BFF;
	s22 =	sshll.u32 s8, $0x1;
	s5 =	sadd.s32 s20, s19  }
0xa3: {  	s9 =	simm.s32 $0x0;
	s21 =	sshll.u32 s7, $0x1;
	s7 =	sadd.s32 s22, s5  }
0xa4: {  	[timem:s9], [sflag:s23] =	dma.local [hbm:s7], s21  }
0xa5: {  	_ =	swait.ge [sflag:s23], s21  }
0xa6: {  	s6 =	ssub.s32 $0x0, s21;
	[sflag:s23] =	ssyncset.done $0x0  }
0xa7: {  	[sflag:s23] =	ssyncadd.s32 s6;
	_ =	sdelay $0x1  }
0xa8: {  	s24 =	simm.s32 $0x1B8B  }
0xa9: {  	_ =	swait.ge [sflag:s24], $0x1  }
0xaa: {  	[sflag:s24] =	ssyncset.done $0x0  }
0xab: {  	s25 =	simm.s32 $0x1B8E;
	[sflag:s24] =	ssyncadd.s32 $0xFFFFFFFF  }
0xac: {  	s26 =	simm.s32 $execute0_lowered;
	[smem:$0x3FD2] =	sst s25  }
0xad: {  	s6 =	sshll.u32 s26, $0x1;
	_ =	strace $0x80000046;
	[dreg:$0x1] =	wrdreg $0xFFFFFFFF  }
0xae: {  	s28 =	simm.s32 $_size_execute0_lowered;
	s5 =	sadd.s32 s5, s6;
	[dreg:$0x0] =	wrdreg $0x0  }
0xaf: {  	s6 =	sshll.u32 s28, $0x1;
	[dreg:$0x2] =	wrdreg s5  }
0xb0: {  	[dreg:$0x3] =	wrdreg s6  }
0xb1: {  	[dreg:$0x4] =	wrdreg $0xC0  }
0xb2: {  	_ =	task [dreg:s9], $0x5FFFF  }
0xb3: {  	[dreg:$0x1] =	wrdreg $0xFFFFFFFF  }
0xb4: {  	[dreg:$0x0] =	wrdreg $0x60  }
0xb5: {  	[dreg:$0x2] =	wrdreg s16  }
0xb6: {  	[dreg:$0x3] =	wrdreg s4  }
0xb7: {  	[dreg:$0x4] =	wrdreg s17  }
0xb8: {  	[dreg:$0x5] =	wrdreg $0x9  }
0xb9: {  	_ =	task.clear_ibuf [dreg:s9], $0x6FFFF;
	_ =	strace $0x90000046  }
0xba: {  	s29 =	simm.s32 $0x9;
	_ =	strace $0x80000048  }
0xbb: {  	_ =	swait.ge [sflag:s29], $0x1  }
0xbc: {  	[sflag:s29] =	ssyncadd.s32 $0xFFFFFFFF  }
0xbd: {  	_ =	strace $0x90000048  }
0xbe: {  	_ =	sfence  }
0xbf: {  	s30 =	sld [smem:$0x0];
	_ =	sdelay $0x2  }
0xc0: {  	s31 =	sshll.u32 s1, $0xD;
	s1 =	sshrl.u32 s1, $0x2  }
0xc1: {  	s3 =	sand.u32 $0x4000, s31;
	s1 =	sadd.s32 s1, s30  }
0xc2: {  	s0 =	sor.u32 s3, s0;
	s1 =	sshll.u32 s1, $0x11  }
0xc3: {  	s0 =	sor.u32 s1, s0  }
0xc4: {  	s0 =	sadd.s32 $0x8F2B, s0  }
0xc5: {  	[sflag:s0] =	ssyncadd.remote.s32 $0x1  }
0xc6: {  	_ =	sfence.sel $0xFFFF  }
0xc7: {  	[dreg:$0x0] =	wrdreg $0xFFFFFFFF;
	(pc) =	sbr.abs _section_cstart, $3  }
0xc8: {  	[dreg:$0x1] =	wrdreg $0xFFFFFFFF  }
0xc9: {  	_ =	task.clear_ibuf [dreg:s9], $0x2FFFF;
	_ =	strace $0x9FFFFFFF  }
0xca: {  	(tm) =	ssettm $0x7FFFFFFF  }
0xcb: {  	_ =	shalt  }
tec
execute0_lowered:
.L_overlay_start_1:
0x0: {  	(tag) =	ssettag $0x1  }
0x1: {  	s0 =	srdreg.scid;
	s2 =	stileid.u32  }
0x2: {  	s0 =	sand.u32 $0x1, s0;
	s2 =	sshll.u32 s2, $0x1  }
0x3: {  	s2 =	sor.u32 s0, s2  }
0x4: {  	s1 =	rddreg [dreg:$0x0];
	s5 =	smul.u32 $0x150000, s2  }
0x5: {  	s4 =	rddreg [dreg:$0x1];
	s2 =	simm.s32 $0x0  }
0x6: {  	[smem:$0x7FF] =	sst s2;
	s5 =	sshrl.u32 s5, $0x3  }
0x7: {  	s3 =	rddreg [dreg:$0x2];
	_ =	strace $0x80000047;
	s6 =	sadd.s32 s4, s5  }
0x8: {  	s7 =	sor.u32 $0x1C00, s5;
	s23 =	sadd.s32 s3, s5;
	[dreg:$0x4] =	wrdreg s6  }
0x9: {  	s8 =	sadd.s32 $0x3800, s5;
	s22 =	sadd.s32 s1, s7;
	[dreg:$0x6] =	wrdreg s23  }
0xa: {  	p0 =	por $0x0, $0x0;
	s24 =	sadd.s32 s4, s8;
	[dreg:$0x5] =	wrdreg s22  }
0xb: {  	s26 =	sadd.s32 $0x5400, s5;
	s25 =	sadd.s32 s3, s7;
	[dreg:$0x7] =	wrdreg s24  }
0xc: {  	s0 =	ssub.s32 $0x2, s0;
	s9 =	sadd.s32 s1, s26;
	[dreg:$0x8] =	wrdreg s25  }
0xd: {  	s11 =	sadd.s32 $0x7000, s5;
	s10 =	sadd.s32 s3, s8;
	[dreg:$0x9] =	wrdreg s9  }
0xe: {  	s14 =	sadd.s32 $0x8C00, s5;
	s12 =	sadd.s32 s4, s11;
	[dreg:$0xa] =	wrdreg s10  }
0xf: {  	s17 =	sadd.s32 $0xA800, s5;
	s13 =	sadd.s32 s3, s26;
	[dreg:$0xb] =	wrdreg s12  }
0x10: {  	s20 =	sadd.s32 $0xC400, s5;
	s15 =	sadd.s32 s1, s14;
	[dreg:$0xc] =	wrdreg s13  }
0x11: {  	s16 =	sadd.s32 s3, s11;
	s18 =	sadd.s32 s4, s17;
	[dreg:$0xd] =	wrdreg s15  }
0x12: {  	s19 =	sadd.s32 s3, s14;
	s21 =	sadd.s32 s1, s20;
	[dreg:$0xe] =	wrdreg s16  }
0x13: {  	s23 =	sadd.s32 $0xE000, s5;
	s26 =	sadd.s32 $0xFC00, s5;
	[dreg:$0xf] =	wrdreg s18  }
0x14: {  	s8 =	sadd.s32 $0x26800, s5;
	s6 =	simm.s32 $0xE000;
	[dreg:$0x10] =	wrdreg s19  }
0x15: {  	[dreg:$0x11] =	wrdreg s21;
	s22 =	sadd.s32 s3, s17;
	s24 =	sadd.s32 s4, s23  }
0x16: {  	s25 =	sadd.s32 s3, s20;
	s10 =	sadd.s32 s1, s26;
	s11 =	sadd.s32 s3, s23  }
0x17: {  	s12 =	sadd.s32 $0x11800, s5;
	s9 =	sshrl.u32 s0, $0x1;
	[dreg:$0x12] =	wrdreg s22  }
0x18: {  	s14 =	sadd.s32 s3, s26;
	s15 =	sadd.s32 $0x13400, s5;
	[dreg:$0x13] =	wrdreg s24  }
0x19: {  	s18 =	sadd.s32 $0x15000, s5;
	s19 =	sadd.s32 $0x16C00, s5;
	[dreg:$0x14] =	wrdreg s25  }
0x1a: {  	s20 =	sadd.s32 $0x18800, s5;
	s21 =	sadd.s32 $0x1A400, s5;
	[dreg:$0x15] =	wrdreg s10  }
0x1b: {  	[dreg:$0x16] =	wrdreg s11;
	s13 =	sadd.s32 s4, s12;
	s0 =	ssub.s32 s0, s9  }
0x1c: {  	[dreg:$0x18] =	wrdreg s14;
	s16 =	sadd.s32 s1, s15;
	s17 =	sadd.s32 s3, s12  }
0x1d: {  	s31 =	sadd.s32 s4, s18;
	s30 =	sadd.s32 s3, s15;
	s29 =	sadd.s32 s1, s19  }
0x1e: {  	s28 =	sadd.s32 s3, s18;
	s26 =	sadd.s32 s4, s20;
	s25 =	sadd.s32 s3, s19  }
0x1f: {  	s24 =	sadd.s32 s1, s21;
	s9 =	sadd.s32 $0x1C000, s5;
	s23 =	sadd.s32 s3, s20  }
0x20: {  	s10 =	sadd.s32 $0x1DC00, s5;
	s21 =	sadd.s32 s3, s21;
	[dreg:$0x17] =	wrdreg s13  }
0x21: {  	s11 =	sadd.s32 $0x1F800, s5;
	s12 =	sadd.s32 $0x21400, s5;
	[dreg:$0x19] =	wrdreg s16  }
0x22: {  	[dreg:$0x1a] =	wrdreg s17;
	s22 =	sadd.s32 s4, s9;
	s20 =	sadd.s32 s1, s10  }
0x23: {  	s19 =	sadd.s32 s3, s9;
	s18 =	sadd.s32 s4, s11;
	s17 =	sadd.s32 s3, s10  }
0x24: {  	s16 =	sadd.s32 s1, s12;
	s13 =	sadd.s32 $0x23000, s5;
	s0 =	smax.u32 s0, $0x1  }
0x25: {  	s15 =	sadd.s32 s3, s11;
	s12 =	sadd.s32 s3, s12;
	p1 =	sne.s32 s0, $0x1  }
.Ltmp0:
0x26: {  	s9 =	sadd.s32 $0x24C00, s5;
	s10 =	sadd.s32 s4, s8;
	(pc) =	sbr.rel @!p1 .LBB2_3-.Ltmp0, $4  }
0x27: {  	s14 =	sadd.s32 s4, s13;
	s11 =	sadd.s32 s3, s13;
	s4 =	sadd.s32 $0x28400, s5  }
0x28: {  	s13 =	sadd.s32 s1, s9;
	s9 =	sadd.s32 s3, s9;
	s5 =	sadd.s32 s3, s8  }
0x29: {  	s8 =	simm.s32 $0x1;
	s7 =	sadd.s32 s1, s4;
	s3 =	sadd.s32 s3, s4  }
0x2a: {  	s1 =	sadd.s32 $0xFFFFFFFF, s0;
	s4 =	simm.s32 $0x2;
	s0 =	rddreg [dreg:$0x4]  }
0x2b: {  	[dreg:$0x1b] =	wrdreg s1  }
0x2c: {  	[tilespmem:s2], [sflag:$0x1] =	stream.linear.gather [hbm4b:s0+s2], $0xE000, $0x38;
	[tilespmem:$0x1C000] =	vst v63  }
0x2d: {  	s1 =	rddreg [dreg:$0x5]  }
0x2e: {  	[tilespmem:s6], [sflag:$0x1] =	stream.linear.gather [hbm4b:s1+s2], $0xE000, $0x38;
	[tilespmem:$0x1C000] =	vst v63  }
0x2f: {  	_ =	swait.ge [sflag:s8], $0xE000  }
0x30: {  	[sflag:s8] =	ssyncset.done $0x0  }
0x31: {  	s1 =	rddreg [dreg:$0x6];
	[sflag:s8] =	ssyncadd.s32 $0xFFFF2000  }
0x32: {  	[hbm4b:s1+s2] =	stream.linear.scatter [tilespmem:s2], [sflag:$0x2], $0xE000, $0x38;
	[tilespmem:$0x1C000] =	vst v63  }
0x33: {  	_ =	swait.ge [sflag:s4], $0xE000  }
0x34: {  	[sflag:s4] =	ssyncset.done $0x0  }
0x35: {  	s1 =	rddreg [dreg:$0x7];
	[sflag:s4] =	ssyncadd.s32 $0xFFFF2000  }
0x36: {  	[tilespmem:s2], [sflag:$0x1] =	stream.linear.gather [hbm4b:s1+s2], $0xE000, $0x38;
	[tilespmem:$0x1C000] =	vst v63  }
0x37: {  	_ =	swait.ge [sflag:s8], $0xE000  }
0x38: {  	[sflag:s8] =	ssyncset.done $0x0  }
0x39: {  	s1 =	rddreg [dreg:$0x8];
	[sflag:s8] =	ssyncadd.s32 $0xFFFF2000  }
0x3a: {  	[hbm4b:s1+s2] =	stream.linear.scatter [tilespmem:s6], [sflag:$0x2], $0xE000, $0x38;
	[tilespmem:$0x1C000] =	vst v63  }
0x3b: {  	_ =	swait.ge [sflag:s4], $0xE000  }
0x3c: {  	[sflag:s4] =	ssyncset.done $0x0  }
0x3d: {  	s1 =	rddreg [dreg:$0x9];
	[sflag:s4] =	ssyncadd.s32 $0xFFFF2000  }
0x3e: {  	[tilespmem:s6], [sflag:$0x1] =	stream.linear.gather [hbm4b:s1+s2], $0xE000, $0x38;
	[tilespmem:$0x1C000] =	vst v63  }
0x3f: {  	_ =	swait.ge [sflag:s8], $0xE000  }
0x40: {  	[sflag:s8] =	ssyncset.done $0x0  }
0x41: {  	s1 =	rddreg [dreg:$0xa];
	[sflag:s8] =	ssyncadd.s32 $0xFFFF2000  }
0x42: {  	[hbm4b:s1+s2] =	stream.linear.scatter [tilespmem:s2], [sflag:$0x2], $0xE000, $0x38;
	[tilespmem:$0x1C000] =	vst v63  }
0x43: {  	_ =	swait.ge [sflag:s4], $0xE000  }
0x44: {  	[sflag:s4] =	ssyncset.done $0x0  }
0x45: {  	s1 =	rddreg [dreg:$0xb];
	[sflag:s4] =	ssyncadd.s32 $0xFFFF2000  }
0x46: {  	[tilespmem:s2], [sflag:$0x1] =	stream.linear.gather [hbm4b:s1+s2], $0xE000, $0x38;
	[tilespmem:$0x1C000] =	vst v63  }
0x47: {  	_ =	swait.ge [sflag:s8], $0xE000  }
0x48: {  	[sflag:s8] =	ssyncset.done $0x0  }
0x49: {  	s1 =	rddreg [dreg:$0xc];
	[sflag:s8] =	ssyncadd.s32 $0xFFFF2000  }
0x4a: {  	[hbm4b:s1+s2] =	stream.linear.scatter [tilespmem:s6], [sflag:$0x2], $0xE000, $0x38;
	[tilespmem:$0x1C000] =	vst v63  }
0x4b: {  	_ =	swait.ge [sflag:s4], $0xE000  }
0x4c: {  	[sflag:s4] =	ssyncset.done $0x0  }
0x4d: {  	s1 =	rddreg [dreg:$0xd];
	[sflag:s4] =	ssyncadd.s32 $0xFFFF2000  }
0x4e: {  	[tilespmem:s6], [sflag:$0x1] =	stream.linear.gather [hbm4b:s1+s2], $0xE000, $0x38;
	[tilespmem:$0x1C000] =	vst v63  }
0x4f: {  	_ =	swait.ge [sflag:s8], $0xE000  }
0x50: {  	[sflag:s8] =	ssyncset.done $0x0  }
0x51: {  	s1 =	rddreg [dreg:$0xe];
	[sflag:s8] =	ssyncadd.s32 $0xFFFF2000  }
0x52: {  	[hbm4b:s1+s2] =	stream.linear.scatter [tilespmem:s2], [sflag:$0x2], $0xE000, $0x38;
	[tilespmem:$0x1C000] =	vst v63  }
0x53: {  	_ =	swait.ge [sflag:s4], $0xE000  }
0x54: {  	[sflag:s4] =	ssyncset.done $0x0  }
0x55: {  	s1 =	rddreg [dreg:$0xf];
	[sflag:s4] =	ssyncadd.s32 $0xFFFF2000  }
0x56: {  	[tilespmem:s2], [sflag:$0x1] =	stream.linear.gather [hbm4b:s1+s2], $0xE000, $0x38;
	[tilespmem:$0x1C000] =	vst v63  }
0x57: {  	_ =	swait.ge [sflag:s8], $0xE000  }
0x58: {  	[sflag:s8] =	ssyncset.done $0x0  }
0x59: {  	s1 =	rddreg [dreg:$0x10];
	[sflag:s8] =	ssyncadd.s32 $0xFFFF2000  }
0x5a: {  	[hbm4b:s1+s2] =	stream.linear.scatter [tilespmem:s6], [sflag:$0x2], $0xE000, $0x38;
	[tilespmem:$0x1C000] =	vst v63  }
0x5b: {  	_ =	swait.ge [sflag:s4], $0xE000  }
0x5c: {  	[sflag:s4] =	ssyncset.done $0x0  }
0x5d: {  	s1 =	rddreg [dreg:$0x11];
	[sflag:s4] =	ssyncadd.s32 $0xFFFF2000  }
0x5e: {  	[tilespmem:s6], [sflag:$0x1] =	stream.linear.gather [hbm4b:s1+s2], $0xE000, $0x38;
	[tilespmem:$0x1C000] =	vst v63  }
0x5f: {  	_ =	swait.ge [sflag:s8], $0xE000  }
0x60: {  	[sflag:s8] =	ssyncset.done $0x0  }
0x61: {  	s1 =	rddreg [dreg:$0x12];
	[sflag:s8] =	ssyncadd.s32 $0xFFFF2000  }
0x62: {  	[hbm4b:s1+s2] =	stream.linear.scatter [tilespmem:s2], [sflag:$0x2], $0xE000, $0x38;
	[tilespmem:$0x1C000] =	vst v63  }
0x63: {  	_ =	swait.ge [sflag:s4], $0xE000  }
0x64: {  	[sflag:s4] =	ssyncset.done $0x0  }
0x65: {  	s1 =	rddreg [dreg:$0x13];
	[sflag:s4] =	ssyncadd.s32 $0xFFFF2000  }
0x66: {  	[tilespmem:s2], [sflag:$0x1] =	stream.linear.gather [hbm4b:s1+s2], $0xE000, $0x38;
	[tilespmem:$0x1C000] =	vst v63  }
0x67: {  	_ =	swait.ge [sflag:s8], $0xE000  }
0x68: {  	[sflag:s8] =	ssyncset.done $0x0  }
0x69: {  	s1 =	rddreg [dreg:$0x14];
	[sflag:s8] =	ssyncadd.s32 $0xFFFF2000  }
0x6a: {  	[hbm4b:s1+s2] =	stream.linear.scatter [tilespmem:s6], [sflag:$0x2], $0xE000, $0x38;
	[tilespmem:$0x1C000] =	vst v63  }
0x6b: {  	_ =	swait.ge [sflag:s4], $0xE000  }
0x6c: {  	[sflag:s4] =	ssyncset.done $0x0  }
0x6d: {  	s1 =	rddreg [dreg:$0x15];
	[sflag:s4] =	ssyncadd.s32 $0xFFFF2000  }
0x6e: {  	[tilespmem:s6], [sflag:$0x1] =	stream.linear.gather [hbm4b:s1+s2], $0xE000, $0x38;
	[tilespmem:$0x1C000] =	vst v63  }
0x6f: {  	_ =	swait.ge [sflag:s8], $0xE000  }
0x70: {  	[sflag:s8] =	ssyncset.done $0x0  }
0x71: {  	s1 =	rddreg [dreg:$0x16];
	[sflag:s8] =	ssyncadd.s32 $0xFFFF2000  }
0x72: {  	[hbm4b:s1+s2] =	stream.linear.scatter [tilespmem:s2], [sflag:$0x2], $0xE000, $0x38;
	[tilespmem:$0x1C000] =	vst v63  }
0x73: {  	_ =	swait.ge [sflag:s4], $0xE000  }
0x74: {  	[sflag:s4] =	ssyncset.done $0x0  }
0x75: {  	s1 =	rddreg [dreg:$0x17];
	[sflag:s4] =	ssyncadd.s32 $0xFFFF2000  }
0x76: {  	[tilespmem:s2], [sflag:$0x1] =	stream.linear.gather [hbm4b:s1+s2], $0xE000, $0x38;
	[tilespmem:$0x1C000] =	vst v63  }
0x77: {  	_ =	swait.ge [sflag:s8], $0xE000  }
0x78: {  	[sflag:s8] =	ssyncset.done $0x0  }
0x79: {  	s1 =	rddreg [dreg:$0x18];
	[sflag:s8] =	ssyncadd.s32 $0xFFFF2000  }
0x7a: {  	[hbm4b:s1+s2] =	stream.linear.scatter [tilespmem:s6], [sflag:$0x2], $0xE000, $0x38;
	[tilespmem:$0x1C000] =	vst v63  }
0x7b: {  	_ =	swait.ge [sflag:s4], $0xE000  }
0x7c: {  	[sflag:s4] =	ssyncset.done $0x0  }
0x7d: {  	s1 =	rddreg [dreg:$0x19];
	[sflag:s4] =	ssyncadd.s32 $0xFFFF2000  }
0x7e: {  	[tilespmem:s6], [sflag:$0x1] =	stream.linear.gather [hbm4b:s1+s2], $0xE000, $0x38;
	[tilespmem:$0x1C000] =	vst v63  }
0x7f: {  	_ =	swait.ge [sflag:s8], $0xE000  }
0x80: {  	[sflag:s8] =	ssyncset.done $0x0  }
0x81: {  	s1 =	rddreg [dreg:$0x1a];
	[sflag:s8] =	ssyncadd.s32 $0xFFFF2000  }
0x82: {  	[hbm4b:s1+s2] =	stream.linear.scatter [tilespmem:s2], [sflag:$0x2], $0xE000, $0x38;
	[tilespmem:$0x1C000] =	vst v63  }
0x83: {  	_ =	swait.ge [sflag:s4], $0xE000  }
0x84: {  	[sflag:s4] =	ssyncset.done $0x0  }
0x85: {  	[sflag:s4] =	ssyncadd.s32 $0xFFFF2000  }
0x86: {  	[tilespmem:s2], [sflag:$0x1] =	stream.linear.gather [hbm4b:s31+s2], $0xE000, $0x38;
	[tilespmem:$0x1C000] =	vst v63  }
0x87: {  	_ =	swait.ge [sflag:s8], $0xE000  }
0x88: {  	[sflag:s8] =	ssyncset.done $0x0  }
0x89: {  	[sflag:s8] =	ssyncadd.s32 $0xFFFF2000  }
0x8a: {  	[hbm4b:s30+s2] =	stream.linear.scatter [tilespmem:s6], [sflag:$0x2], $0xE000, $0x38;
	[tilespmem:$0x1C000] =	vst v63  }
0x8b: {  	_ =	swait.ge [sflag:s4], $0xE000  }
0x8c: {  	[sflag:s4] =	ssyncset.done $0x0  }
0x8d: {  	[sflag:s4] =	ssyncadd.s32 $0xFFFF2000  }
0x8e: {  	[tilespmem:s6], [sflag:$0x1] =	stream.linear.gather [hbm4b:s29+s2], $0xE000, $0x38;
	[tilespmem:$0x1C000] =	vst v63  }
0x8f: {  	_ =	swait.ge [sflag:s8], $0xE000  }
0x90: {  	[sflag:s8] =	ssyncset.done $0x0  }
0x91: {  	[sflag:s8] =	ssyncadd.s32 $0xFFFF2000  }
0x92: {  	[hbm4b:s28+s2] =	stream.linear.scatter [tilespmem:s2], [sflag:$0x2], $0xE000, $0x38;
	[tilespmem:$0x1C000] =	vst v63  }
0x93: {  	_ =	swait.ge [sflag:s4], $0xE000  }
0x94: {  	[sflag:s4] =	ssyncset.done $0x0  }
0x95: {  	[sflag:s4] =	ssyncadd.s32 $0xFFFF2000  }
0x96: {  	[tilespmem:s2], [sflag:$0x1] =	stream.linear.gather [hbm4b:s26+s2], $0xE000, $0x38;
	[tilespmem:$0x1C000] =	vst v63  }
0x97: {  	_ =	swait.ge [sflag:s8], $0xE000  }
0x98: {  	[sflag:s8] =	ssyncset.done $0x0  }
0x99: {  	[sflag:s8] =	ssyncadd.s32 $0xFFFF2000  }
0x9a: {  	[hbm4b:s25+s2] =	stream.linear.scatter [tilespmem:s6], [sflag:$0x2], $0xE000, $0x38;
	[tilespmem:$0x1C000] =	vst v63  }
0x9b: {  	_ =	swait.ge [sflag:s4], $0xE000  }
0x9c: {  	[sflag:s4] =	ssyncset.done $0x0  }
0x9d: {  	[sflag:s4] =	ssyncadd.s32 $0xFFFF2000  }
0x9e: {  	[tilespmem:s6], [sflag:$0x1] =	stream.linear.gather [hbm4b:s24+s2], $0xE000, $0x38;
	[tilespmem:$0x1C000] =	vst v63  }
0x9f: {  	_ =	swait.ge [sflag:s8], $0xE000  }
0xa0: {  	[sflag:s8] =	ssyncset.done $0x0  }
0xa1: {  	[sflag:s8] =	ssyncadd.s32 $0xFFFF2000  }
0xa2: {  	[hbm4b:s23+s2] =	stream.linear.scatter [tilespmem:s2], [sflag:$0x2], $0xE000, $0x38;
	[tilespmem:$0x1C000] =	vst v63  }
0xa3: {  	_ =	swait.ge [sflag:s4], $0xE000  }
0xa4: {  	[sflag:s4] =	ssyncset.done $0x0  }
0xa5: {  	[sflag:s4] =	ssyncadd.s32 $0xFFFF2000  }
0xa6: {  	[tilespmem:s2], [sflag:$0x1] =	stream.linear.gather [hbm4b:s22+s2], $0xE000, $0x38;
	[tilespmem:$0x1C000] =	vst v63  }
0xa7: {  	_ =	swait.ge [sflag:s8], $0xE000  }
0xa8: {  	[sflag:s8] =	ssyncset.done $0x0  }
0xa9: {  	[sflag:s8] =	ssyncadd.s32 $0xFFFF2000  }
0xaa: {  	[hbm4b:s21+s2] =	stream.linear.scatter [tilespmem:s6], [sflag:$0x2], $0xE000, $0x38;
	[tilespmem:$0x1C000] =	vst v63  }
0xab: {  	_ =	swait.ge [sflag:s4], $0xE000  }
0xac: {  	[sflag:s4] =	ssyncset.done $0x0  }
0xad: {  	[sflag:s4] =	ssyncadd.s32 $0xFFFF2000  }
0xae: {  	[tilespmem:s6], [sflag:$0x1] =	stream.linear.gather [hbm4b:s20+s2], $0xE000, $0x38;
	[tilespmem:$0x1C000] =	vst v63  }
0xaf: {  	_ =	swait.ge [sflag:s8], $0xE000  }
0xb0: {  	[sflag:s8] =	ssyncset.done $0x0  }
0xb1: {  	[sflag:s8] =	ssyncadd.s32 $0xFFFF2000  }
0xb2: {  	[hbm4b:s19+s2] =	stream.linear.scatter [tilespmem:s2], [sflag:$0x2], $0xE000, $0x38;
	[tilespmem:$0x1C000] =	vst v63  }
0xb3: {  	_ =	swait.ge [sflag:s4], $0xE000  }
0xb4: {  	[sflag:s4] =	ssyncset.done $0x0  }
0xb5: {  	[sflag:s4] =	ssyncadd.s32 $0xFFFF2000  }
0xb6: {  	[tilespmem:s2], [sflag:$0x1] =	stream.linear.gather [hbm4b:s18+s2], $0xE000, $0x38;
	[tilespmem:$0x1C000] =	vst v63  }
0xb7: {  	_ =	swait.ge [sflag:s8], $0xE000  }
0xb8: {  	[sflag:s8] =	ssyncset.done $0x0  }
0xb9: {  	[sflag:s8] =	ssyncadd.s32 $0xFFFF2000  }
0xba: {  	[hbm4b:s17+s2] =	stream.linear.scatter [tilespmem:s6], [sflag:$0x2], $0xE000, $0x38;
	[tilespmem:$0x1C000] =	vst v63  }
0xbb: {  	_ =	swait.ge [sflag:s4], $0xE000  }
0xbc: {  	[sflag:s4] =	ssyncset.done $0x0  }
0xbd: {  	[sflag:s4] =	ssyncadd.s32 $0xFFFF2000  }
0xbe: {  	[tilespmem:s6], [sflag:$0x1] =	stream.linear.gather [hbm4b:s16+s2], $0xE000, $0x38;
	[tilespmem:$0x1C000] =	vst v63  }
0xbf: {  	_ =	swait.ge [sflag:s8], $0xE000  }
0xc0: {  	[sflag:s8] =	ssyncset.done $0x0  }
0xc1: {  	[sflag:s8] =	ssyncadd.s32 $0xFFFF2000  }
0xc2: {  	[hbm4b:s15+s2] =	stream.linear.scatter [tilespmem:s2], [sflag:$0x2], $0xE000, $0x38;
	[tilespmem:$0x1C000] =	vst v63  }
0xc3: {  	_ =	swait.ge [sflag:s4], $0xE000  }
0xc4: {  	[sflag:s4] =	ssyncset.done $0x0  }
0xc5: {  	[sflag:s4] =	ssyncadd.s32 $0xFFFF2000  }
0xc6: {  	[tilespmem:s2], [sflag:$0x1] =	stream.linear.gather [hbm4b:s14+s2], $0xE000, $0x38;
	[tilespmem:$0x1C000] =	vst v63  }
0xc7: {  	_ =	swait.ge [sflag:s8], $0xE000  }
0xc8: {  	[sflag:s8] =	ssyncset.done $0x0  }
0xc9: {  	[sflag:s8] =	ssyncadd.s32 $0xFFFF2000  }
0xca: {  	[hbm4b:s12+s2] =	stream.linear.scatter [tilespmem:s6], [sflag:$0x2], $0xE000, $0x38;
	[tilespmem:$0x1C000] =	vst v63  }
0xcb: {  	_ =	swait.ge [sflag:s4], $0xE000  }
0xcc: {  	[sflag:s4] =	ssyncset.done $0x0  }
0xcd: {  	[sflag:s4] =	ssyncadd.s32 $0xFFFF2000  }
0xce: {  	[tilespmem:s6], [sflag:$0x1] =	stream.linear.gather [hbm4b:s13+s2], $0xE000, $0x38;
	[tilespmem:$0x1C000] =	vst v63  }
0xcf: {  	_ =	swait.ge [sflag:s8], $0xE000  }
0xd0: {  	[sflag:s8] =	ssyncset.done $0x0  }
0xd1: {  	[sflag:s8] =	ssyncadd.s32 $0xFFFF2000  }
0xd2: {  	[hbm4b:s11+s2] =	stream.linear.scatter [tilespmem:s2], [sflag:$0x2], $0xE000, $0x38;
	[tilespmem:$0x1C000] =	vst v63  }
0xd3: {  	_ =	swait.ge [sflag:s4], $0xE000  }
0xd4: {  	[sflag:s4] =	ssyncset.done $0x0  }
0xd5: {  	[sflag:s4] =	ssyncadd.s32 $0xFFFF2000  }
0xd6: {  	[tilespmem:s2], [sflag:$0x1] =	stream.linear.gather [hbm4b:s10+s2], $0xE000, $0x38;
	[tilespmem:$0x1C000] =	vst v63  }
0xd7: {  	_ =	swait.ge [sflag:s8], $0xE000  }
0xd8: {  	[sflag:s8] =	ssyncset.done $0x0  }
0xd9: {  	[sflag:s8] =	ssyncadd.s32 $0xFFFF2000  }
0xda: {  	[hbm4b:s9+s2] =	stream.linear.scatter [tilespmem:s6], [sflag:$0x2], $0xE000, $0x38;
	[tilespmem:$0x1C000] =	vst v63  }
0xdb: {  	_ =	swait.ge [sflag:s4], $0xE000  }
0xdc: {  	[sflag:s4] =	ssyncset.done $0x0  }
0xdd: {  	[sflag:s4] =	ssyncadd.s32 $0xFFFF2000  }
0xde: {  	[tilespmem:s6], [sflag:$0x1] =	stream.linear.gather [hbm4b:s7+s2], $0xE000, $0x38;
	[tilespmem:$0x1C000] =	vst v63  }
0xdf: {  	_ =	swait.ge [sflag:s8], $0xE000  }
0xe0: {  	[sflag:s8] =	ssyncset.done $0x0  }
0xe1: {  	[sflag:s8] =	ssyncadd.s32 $0xFFFF2000  }
0xe2: {  	[hbm4b:s5+s2] =	stream.linear.scatter [tilespmem:s2], [sflag:$0x2], $0xE000, $0x38;
	[tilespmem:$0x1C000] =	vst v63  }
0xe3: {  	_ =	swait.ge [sflag:s8], $0xE000  }
0xe4: {  	[sflag:s8] =	ssyncset.done $0x0  }
0xe5: {  	[sflag:s8] =	ssyncadd.s32 $0xFFFF2000  }
0xe6: {  	[hbm4b:s3+s2] =	stream.linear.scatter [tilespmem:s6], [sflag:$0x2], $0xE000, $0x38;
	[tilespmem:$0x1C000] =	vst v63  }
0xe7: {  	_ =	swait.ge [sflag:s4], $0xE000  }
0xe8: {  	s1 =	rddreg [dreg:$0x1b]  }
0xe9: {  	p1 =	sne.s32 s1, $0x1  }
.Ltmp1:
0xea: {  	_ = 	snop;
	(pc) =	sbr.rel @!p1 .LBB2_3-.Ltmp1, $4  }
0xeb: {  	[sflag:s4] =	ssyncset.done $0x0  }
0xec: {  	[sflag:s4] =	ssyncadd.s32 $0xFFFF2000  }
0xed: {  	p0 =	por $0x1, $0x1;
	_ =	swait.ge [sflag:s4], $0xE000  }
0xee: {  	s1 =	sadd.s32 $0xFFFFFFFF, s1;
	s0 =	rddreg [dreg:$0x4];
	[sflag:s4] =	ssyncset.done $0x0  }
.LBB2_2:
0xef: {  	[sflag:s4] =	ssyncadd.s32 $0xFFFF2000;
	s2 =	simm.s32 $0x0  }
0xf0: {  	s6 =	smov.u32 s31;
	s31 =	smov.u32 s30;
	s30 =	smov.u32 s29  }
0xf1: {  	s29 =	smov.u32 s28;
	s28 =	smov.u32 s26;
	s26 =	smov.u32 s25  }
0xf2: {  	s25 =	smov.u32 s24;
	s24 =	smov.u32 s23;
	s23 =	smov.u32 s22  }
0xf3: {  	s22 =	smov.u32 s21;
	s21 =	smov.u32 s20;
	s20 =	smov.u32 s19  }
0xf4: {  	s19 =	smov.u32 s18;
	s18 =	smov.u32 s17;
	s17 =	smov.u32 s16  }
0xf5: {  	s16 =	smov.u32 s15;
	s15 =	smov.u32 s14;
	s14 =	smov.u32 s13  }
0xf6: {  	s13 =	smov.u32 s12;
	s12 =	smov.u32 s11;
	s11 =	smov.u32 s10  }
0xf7: {  	s10 =	smov.u32 s9;
	s9 =	smov.u32 s7;
	s7 =	smov.u32 s5  }
0xf8: {  	[tilespmem:s2], [sflag:$0x1] =	stream.linear.gather [hbm4b:s0+s2], $0xE000, $0x38;
	[tilespmem:$0x1C000] =	vst v63  }
0xf9: {  	s5 =	smov.u32 s3;
	s3 =	rddreg [dreg:$0x5];
	s0 =	simm.s32 $0xE000  }
0xfa: {  	[tilespmem:s0], [sflag:$0x1] =	stream.linear.gather [hbm4b:s3+s2], $0xE000, $0x38;
	[tilespmem:$0x1C000] =	vst v63  }
0xfb: {  	s2 =	simm.s32 $0x0;
	s3 =	smov.u32 s5;
	s5 =	smov.u32 s7  }
0xfc: {  	s7 =	smov.u32 s9;
	s9 =	smov.u32 s10;
	s10 =	smov.u32 s11  }
0xfd: {  	s11 =	smov.u32 s12;
	s12 =	smov.u32 s13;
	s13 =	smov.u32 s14  }
0xfe: {  	s14 =	smov.u32 s15;
	s15 =	smov.u32 s16;
	s16 =	smov.u32 s17  }
0xff: {  	s17 =	smov.u32 s18;
	s18 =	smov.u32 s19;
	_ =	swait.ge [sflag:s8], $0xE000  }
0x100: {  	s19 =	smov.u32 s20;
	s20 =	smov.u32 s21;
	[sflag:s8] =	ssyncset.done $0x0  }
0x101: {  	s21 =	smov.u32 s22;
	s0 =	rddreg [dreg:$0x6];
	[sflag:s8] =	ssyncadd.s32 $0xFFFF2000  }
0x102: {  	[hbm4b:s0+s2] =	stream.linear.scatter [tilespmem:s2], [sflag:$0x2], $0xE000, $0x38;
	[tilespmem:$0x1C000] =	vst v63  }
0x103: {  	s22 =	smov.u32 s23;
	s23 =	smov.u32 s24;
	_ =	swait.ge [sflag:s4], $0xE000  }
0x104: {  	s24 =	smov.u32 s25;
	s25 =	smov.u32 s26;
	[sflag:s4] =	ssyncset.done $0x0  }
0x105: {  	s26 =	smov.u32 s28;
	s0 =	rddreg [dreg:$0x7];
	[sflag:s4] =	ssyncadd.s32 $0xFFFF2000  }
0x106: {  	[tilespmem:s2], [sflag:$0x1] =	stream.linear.gather [hbm4b:s0+s2], $0xE000, $0x38;
	[tilespmem:$0x1C000] =	vst v63  }
0x107: {  	s28 =	smov.u32 s29;
	s29 =	smov.u32 s30;
	_ =	swait.ge [sflag:s8], $0xE000  }
0x108: {  	s30 =	smov.u32 s31;
	s31 =	smov.u32 s6;
	[sflag:s8] =	ssyncset.done $0x0  }
0x109: {  	s6 =	simm.s32 $0xE000;
	s0 =	rddreg [dreg:$0x8];
	[sflag:s8] =	ssyncadd.s32 $0xFFFF2000  }
0x10a: {  	[hbm4b:s0+s2] =	stream.linear.scatter [tilespmem:s6], [sflag:$0x2], $0xE000, $0x38;
	[tilespmem:$0x1C000] =	vst v63  }
0x10b: {  	_ =	swait.ge [sflag:s4], $0xE000  }
0x10c: {  	[sflag:s4] =	ssyncset.done $0x0  }
0x10d: {  	s0 =	rddreg [dreg:$0x9];
	[sflag:s4] =	ssyncadd.s32 $0xFFFF2000  }
0x10e: {  	[tilespmem:s6], [sflag:$0x1] =	stream.linear.gather [hbm4b:s0+s2], $0xE000, $0x38;
	[tilespmem:$0x1C000] =	vst v63  }
0x10f: {  	_ =	swait.ge [sflag:s8], $0xE000  }
0x110: {  	[sflag:s8] =	ssyncset.done $0x0  }
0x111: {  	s0 =	rddreg [dreg:$0xa];
	[sflag:s8] =	ssyncadd.s32 $0xFFFF2000  }
0x112: {  	[hbm4b:s0+s2] =	stream.linear.scatter [tilespmem:s2], [sflag:$0x2], $0xE000, $0x38;
	[tilespmem:$0x1C000] =	vst v63  }
0x113: {  	_ =	swait.ge [sflag:s4], $0xE000  }
0x114: {  	[sflag:s4] =	ssyncset.done $0x0  }
0x115: {  	s0 =	rddreg [dreg:$0xb];
	[sflag:s4] =	ssyncadd.s32 $0xFFFF2000  }
0x116: {  	[tilespmem:s2], [sflag:$0x1] =	stream.linear.gather [hbm4b:s0+s2], $0xE000, $0x38;
	[tilespmem:$0x1C000] =	vst v63  }
0x117: {  	_ =	swait.ge [sflag:s8], $0xE000  }
0x118: {  	[sflag:s8] =	ssyncset.done $0x0  }
0x119: {  	s0 =	rddreg [dreg:$0xc];
	[sflag:s8] =	ssyncadd.s32 $0xFFFF2000  }
0x11a: {  	[hbm4b:s0+s2] =	stream.linear.scatter [tilespmem:s6], [sflag:$0x2], $0xE000, $0x38;
	[tilespmem:$0x1C000] =	vst v63  }
0x11b: {  	_ =	swait.ge [sflag:s4], $0xE000  }
0x11c: {  	[sflag:s4] =	ssyncset.done $0x0  }
0x11d: {  	s0 =	rddreg [dreg:$0xd];
	[sflag:s4] =	ssyncadd.s32 $0xFFFF2000  }
0x11e: {  	[tilespmem:s6], [sflag:$0x1] =	stream.linear.gather [hbm4b:s0+s2], $0xE000, $0x38;
	[tilespmem:$0x1C000] =	vst v63  }
0x11f: {  	_ =	swait.ge [sflag:s8], $0xE000  }
0x120: {  	[sflag:s8] =	ssyncset.done $0x0  }
0x121: {  	s0 =	rddreg [dreg:$0xe];
	[sflag:s8] =	ssyncadd.s32 $0xFFFF2000  }
0x122: {  	[hbm4b:s0+s2] =	stream.linear.scatter [tilespmem:s2], [sflag:$0x2], $0xE000, $0x38;
	[tilespmem:$0x1C000] =	vst v63  }
0x123: {  	_ =	swait.ge [sflag:s4], $0xE000  }
0x124: {  	[sflag:s4] =	ssyncset.done $0x0  }
0x125: {  	s0 =	rddreg [dreg:$0xf];
	[sflag:s4] =	ssyncadd.s32 $0xFFFF2000  }
0x126: {  	[tilespmem:s2], [sflag:$0x1] =	stream.linear.gather [hbm4b:s0+s2], $0xE000, $0x38;
	[tilespmem:$0x1C000] =	vst v63  }
0x127: {  	_ =	swait.ge [sflag:s8], $0xE000  }
0x128: {  	[sflag:s8] =	ssyncset.done $0x0  }
0x129: {  	s0 =	rddreg [dreg:$0x10];
	[sflag:s8] =	ssyncadd.s32 $0xFFFF2000  }
0x12a: {  	[hbm4b:s0+s2] =	stream.linear.scatter [tilespmem:s6], [sflag:$0x2], $0xE000, $0x38;
	[tilespmem:$0x1C000] =	vst v63  }
0x12b: {  	_ =	swait.ge [sflag:s4], $0xE000  }
0x12c: {  	[sflag:s4] =	ssyncset.done $0x0  }
0x12d: {  	s0 =	rddreg [dreg:$0x11];
	[sflag:s4] =	ssyncadd.s32 $0xFFFF2000  }
0x12e: {  	[tilespmem:s6], [sflag:$0x1] =	stream.linear.gather [hbm4b:s0+s2], $0xE000, $0x38;
	[tilespmem:$0x1C000] =	vst v63  }
0x12f: {  	_ =	swait.ge [sflag:s8], $0xE000  }
0x130: {  	[sflag:s8] =	ssyncset.done $0x0  }
0x131: {  	s0 =	rddreg [dreg:$0x12];
	[sflag:s8] =	ssyncadd.s32 $0xFFFF2000  }
0x132: {  	[hbm4b:s0+s2] =	stream.linear.scatter [tilespmem:s2], [sflag:$0x2], $0xE000, $0x38;
	[tilespmem:$0x1C000] =	vst v63  }
0x133: {  	_ =	swait.ge [sflag:s4], $0xE000  }
0x134: {  	[sflag:s4] =	ssyncset.done $0x0  }
0x135: {  	s0 =	rddreg [dreg:$0x13];
	[sflag:s4] =	ssyncadd.s32 $0xFFFF2000  }
0x136: {  	[tilespmem:s2], [sflag:$0x1] =	stream.linear.gather [hbm4b:s0+s2], $0xE000, $0x38;
	[tilespmem:$0x1C000] =	vst v63  }
0x137: {  	_ =	swait.ge [sflag:s8], $0xE000  }
0x138: {  	[sflag:s8] =	ssyncset.done $0x0  }
0x139: {  	s0 =	rddreg [dreg:$0x14];
	[sflag:s8] =	ssyncadd.s32 $0xFFFF2000  }
0x13a: {  	[hbm4b:s0+s2] =	stream.linear.scatter [tilespmem:s6], [sflag:$0x2], $0xE000, $0x38;
	[tilespmem:$0x1C000] =	vst v63  }
0x13b: {  	_ =	swait.ge [sflag:s4], $0xE000  }
0x13c: {  	[sflag:s4] =	ssyncset.done $0x0  }
0x13d: {  	s0 =	rddreg [dreg:$0x15];
	[sflag:s4] =	ssyncadd.s32 $0xFFFF2000  }
0x13e: {  	[tilespmem:s6], [sflag:$0x1] =	stream.linear.gather [hbm4b:s0+s2], $0xE000, $0x38;
	[tilespmem:$0x1C000] =	vst v63  }
0x13f: {  	_ =	swait.ge [sflag:s8], $0xE000  }
0x140: {  	[sflag:s8] =	ssyncset.done $0x0  }
0x141: {  	s0 =	rddreg [dreg:$0x16];
	[sflag:s8] =	ssyncadd.s32 $0xFFFF2000  }
0x142: {  	[hbm4b:s0+s2] =	stream.linear.scatter [tilespmem:s2], [sflag:$0x2], $0xE000, $0x38;
	[tilespmem:$0x1C000] =	vst v63  }
0x143: {  	_ =	swait.ge [sflag:s4], $0xE000  }
0x144: {  	[sflag:s4] =	ssyncset.done $0x0  }
0x145: {  	s0 =	rddreg [dreg:$0x17];
	[sflag:s4] =	ssyncadd.s32 $0xFFFF2000  }
0x146: {  	[tilespmem:s2], [sflag:$0x1] =	stream.linear.gather [hbm4b:s0+s2], $0xE000, $0x38;
	[tilespmem:$0x1C000] =	vst v63  }
0x147: {  	_ =	swait.ge [sflag:s8], $0xE000  }
0x148: {  	[sflag:s8] =	ssyncset.done $0x0  }
0x149: {  	s0 =	rddreg [dreg:$0x18];
	[sflag:s8] =	ssyncadd.s32 $0xFFFF2000  }
0x14a: {  	[hbm4b:s0+s2] =	stream.linear.scatter [tilespmem:s6], [sflag:$0x2], $0xE000, $0x38;
	[tilespmem:$0x1C000] =	vst v63  }
0x14b: {  	_ =	swait.ge [sflag:s4], $0xE000  }
0x14c: {  	[sflag:s4] =	ssyncset.done $0x0  }
0x14d: {  	s0 =	rddreg [dreg:$0x19];
	[sflag:s4] =	ssyncadd.s32 $0xFFFF2000  }
0x14e: {  	[tilespmem:s6], [sflag:$0x1] =	stream.linear.gather [hbm4b:s0+s2], $0xE000, $0x38;
	[tilespmem:$0x1C000] =	vst v63  }
0x14f: {  	_ =	swait.ge [sflag:s8], $0xE000  }
0x150: {  	[sflag:s8] =	ssyncset.done $0x0  }
0x151: {  	s0 =	rddreg [dreg:$0x1a];
	[sflag:s8] =	ssyncadd.s32 $0xFFFF2000  }
0x152: {  	[hbm4b:s0+s2] =	stream.linear.scatter [tilespmem:s2], [sflag:$0x2], $0xE000, $0x38;
	[tilespmem:$0x1C000] =	vst v63  }
0x153: {  	_ =	swait.ge [sflag:s4], $0xE000  }
0x154: {  	[sflag:s4] =	ssyncset.done $0x0  }
0x155: {  	[sflag:s4] =	ssyncadd.s32 $0xFFFF2000  }
0x156: {  	[tilespmem:s2], [sflag:$0x1] =	stream.linear.gather [hbm4b:s31+s2], $0xE000, $0x38;
	[tilespmem:$0x1C000] =	vst v63  }
0x157: {  	_ =	swait.ge [sflag:s8], $0xE000  }
0x158: {  	[sflag:s8] =	ssyncset.done $0x0  }
0x159: {  	[sflag:s8] =	ssyncadd.s32 $0xFFFF2000  }
0x15a: {  	[hbm4b:s30+s2] =	stream.linear.scatter [tilespmem:s6], [sflag:$0x2], $0xE000, $0x38;
	[tilespmem:$0x1C000] =	vst v63  }
0x15b: {  	_ =	swait.ge [sflag:s4], $0xE000  }
0x15c: {  	[sflag:s4] =	ssyncset.done $0x0  }
0x15d: {  	[sflag:s4] =	ssyncadd.s32 $0xFFFF2000  }
0x15e: {  	[tilespmem:s6], [sflag:$0x1] =	stream.linear.gather [hbm4b:s29+s2], $0xE000, $0x38;
	[tilespmem:$0x1C000] =	vst v63  }
0x15f: {  	_ =	swait.ge [sflag:s8], $0xE000  }
0x160: {  	[sflag:s8] =	ssyncset.done $0x0  }
0x161: {  	[sflag:s8] =	ssyncadd.s32 $0xFFFF2000  }
0x162: {  	[hbm4b:s28+s2] =	stream.linear.scatter [tilespmem:s2], [sflag:$0x2], $0xE000, $0x38;
	[tilespmem:$0x1C000] =	vst v63  }
0x163: {  	_ =	swait.ge [sflag:s4], $0xE000  }
0x164: {  	[sflag:s4] =	ssyncset.done $0x0  }
0x165: {  	[sflag:s4] =	ssyncadd.s32 $0xFFFF2000  }
0x166: {  	[tilespmem:s2], [sflag:$0x1] =	stream.linear.gather [hbm4b:s26+s2], $0xE000, $0x38;
	[tilespmem:$0x1C000] =	vst v63  }
0x167: {  	_ =	swait.ge [sflag:s8], $0xE000  }
0x168: {  	[sflag:s8] =	ssyncset.done $0x0  }
0x169: {  	[sflag:s8] =	ssyncadd.s32 $0xFFFF2000  }
0x16a: {  	[hbm4b:s25+s2] =	stream.linear.scatter [tilespmem:s6], [sflag:$0x2], $0xE000, $0x38;
	[tilespmem:$0x1C000] =	vst v63  }
0x16b: {  	_ =	swait.ge [sflag:s4], $0xE000  }
0x16c: {  	[sflag:s4] =	ssyncset.done $0x0  }
0x16d: {  	[sflag:s4] =	ssyncadd.s32 $0xFFFF2000  }
0x16e: {  	[tilespmem:s6], [sflag:$0x1] =	stream.linear.gather [hbm4b:s24+s2], $0xE000, $0x38;
	[tilespmem:$0x1C000] =	vst v63  }
0x16f: {  	_ =	swait.ge [sflag:s8], $0xE000  }
0x170: {  	[sflag:s8] =	ssyncset.done $0x0  }
0x171: {  	[sflag:s8] =	ssyncadd.s32 $0xFFFF2000  }
0x172: {  	[hbm4b:s23+s2] =	stream.linear.scatter [tilespmem:s2], [sflag:$0x2], $0xE000, $0x38;
	[tilespmem:$0x1C000] =	vst v63  }
0x173: {  	_ =	swait.ge [sflag:s4], $0xE000  }
0x174: {  	[sflag:s4] =	ssyncset.done $0x0  }
0x175: {  	[sflag:s4] =	ssyncadd.s32 $0xFFFF2000  }
0x176: {  	[tilespmem:s2], [sflag:$0x1] =	stream.linear.gather [hbm4b:s22+s2], $0xE000, $0x38;
	[tilespmem:$0x1C000] =	vst v63  }
0x177: {  	_ =	swait.ge [sflag:s8], $0xE000  }
0x178: {  	[sflag:s8] =	ssyncset.done $0x0  }
0x179: {  	[sflag:s8] =	ssyncadd.s32 $0xFFFF2000  }
0x17a: {  	[hbm4b:s21+s2] =	stream.linear.scatter [tilespmem:s6], [sflag:$0x2], $0xE000, $0x38;
	[tilespmem:$0x1C000] =	vst v63  }
0x17b: {  	_ =	swait.ge [sflag:s4], $0xE000  }
0x17c: {  	[sflag:s4] =	ssyncset.done $0x0  }
0x17d: {  	[sflag:s4] =	ssyncadd.s32 $0xFFFF2000  }
0x17e: {  	[tilespmem:s6], [sflag:$0x1] =	stream.linear.gather [hbm4b:s20+s2], $0xE000, $0x38;
	[tilespmem:$0x1C000] =	vst v63  }
0x17f: {  	_ =	swait.ge [sflag:s8], $0xE000  }
0x180: {  	[sflag:s8] =	ssyncset.done $0x0  }
0x181: {  	[sflag:s8] =	ssyncadd.s32 $0xFFFF2000  }
0x182: {  	[hbm4b:s19+s2] =	stream.linear.scatter [tilespmem:s2], [sflag:$0x2], $0xE000, $0x38;
	[tilespmem:$0x1C000] =	vst v63  }
0x183: {  	_ =	swait.ge [sflag:s4], $0xE000  }
0x184: {  	[sflag:s4] =	ssyncset.done $0x0  }
0x185: {  	[sflag:s4] =	ssyncadd.s32 $0xFFFF2000  }
0x186: {  	[tilespmem:s2], [sflag:$0x1] =	stream.linear.gather [hbm4b:s18+s2], $0xE000, $0x38;
	[tilespmem:$0x1C000] =	vst v63  }
0x187: {  	_ =	swait.ge [sflag:s8], $0xE000  }
0x188: {  	[sflag:s8] =	ssyncset.done $0x0  }
0x189: {  	[sflag:s8] =	ssyncadd.s32 $0xFFFF2000  }
0x18a: {  	[hbm4b:s17+s2] =	stream.linear.scatter [tilespmem:s6], [sflag:$0x2], $0xE000, $0x38;
	[tilespmem:$0x1C000] =	vst v63  }
0x18b: {  	_ =	swait.ge [sflag:s4], $0xE000  }
0x18c: {  	[sflag:s4] =	ssyncset.done $0x0  }
0x18d: {  	[sflag:s4] =	ssyncadd.s32 $0xFFFF2000  }
0x18e: {  	[tilespmem:s6], [sflag:$0x1] =	stream.linear.gather [hbm4b:s16+s2], $0xE000, $0x38;
	[tilespmem:$0x1C000] =	vst v63  }
0x18f: {  	_ =	swait.ge [sflag:s8], $0xE000  }
0x190: {  	[sflag:s8] =	ssyncset.done $0x0  }
0x191: {  	[sflag:s8] =	ssyncadd.s32 $0xFFFF2000  }
0x192: {  	[hbm4b:s15+s2] =	stream.linear.scatter [tilespmem:s2], [sflag:$0x2], $0xE000, $0x38;
	[tilespmem:$0x1C000] =	vst v63  }
0x193: {  	_ =	swait.ge [sflag:s4], $0xE000  }
0x194: {  	[sflag:s4] =	ssyncset.done $0x0  }
0x195: {  	[sflag:s4] =	ssyncadd.s32 $0xFFFF2000  }
0x196: {  	[tilespmem:s2], [sflag:$0x1] =	stream.linear.gather [hbm4b:s14+s2], $0xE000, $0x38;
	[tilespmem:$0x1C000] =	vst v63  }
0x197: {  	_ =	swait.ge [sflag:s8], $0xE000  }
0x198: {  	[sflag:s8] =	ssyncset.done $0x0  }
0x199: {  	[sflag:s8] =	ssyncadd.s32 $0xFFFF2000  }
0x19a: {  	[hbm4b:s12+s2] =	stream.linear.scatter [tilespmem:s6], [sflag:$0x2], $0xE000, $0x38;
	[tilespmem:$0x1C000] =	vst v63  }
0x19b: {  	_ =	swait.ge [sflag:s4], $0xE000  }
0x19c: {  	[sflag:s4] =	ssyncset.done $0x0  }
0x19d: {  	[sflag:s4] =	ssyncadd.s32 $0xFFFF2000  }
0x19e: {  	[tilespmem:s6], [sflag:$0x1] =	stream.linear.gather [hbm4b:s13+s2], $0xE000, $0x38;
	[tilespmem:$0x1C000] =	vst v63  }
0x19f: {  	_ =	swait.ge [sflag:s8], $0xE000  }
0x1a0: {  	[sflag:s8] =	ssyncset.done $0x0  }
0x1a1: {  	[sflag:s8] =	ssyncadd.s32 $0xFFFF2000  }
0x1a2: {  	[hbm4b:s11+s2] =	stream.linear.scatter [tilespmem:s2], [sflag:$0x2], $0xE000, $0x38;
	[tilespmem:$0x1C000] =	vst v63  }
0x1a3: {  	_ =	swait.ge [sflag:s4], $0xE000  }
0x1a4: {  	[sflag:s4] =	ssyncset.done $0x0  }
0x1a5: {  	[sflag:s4] =	ssyncadd.s32 $0xFFFF2000  }
0x1a6: {  	[tilespmem:s2], [sflag:$0x1] =	stream.linear.gather [hbm4b:s10+s2], $0xE000, $0x38;
	[tilespmem:$0x1C000] =	vst v63  }
0x1a7: {  	_ =	swait.ge [sflag:s8], $0xE000  }
0x1a8: {  	[sflag:s8] =	ssyncset.done $0x0  }
0x1a9: {  	[sflag:s8] =	ssyncadd.s32 $0xFFFF2000  }
0x1aa: {  	[hbm4b:s9+s2] =	stream.linear.scatter [tilespmem:s6], [sflag:$0x2], $0xE000, $0x38;
	[tilespmem:$0x1C000] =	vst v63  }
0x1ab: {  	_ =	swait.ge [sflag:s4], $0xE000  }
0x1ac: {  	[sflag:s4] =	ssyncset.done $0x0  }
0x1ad: {  	[sflag:s4] =	ssyncadd.s32 $0xFFFF2000  }
0x1ae: {  	[tilespmem:s6], [sflag:$0x1] =	stream.linear.gather [hbm4b:s7+s2], $0xE000, $0x38;
	[tilespmem:$0x1C000] =	vst v63  }
0x1af: {  	_ =	swait.ge [sflag:s8], $0xE000  }
0x1b0: {  	[sflag:s8] =	ssyncset.done $0x0  }
0x1b1: {  	[sflag:s8] =	ssyncadd.s32 $0xFFFF2000  }
0x1b2: {  	[hbm4b:s5+s2] =	stream.linear.scatter [tilespmem:s2], [sflag:$0x2], $0xE000, $0x38;
	[tilespmem:$0x1C000] =	vst v63  }
0x1b3: {  	_ =	swait.ge [sflag:s8], $0xE000  }
0x1b4: {  	[sflag:s8] =	ssyncset.done $0x0  }
0x1b5: {  	p1 =	sne.s32 s1, $0x1;
	[sflag:s8] =	ssyncadd.s32 $0xFFFF2000  }
0x1b6: {  	[hbm4b:s3+s2] =	stream.linear.scatter [tilespmem:s6], [sflag:$0x2], $0xE000, $0x38;
	[tilespmem:$0x1C000] =	vst v63  }
.Ltmp2:
0x1b7: {  	_ =	swait.ge [sflag:s4], $0xE000;
	(pc) =	sbr.rel @p1 .LBB2_2-.Ltmp2, $4  }
0x1b8: {  	[sflag:s4] =	ssyncset.done $0x0  }
0x1b9: {  	[sflag:s4] =	ssyncadd.s32 $0xFFFF2000  }
0x1ba: {  	_ =	swait.ge [sflag:s4], $0xE000  }
0x1bb: {  	s1 =	sadd.s32 $0xFFFFFFFF, s1;
	s0 =	rddreg [dreg:$0x4];
	[sflag:s4] =	ssyncset.done $0x0  }
.LBB2_3:
0x1bc: {  	[sflag:s4] =	ssyncadd.s32 @p0 $0xFFFF2000  }
0x1bd: {  	[tilespmem:s2], [sflag:$0x1] =	stream.linear.gather [hbm4b:s0+s2], $0xE000, $0x38;
	[tilespmem:$0x1C000] =	vst v63  }
0x1be: {  	s1 =	rddreg [dreg:$0x5]  }
0x1bf: {  	[tilespmem:s6], [sflag:$0x1] =	stream.linear.gather [hbm4b:s1+s2], $0xE000, $0x38;
	[tilespmem:$0x1C000] =	vst v63  }
0x1c0: {  	_ =	swait.ge [sflag:s8], $0xE000  }
0x1c1: {  	[sflag:s8] =	ssyncset.done $0x0  }
0x1c2: {  	s1 =	rddreg [dreg:$0x6];
	[sflag:s8] =	ssyncadd.s32 $0xFFFF2000  }
0x1c3: {  	[hbm4b:s1+s2] =	stream.linear.scatter [tilespmem:s2], [sflag:$0x2], $0xE000, $0x38;
	[tilespmem:$0x1C000] =	vst v63  }
0x1c4: {  	_ =	swait.ge [sflag:s4], $0xE000  }
0x1c5: {  	[sflag:s4] =	ssyncset.done $0x0  }
0x1c6: {  	s1 =	rddreg [dreg:$0x7];
	[sflag:s4] =	ssyncadd.s32 $0xFFFF2000  }
0x1c7: {  	[tilespmem:s2], [sflag:$0x1] =	stream.linear.gather [hbm4b:s1+s2], $0xE000, $0x38;
	[tilespmem:$0x1C000] =	vst v63  }
0x1c8: {  	_ =	swait.ge [sflag:s8], $0xE000  }
0x1c9: {  	[sflag:s8] =	ssyncset.done $0x0  }
0x1ca: {  	s1 =	rddreg [dreg:$0x8];
	[sflag:s8] =	ssyncadd.s32 $0xFFFF2000  }
0x1cb: {  	[hbm4b:s1+s2] =	stream.linear.scatter [tilespmem:s6], [sflag:$0x2], $0xE000, $0x38;
	[tilespmem:$0x1C000] =	vst v63  }
0x1cc: {  	_ =	swait.ge [sflag:s4], $0xE000  }
0x1cd: {  	[sflag:s4] =	ssyncset.done $0x0  }
0x1ce: {  	s1 =	rddreg [dreg:$0x9];
	[sflag:s4] =	ssyncadd.s32 $0xFFFF2000  }
0x1cf: {  	[tilespmem:s6], [sflag:$0x1] =	stream.linear.gather [hbm4b:s1+s2], $0xE000, $0x38;
	[tilespmem:$0x1C000] =	vst v63  }
0x1d0: {  	_ =	swait.ge [sflag:s8], $0xE000  }
0x1d1: {  	[sflag:s8] =	ssyncset.done $0x0  }
0x1d2: {  	s1 =	rddreg [dreg:$0xa];
	[sflag:s8] =	ssyncadd.s32 $0xFFFF2000  }
0x1d3: {  	[hbm4b:s1+s2] =	stream.linear.scatter [tilespmem:s2], [sflag:$0x2], $0xE000, $0x38;
	[tilespmem:$0x1C000] =	vst v63  }
0x1d4: {  	_ =	swait.ge [sflag:s4], $0xE000  }
0x1d5: {  	[sflag:s4] =	ssyncset.done $0x0  }
0x1d6: {  	s1 =	rddreg [dreg:$0xb];
	[sflag:s4] =	ssyncadd.s32 $0xFFFF2000  }
0x1d7: {  	[tilespmem:s2], [sflag:$0x1] =	stream.linear.gather [hbm4b:s1+s2], $0xE000, $0x38;
	[tilespmem:$0x1C000] =	vst v63  }
0x1d8: {  	_ =	swait.ge [sflag:s8], $0xE000  }
0x1d9: {  	[sflag:s8] =	ssyncset.done $0x0  }
0x1da: {  	s1 =	rddreg [dreg:$0xc];
	[sflag:s8] =	ssyncadd.s32 $0xFFFF2000  }
0x1db: {  	[hbm4b:s1+s2] =	stream.linear.scatter [tilespmem:s6], [sflag:$0x2], $0xE000, $0x38;
	[tilespmem:$0x1C000] =	vst v63  }
0x1dc: {  	_ =	swait.ge [sflag:s4], $0xE000  }
0x1dd: {  	[sflag:s4] =	ssyncset.done $0x0  }
0x1de: {  	s1 =	rddreg [dreg:$0xd];
	[sflag:s4] =	ssyncadd.s32 $0xFFFF2000  }
0x1df: {  	[tilespmem:s6], [sflag:$0x1] =	stream.linear.gather [hbm4b:s1+s2], $0xE000, $0x38;
	[tilespmem:$0x1C000] =	vst v63  }
0x1e0: {  	_ =	swait.ge [sflag:s8], $0xE000  }
0x1e1: {  	[sflag:s8] =	ssyncset.done $0x0  }
0x1e2: {  	s1 =	rddreg [dreg:$0xe];
	[sflag:s8] =	ssyncadd.s32 $0xFFFF2000  }
0x1e3: {  	[hbm4b:s1+s2] =	stream.linear.scatter [tilespmem:s2], [sflag:$0x2], $0xE000, $0x38;
	[tilespmem:$0x1C000] =	vst v63  }
0x1e4: {  	_ =	swait.ge [sflag:s4], $0xE000  }
0x1e5: {  	[sflag:s4] =	ssyncset.done $0x0  }
0x1e6: {  	s1 =	rddreg [dreg:$0xf];
	[sflag:s4] =	ssyncadd.s32 $0xFFFF2000  }
0x1e7: {  	[tilespmem:s2], [sflag:$0x1] =	stream.linear.gather [hbm4b:s1+s2], $0xE000, $0x38;
	[tilespmem:$0x1C000] =	vst v63  }
0x1e8: {  	_ =	swait.ge [sflag:s8], $0xE000  }
0x1e9: {  	[sflag:s8] =	ssyncset.done $0x0  }
0x1ea: {  	s1 =	rddreg [dreg:$0x10];
	[sflag:s8] =	ssyncadd.s32 $0xFFFF2000  }
0x1eb: {  	[hbm4b:s1+s2] =	stream.linear.scatter [tilespmem:s6], [sflag:$0x2], $0xE000, $0x38;
	[tilespmem:$0x1C000] =	vst v63  }
0x1ec: {  	_ =	swait.ge [sflag:s4], $0xE000  }
0x1ed: {  	[sflag:s4] =	ssyncset.done $0x0  }
0x1ee: {  	s1 =	rddreg [dreg:$0x11];
	[sflag:s4] =	ssyncadd.s32 $0xFFFF2000  }
0x1ef: {  	[tilespmem:s6], [sflag:$0x1] =	stream.linear.gather [hbm4b:s1+s2], $0xE000, $0x38;
	[tilespmem:$0x1C000] =	vst v63  }
0x1f0: {  	_ =	swait.ge [sflag:s8], $0xE000  }
0x1f1: {  	[sflag:s8] =	ssyncset.done $0x0  }
0x1f2: {  	s1 =	rddreg [dreg:$0x12];
	[sflag:s8] =	ssyncadd.s32 $0xFFFF2000  }
0x1f3: {  	[hbm4b:s1+s2] =	stream.linear.scatter [tilespmem:s2], [sflag:$0x2], $0xE000, $0x38;
	[tilespmem:$0x1C000] =	vst v63  }
0x1f4: {  	_ =	swait.ge [sflag:s4], $0xE000  }
0x1f5: {  	[sflag:s4] =	ssyncset.done $0x0  }
0x1f6: {  	s1 =	rddreg [dreg:$0x13];
	[sflag:s4] =	ssyncadd.s32 $0xFFFF2000  }
0x1f7: {  	[tilespmem:s2], [sflag:$0x1] =	stream.linear.gather [hbm4b:s1+s2], $0xE000, $0x38;
	[tilespmem:$0x1C000] =	vst v63  }
0x1f8: {  	_ =	swait.ge [sflag:s8], $0xE000  }
0x1f9: {  	[sflag:s8] =	ssyncset.done $0x0  }
0x1fa: {  	s1 =	rddreg [dreg:$0x14];
	[sflag:s8] =	ssyncadd.s32 $0xFFFF2000  }
0x1fb: {  	[hbm4b:s1+s2] =	stream.linear.scatter [tilespmem:s6], [sflag:$0x2], $0xE000, $0x38;
	[tilespmem:$0x1C000] =	vst v63  }
0x1fc: {  	_ =	swait.ge [sflag:s4], $0xE000  }
0x1fd: {  	[sflag:s4] =	ssyncset.done $0x0  }
0x1fe: {  	s1 =	rddreg [dreg:$0x15];
	[sflag:s4] =	ssyncadd.s32 $0xFFFF2000  }
0x1ff: {  	[tilespmem:s6], [sflag:$0x1] =	stream.linear.gather [hbm4b:s1+s2], $0xE000, $0x38;
	[tilespmem:$0x1C000] =	vst v63  }
0x200: {  	_ =	swait.ge [sflag:s8], $0xE000  }
0x201: {  	[sflag:s8] =	ssyncset.done $0x0  }
0x202: {  	s1 =	rddreg [dreg:$0x16];
	[sflag:s8] =	ssyncadd.s32 $0xFFFF2000  }
0x203: {  	[hbm4b:s1+s2] =	stream.linear.scatter [tilespmem:s2], [sflag:$0x2], $0xE000, $0x38;
	[tilespmem:$0x1C000] =	vst v63  }
0x204: {  	_ =	swait.ge [sflag:s4], $0xE000  }
0x205: {  	[sflag:s4] =	ssyncset.done $0x0  }
0x206: {  	s1 =	rddreg [dreg:$0x17];
	[sflag:s4] =	ssyncadd.s32 $0xFFFF2000  }
0x207: {  	[tilespmem:s2], [sflag:$0x1] =	stream.linear.gather [hbm4b:s1+s2], $0xE000, $0x38;
	[tilespmem:$0x1C000] =	vst v63  }
0x208: {  	_ =	swait.ge [sflag:s8], $0xE000  }
0x209: {  	[sflag:s8] =	ssyncset.done $0x0  }
0x20a: {  	s1 =	rddreg [dreg:$0x18];
	[sflag:s8] =	ssyncadd.s32 $0xFFFF2000  }
0x20b: {  	[hbm4b:s1+s2] =	stream.linear.scatter [tilespmem:s6], [sflag:$0x2], $0xE000, $0x38;
	[tilespmem:$0x1C000] =	vst v63  }
0x20c: {  	_ =	swait.ge [sflag:s4], $0xE000  }
0x20d: {  	[sflag:s4] =	ssyncset.done $0x0  }
0x20e: {  	s1 =	rddreg [dreg:$0x19];
	[sflag:s4] =	ssyncadd.s32 $0xFFFF2000  }
0x20f: {  	[tilespmem:s6], [sflag:$0x1] =	stream.linear.gather [hbm4b:s1+s2], $0xE000, $0x38;
	[tilespmem:$0x1C000] =	vst v63  }
0x210: {  	_ =	swait.ge [sflag:s8], $0xE000  }
0x211: {  	[sflag:s8] =	ssyncset.done $0x0  }
0x212: {  	s1 =	rddreg [dreg:$0x1a];
	[sflag:s8] =	ssyncadd.s32 $0xFFFF2000  }
0x213: {  	[hbm4b:s1+s2] =	stream.linear.scatter [tilespmem:s2], [sflag:$0x2], $0xE000, $0x38;
	[tilespmem:$0x1C000] =	vst v63  }
0x214: {  	_ =	swait.ge [sflag:s4], $0xE000  }
0x215: {  	[sflag:s4] =	ssyncset.done $0x0  }
0x216: {  	[sflag:s4] =	ssyncadd.s32 $0xFFFF2000  }
0x217: {  	[tilespmem:s2], [sflag:$0x1] =	stream.linear.gather [hbm4b:s31+s2], $0xE000, $0x38;
	[tilespmem:$0x1C000] =	vst v63  }
0x218: {  	_ =	swait.ge [sflag:s8], $0xE000  }
0x219: {  	[sflag:s8] =	ssyncset.done $0x0  }
0x21a: {  	[sflag:s8] =	ssyncadd.s32 $0xFFFF2000  }
0x21b: {  	[hbm4b:s30+s2] =	stream.linear.scatter [tilespmem:s6], [sflag:$0x2], $0xE000, $0x38;
	[tilespmem:$0x1C000] =	vst v63  }
0x21c: {  	_ =	swait.ge [sflag:s4], $0xE000  }
0x21d: {  	[sflag:s4] =	ssyncset.done $0x0  }
0x21e: {  	[sflag:s4] =	ssyncadd.s32 $0xFFFF2000  }
0x21f: {  	[tilespmem:s6], [sflag:$0x1] =	stream.linear.gather [hbm4b:s29+s2], $0xE000, $0x38;
	[tilespmem:$0x1C000] =	vst v63  }
0x220: {  	_ =	swait.ge [sflag:s8], $0xE000  }
0x221: {  	[sflag:s8] =	ssyncset.done $0x0  }
0x222: {  	[sflag:s8] =	ssyncadd.s32 $0xFFFF2000  }
0x223: {  	[hbm4b:s28+s2] =	stream.linear.scatter [tilespmem:s2], [sflag:$0x2], $0xE000, $0x38;
	[tilespmem:$0x1C000] =	vst v63  }
0x224: {  	_ =	swait.ge [sflag:s4], $0xE000  }
0x225: {  	[sflag:s4] =	ssyncset.done $0x0  }
0x226: {  	[sflag:s4] =	ssyncadd.s32 $0xFFFF2000  }
0x227: {  	[tilespmem:s2], [sflag:$0x1] =	stream.linear.gather [hbm4b:s26+s2], $0xE000, $0x38;
	[tilespmem:$0x1C000] =	vst v63  }
0x228: {  	_ =	swait.ge [sflag:s8], $0xE000  }
0x229: {  	[sflag:s8] =	ssyncset.done $0x0  }
0x22a: {  	[sflag:s8] =	ssyncadd.s32 $0xFFFF2000  }
0x22b: {  	[hbm4b:s25+s2] =	stream.linear.scatter [tilespmem:s6], [sflag:$0x2], $0xE000, $0x38;
	[tilespmem:$0x1C000] =	vst v63  }
0x22c: {  	_ =	swait.ge [sflag:s4], $0xE000  }
0x22d: {  	[sflag:s4] =	ssyncset.done $0x0  }
0x22e: {  	[sflag:s4] =	ssyncadd.s32 $0xFFFF2000  }
0x22f: {  	[tilespmem:s6], [sflag:$0x1] =	stream.linear.gather [hbm4b:s24+s2], $0xE000, $0x38;
	[tilespmem:$0x1C000] =	vst v63  }
0x230: {  	_ =	swait.ge [sflag:s8], $0xE000  }
0x231: {  	[sflag:s8] =	ssyncset.done $0x0  }
0x232: {  	[sflag:s8] =	ssyncadd.s32 $0xFFFF2000  }
0x233: {  	[hbm4b:s23+s2] =	stream.linear.scatter [tilespmem:s2], [sflag:$0x2], $0xE000, $0x38;
	[tilespmem:$0x1C000] =	vst v63  }
0x234: {  	_ =	swait.ge [sflag:s4], $0xE000  }
0x235: {  	[sflag:s4] =	ssyncset.done $0x0  }
0x236: {  	[sflag:s4] =	ssyncadd.s32 $0xFFFF2000  }
0x237: {  	[tilespmem:s2], [sflag:$0x1] =	stream.linear.gather [hbm4b:s22+s2], $0xE000, $0x38;
	[tilespmem:$0x1C000] =	vst v63  }
0x238: {  	_ =	swait.ge [sflag:s8], $0xE000  }
0x239: {  	[sflag:s8] =	ssyncset.done $0x0  }
0x23a: {  	[sflag:s8] =	ssyncadd.s32 $0xFFFF2000  }
0x23b: {  	[hbm4b:s21+s2] =	stream.linear.scatter [tilespmem:s6], [sflag:$0x2], $0xE000, $0x38;
	[tilespmem:$0x1C000] =	vst v63  }
0x23c: {  	_ =	swait.ge [sflag:s4], $0xE000  }
0x23d: {  	[sflag:s4] =	ssyncset.done $0x0  }
0x23e: {  	[sflag:s4] =	ssyncadd.s32 $0xFFFF2000  }
0x23f: {  	[tilespmem:s6], [sflag:$0x1] =	stream.linear.gather [hbm4b:s20+s2], $0xE000, $0x38;
	[tilespmem:$0x1C000] =	vst v63  }
0x240: {  	_ =	swait.ge [sflag:s8], $0xE000  }
0x241: {  	[sflag:s8] =	ssyncset.done $0x0  }
0x242: {  	[sflag:s8] =	ssyncadd.s32 $0xFFFF2000  }
0x243: {  	[hbm4b:s19+s2] =	stream.linear.scatter [tilespmem:s2], [sflag:$0x2], $0xE000, $0x38;
	[tilespmem:$0x1C000] =	vst v63  }
0x244: {  	_ =	swait.ge [sflag:s4], $0xE000  }
0x245: {  	[sflag:s4] =	ssyncset.done $0x0  }
0x246: {  	[sflag:s4] =	ssyncadd.s32 $0xFFFF2000  }
0x247: {  	[tilespmem:s2], [sflag:$0x1] =	stream.linear.gather [hbm4b:s18+s2], $0xE000, $0x38;
	[tilespmem:$0x1C000] =	vst v63  }
0x248: {  	_ =	swait.ge [sflag:s8], $0xE000  }
0x249: {  	[sflag:s8] =	ssyncset.done $0x0  }
0x24a: {  	[sflag:s8] =	ssyncadd.s32 $0xFFFF2000  }
0x24b: {  	[hbm4b:s17+s2] =	stream.linear.scatter [tilespmem:s6], [sflag:$0x2], $0xE000, $0x38;
	[tilespmem:$0x1C000] =	vst v63  }
0x24c: {  	_ =	swait.ge [sflag:s4], $0xE000  }
0x24d: {  	[sflag:s4] =	ssyncset.done $0x0  }
0x24e: {  	[sflag:s4] =	ssyncadd.s32 $0xFFFF2000  }
0x24f: {  	[tilespmem:s6], [sflag:$0x1] =	stream.linear.gather [hbm4b:s16+s2], $0xE000, $0x38;
	[tilespmem:$0x1C000] =	vst v63  }
0x250: {  	_ =	swait.ge [sflag:s8], $0xE000  }
0x251: {  	[sflag:s8] =	ssyncset.done $0x0  }
0x252: {  	[sflag:s8] =	ssyncadd.s32 $0xFFFF2000  }
0x253: {  	[hbm4b:s15+s2] =	stream.linear.scatter [tilespmem:s2], [sflag:$0x2], $0xE000, $0x38;
	[tilespmem:$0x1C000] =	vst v63  }
0x254: {  	_ =	swait.ge [sflag:s4], $0xE000  }
0x255: {  	[sflag:s4] =	ssyncset.done $0x0  }
0x256: {  	[sflag:s4] =	ssyncadd.s32 $0xFFFF2000  }
0x257: {  	[tilespmem:s2], [sflag:$0x1] =	stream.linear.gather [hbm4b:s14+s2], $0xE000, $0x38;
	[tilespmem:$0x1C000] =	vst v63  }
0x258: {  	_ =	swait.ge [sflag:s8], $0xE000  }
0x259: {  	[sflag:s8] =	ssyncset.done $0x0  }
0x25a: {  	[sflag:s8] =	ssyncadd.s32 $0xFFFF2000  }
0x25b: {  	[hbm4b:s12+s2] =	stream.linear.scatter [tilespmem:s6], [sflag:$0x2], $0xE000, $0x38;
	[tilespmem:$0x1C000] =	vst v63  }
0x25c: {  	_ =	swait.ge [sflag:s4], $0xE000  }
0x25d: {  	[sflag:s4] =	ssyncset.done $0x0  }
0x25e: {  	[sflag:s4] =	ssyncadd.s32 $0xFFFF2000  }
0x25f: {  	[tilespmem:s6], [sflag:$0x1] =	stream.linear.gather [hbm4b:s13+s2], $0xE000, $0x38;
	[tilespmem:$0x1C000] =	vst v63  }
0x260: {  	_ =	swait.ge [sflag:s8], $0xE000  }
0x261: {  	[sflag:s8] =	ssyncset.done $0x0  }
0x262: {  	[sflag:s8] =	ssyncadd.s32 $0xFFFF2000  }
0x263: {  	[hbm4b:s11+s2] =	stream.linear.scatter [tilespmem:s2], [sflag:$0x2], $0xE000, $0x38;
	[tilespmem:$0x1C000] =	vst v63  }
0x264: {  	_ =	swait.ge [sflag:s4], $0xE000  }
0x265: {  	[sflag:s4] =	ssyncset.done $0x0  }
0x266: {  	[sflag:s4] =	ssyncadd.s32 $0xFFFF2000  }
0x267: {  	[tilespmem:s2], [sflag:$0x1] =	stream.linear.gather [hbm4b:s10+s2], $0xE000, $0x38;
	[tilespmem:$0x1C000] =	vst v63  }
0x268: {  	_ =	swait.ge [sflag:s8], $0xE000  }
0x269: {  	[sflag:s8] =	ssyncset.done $0x0  }
0x26a: {  	[sflag:s8] =	ssyncadd.s32 $0xFFFF2000  }
0x26b: {  	[hbm4b:s9+s2] =	stream.linear.scatter [tilespmem:s6], [sflag:$0x2], $0xE000, $0x38;
	[tilespmem:$0x1C000] =	vst v63  }
0x26c: {  	_ =	swait.ge [sflag:s4], $0xE000  }
0x26d: {  	[sflag:s4] =	ssyncset.done $0x0  }
0x26e: {  	[sflag:s4] =	ssyncadd.s32 $0xFFFF2000  }
0x26f: {  	[tilespmem:s6], [sflag:$0x1] =	stream.linear.gather [hbm4b:s7+s2], $0xE000, $0x38;
	[tilespmem:$0x1C000] =	vst v63  }
0x270: {  	_ =	swait.ge [sflag:s8], $0xE000  }
0x271: {  	[sflag:s8] =	ssyncset.done $0x0  }
0x272: {  	[sflag:s8] =	ssyncadd.s32 $0xFFFF2000  }
0x273: {  	[hbm4b:s5+s2] =	stream.linear.scatter [tilespmem:s2], [sflag:$0x2], $0xE000, $0x38;
	[tilespmem:$0x1C000] =	vst v63  }
0x274: {  	_ =	swait.ge [sflag:s8], $0xE000  }
0x275: {  	[sflag:s8] =	ssyncset.done $0x0  }
0x276: {  	[sflag:s8] =	ssyncadd.s32 $0xFFFF2000  }
0x277: {  	[hbm4b:s3+s2] =	stream.linear.scatter [tilespmem:s6], [sflag:$0x2], $0xE000, $0x38;
	[tilespmem:$0x1C000] =	vst v63  }
0x278: {  	_ =	swait.ge [sflag:s4], $0xE000  }
0x279: {  	[sflag:s4] =	ssyncset.done $0x0  }
0x27a: {  	[sflag:s4] =	ssyncadd.s32 $0xFFFF2000  }
0x27b: {  	_ =	swait.ge [sflag:s4], $0xE000  }
0x27c: {  	[sflag:s4] =	ssyncset.done $0x0  }
0x27d: {  	[sflag:s4] =	ssyncadd.s32 $0xFFFF2000  }
0x27e: {  	_ =	sfence.sel $0x180000  }
0x27f: {  	[bflag:$0x0] =	sbarrier.arrive $0xFFFF  }
0x280: {  	_ =	strace $0x90000047  }
0x281: {  	s31 =	stileid.u32;
	[bflag:$0x2] =	sbarrier.arrive $0xFFFF  }
0x282: {  	p0 =	sne.s32 s31, $0x0;
	s0 =	rddreg [dreg:$0x3]  }
0x283: {  	s0 =	sadd.s32 @!p0 $0x100000, s0  }
0x284: {  	[sflag:s0] =	ssyncadd.tile.s32 @!p0 $0x1;
	_ =	shalt  }
.Lfunc_end2:
_tile_overlayer_lowered:
.L_overlay_start_2:
0x285: {  	(tag) =	ssettag $0x2  }
0x286: {  	s0 =	rddreg [dreg:$0x0];
	s2 =	stileid.u32  }
0x287: {  	s1 =	rddreg [dreg:$0x1];
	p0 =	sne.s32 s2, $0x0  }
0x288: {  	s3 =	rddreg [dreg:$0x2];
	[bflag:$0x3] =	sbarrier.arrive $0xFFFF;
	s2 =	simm.s32 @!p0 $0x1C03  }
0x289: {  	[timem:s3], [sflag:s2] =	dma.local @!p0 [hbm:s0], s1  }
0x28a: {  	s0 =	simm.s32 @!p0 $0x3  }
0x28b: {  	_ =	swait.ge @!p0 [sflag:s0], s1  }
0x28c: {  	s1 =	ssub.s32 @!p0 $0x0, s1;
	[sflag:s0] =	ssyncset.done @!p0 $0x0  }
0x28d: {  	[sflag:s0] =	ssyncadd.s32 @!p0 s1  }
0x28e: {  	[bflag:$0x3] =	sbarrier.arrive $0xFFFF  }
0x28f: {  	_ =	shalt  }

</sc_bundles>
